<compile_context>
chip_gen: v7x
topology: tpu7x:2x2x1
jax: 0.10.2.dev20260603
libtpu: 0.0.44.dev20260713+nightly
codegen_flags: <defaults>
</compile_context>

<pallas_src>
import functools

import jax
import jax.numpy as jnp
from jax.experimental import pallas as pl

_N = 10000
_E = 160000
_HEADS = 4
_HID = 128
_NG = 20

_N_PAD = 10240
_CH = 1024
_NCH = _N_PAD // _CH
_BE = 512


def _mm_body(x_ref, w_ref, o_ref):
    o_ref[...] = jnp.dot(x_ref[...], w_ref[...],
                         preferred_element_type=jnp.float32)


def _matmul(x, w, bm):
    m, k = x.shape
    n = w.shape[1]
    grid = (m // bm,)
    return pl.pallas_call(
        _mm_body,
        grid=grid,
        in_specs=[
            pl.BlockSpec((bm, k), lambda i: (i, 0)),
            pl.BlockSpec((k, n), lambda i: (0, 0)),
        ],
        out_specs=pl.BlockSpec((bm, n), lambda i: (i, 0)),
        out_shape=jax.ShapeDtypeStruct((m, n), jnp.float32),
    )(x, w)


def _msg_body(heads, si_ref, di_ref, al_ref, h_ref, out_ref, ss_ref):
    j = pl.program_id(0)

    @pl.when(j == 0)
    def _init():
        out_ref[...] = jnp.zeros_like(out_ref)
        ss_ref[...] = jnp.zeros_like(ss_ref)

    si = si_ref[...]
    di = di_ref[...]
    al = al_ref[...]

    f = heads * _HID
    acc = jnp.zeros((_BE, f), jnp.float32)
    for k in range(_NCH):
        ids = k * _CH + jax.lax.broadcasted_iota(jnp.int32, (_BE, _CH), 1)
        oh = (si == ids).astype(jnp.bfloat16)
        acc = acc + jnp.dot(oh, h_ref[pl.ds(k * _CH, _CH), :],
                            preferred_element_type=jnp.float32)
    if heads == 1:
        w = acc * al
    else:
        w = jnp.concatenate(
            [acc[:, g * _HID:(g + 1) * _HID] * al[:, g:g + 1]
             for g in range(heads)], axis=1)
    wb = w.astype(jnp.bfloat16)
    alb = al.astype(jnp.bfloat16)
    for k in range(_NCH):
        rids = k * _CH + jax.lax.broadcasted_iota(jnp.int32, (_CH, _BE), 0)
        ohT = (rids == di).astype(jnp.bfloat16)
        out_ref[pl.ds(k * _CH, _CH), :] += jnp.dot(
            ohT, wb, preferred_element_type=jnp.float32)
        ss_ref[pl.ds(k * _CH, _CH), :] += jnp.dot(
            ohT, alb, preferred_element_type=jnp.float32)


def _message_pass(si_col, di_row, alpha, h_pad, heads):
    e_pad = si_col.shape[0]
    nj = e_pad // _BE
    f = heads * _HID
    return pl.pallas_call(
        functools.partial(_msg_body, heads),
        grid=(nj,),
        in_specs=[
            pl.BlockSpec((_BE, 1), lambda j: (j, 0)),
            pl.BlockSpec((1, _BE), lambda j: (0, j)),
            pl.BlockSpec((_BE, heads), lambda j: (j, 0)),
            pl.BlockSpec((_N_PAD, f), lambda j: (0, 0)),
        ],
        out_specs=[
            pl.BlockSpec((_N_PAD, f), lambda j: (0, 0)),
            pl.BlockSpec((_N_PAD, heads), lambda j: (0, 0)),
        ],
        out_shape=[
            jax.ShapeDtypeStruct((_N_PAD, f), jnp.float32),
            jax.ShapeDtypeStruct((_N_PAD, heads), jnp.float32),
        ],
    )(si_col, di_row, alpha, h_pad)


def _edge_ex(h, a_src, a_dst, si, di, heads):
    n = h.shape[0]
    hh = h.reshape(n, heads, _HID)
    a_s = jnp.sum(hh * a_src[None], axis=-1)
    a_d = jnp.sum(hh * a_dst[None], axis=-1)
    e = jax.nn.leaky_relu(a_s[si] + a_d[di], negative_slope=0.2)
    return jnp.exp(e - jnp.max(e))


def _gat_layer(h_in_pad, si, di, si_col, di_row, e_pad, W, a_src, a_dst, b,
               heads):
    hm = _matmul(h_in_pad, W, 1024)
    ex = _edge_ex(hm[:_N], a_src, a_dst, si, di, heads)
    ex_pad = jnp.zeros((e_pad, heads), jnp.float32).at[:si.shape[0]].set(ex)
    num, ss = _message_pass(si_col, di_row, ex_pad, hm.astype(jnp.bfloat16),
                            heads)
    num = num[:_N].reshape(_N, heads, _HID)
    out = (num / (ss[:_N, :, None] + 1e-16)).reshape(_N, heads * _HID)
    out = jax.nn.relu(out + b)
    return jnp.zeros((_N_PAD, heads * _HID), jnp.float32).at[:_N].set(out)


def kernel(x, edge_index, batch, W1, a1_src, a1_dst, b1, W2, a2_src, a2_dst,
           b2, Wc, bc, Wf1, bf1, Wf2, bf2):
    src, dst = edge_index[0], edge_index[1]
    loops = jnp.arange(_N, dtype=edge_index.dtype)
    si = jnp.concatenate([src, loops])
    di = jnp.concatenate([dst, loops])
    e_tot = _E + _N
    e_pad = ((e_tot + _BE - 1) // _BE) * _BE
    fill = jnp.full((e_pad - e_tot,), _N_PAD - 1, jnp.int32)
    si_col = jnp.concatenate([si, fill]).reshape(e_pad, 1)
    di_row = jnp.concatenate([di, fill]).reshape(1, e_pad)

    x_pad = jnp.zeros((_N_PAD, x.shape[1]), jnp.float32).at[:_N].set(x)

    h1 = _gat_layer(x_pad, si, di, si_col, di_row, e_pad,
                    W1, a1_src, a1_dst, b1, _HEADS)
    h2 = _gat_layer(h1, si, di, si_col, di_row, e_pad,
                    W2, a2_src, a2_dst, b2, 1)
    h = h2[:_N]

    clf = jax.nn.softmax(h @ Wc + bc, axis=1)

    bs, bd = batch[src], batch[dst]
    valid = (bs == bd).astype(jnp.float32)
    cs = clf[src] * valid[:, None]
    cd = clf[dst]
    contrib = (cs[:, :, None] * cd[:, None, :]).reshape(_E, 4)
    agg = jax.ops.segment_sum(contrib, bs, num_segments=_NG).reshape(_NG, 2, 2)
    rows = jnp.maximum(jnp.sum(jnp.abs(agg), axis=2, keepdims=True), 1e-5)
    norm = agg / rows
    diag = jnp.stack([norm[:, 0, 0], norm[:, 1, 1]], axis=1)
    loss = jnp.mean(jnp.mean((diag - 1.0) ** 2, axis=1))

    sub_emb = jax.ops.segment_sum(clf[:, 0:1] * h, batch, num_segments=_NG)
    out = jax.nn.relu(sub_emb @ Wf1 + bf1) @ Wf2 + bf2
    return (out, loss)

# --- scband reference (transcript-rebuilt; emitter-appended) ---
"""Pipeline reference for scband-gibmodel-687194768135 (READ-ONLY COPY).

The authoritative reference and input builder live on the scoring server;
editing this copy changes nothing except your own understanding.
"""

import jax, jax.numpy as jnp
import numpy as np

N = 10000
E = 160000
F_IN = 768
HID = 128
HEADS = 4
NC = 2
NG = 20


def setup_inputs(seed: int = 0) -> dict:
    key = jax.random.key(seed)
    ks = jax.random.split(key, 20)
    x = jax.random.normal(ks[0], (N, F_IN), dtype=jnp.float32)
    edge_index = jax.random.randint(ks[1], (2, E), 0, N, dtype=jnp.int32)
    batch = jnp.sort(jax.random.randint(ks[2], (N,), 0, NG, dtype=jnp.int32))
    s = 0.05
    params = {
        'W1': s * jax.random.normal(ks[3], (F_IN, HEADS * HID), dtype=jnp.float32),
        'a1_src': s * jax.random.normal(ks[4], (HEADS, HID), dtype=jnp.float32),
        'a1_dst': s * jax.random.normal(ks[5], (HEADS, HID), dtype=jnp.float32),
        'b1': jnp.zeros((HEADS * HID,), jnp.float32),
        'W2': s * jax.random.normal(ks[6], (HEADS * HID, HID), dtype=jnp.float32),
        'a2_src': s * jax.random.normal(ks[7], (1, HID), dtype=jnp.float32),
        'a2_dst': s * jax.random.normal(ks[8], (1, HID), dtype=jnp.float32),
        'b2': jnp.zeros((HID,), jnp.float32),
        'Wc': s * jax.random.normal(ks[9], (HID, NC), dtype=jnp.float32),
        'bc': jnp.zeros((NC,), jnp.float32),
        'Wf1': s * jax.random.normal(ks[10], (HID, HID), dtype=jnp.float32),
        'bf1': jnp.zeros((HID,), jnp.float32),
        'Wf2': s * jax.random.normal(ks[11], (HID, NC), dtype=jnp.float32),
        'bf2': jnp.zeros((NC,), jnp.float32),
    }
    inp = {'x': x, 'edge_index': edge_index, 'batch': batch}
    inp.update(params)
    return inp


def _gat(x, edge_index, W, a_src, a_dst, b, heads, out_ch):
    n = x.shape[0]
    loops = jnp.arange(n, dtype=edge_index.dtype)
    si = jnp.concatenate([edge_index[0], loops])
    di = jnp.concatenate([edge_index[1], loops])
    h = (x @ W).reshape(n, heads, out_ch)
    alpha_src = jnp.sum(h * a_src[None], axis=-1)
    alpha_dst = jnp.sum(h * a_dst[None], axis=-1)
    e = jax.nn.leaky_relu(alpha_src[si] + alpha_dst[di], negative_slope=0.2)
    m = jax.lax.stop_gradient(jax.ops.segment_max(e, di, num_segments=n))
    m = jnp.where(jnp.isfinite(m), m, 0.0)
    ex = jnp.exp(e - m[di])
    ssum = jax.ops.segment_sum(ex, di, num_segments=n)
    alpha = ex / (ssum[di] + 1e-16)
    out = jax.ops.segment_sum(h[si] * alpha[..., None], di, num_segments=n)
    return out.reshape(n, heads * out_ch) + b


def reference(x, edge_index, batch, W1, a1_src, a1_dst, b1, W2, a2_src, a2_dst, b2, Wc, bc, Wf1, bf1, Wf2, bf2):
    h = jax.nn.relu(_gat(x, edge_index, W1, a1_src, a1_dst, b1, HEADS, HID))
    h = jax.nn.relu(_gat(h, edge_index, W2, a2_src, a2_dst, b2, 1, HID))
    subgraph_clf = jax.nn.softmax(h @ Wc + bc, axis=1)
    n = x.shape[0]
    src, dst = edge_index[0], edge_index[1]
    dense_adj = jnp.zeros((n, n), jnp.float32).at[src, dst].add(1.0)
    ones = jnp.ones((2,), jnp.float32)
    graph_embeddings = []
    subgraph_embeddings = []
    total_loss = 0.0
    for gid in range(NG):
        mask = (batch == gid).astype(h.dtype)
        cnt = jnp.sum(mask)
        clf_m = subgraph_clf * mask[:, None]
        aggregated_adj = clf_m.T @ dense_adj @ clf_m
        normalized_adj = aggregated_adj / jnp.maximum(
            jnp.sum(jnp.abs(aggregated_adj), axis=1, keepdims=True), 1e-05)
        total_loss = total_loss + jnp.mean((jnp.diagonal(normalized_adj) - ones) ** 2)
        graph_embeddings.append((jnp.sum(h * mask[:, None], axis=0) / cnt)[None, :])
        aggregated_embeddings = clf_m.T @ h
        subgraph_embeddings.append(aggregated_embeddings[0][None, :])
    graph_embeddings = jnp.concatenate(graph_embeddings, axis=0)
    subgraph_embeddings = jnp.concatenate(subgraph_embeddings, axis=0)
    aggregate_loss = total_loss / NG
    out = jax.nn.relu(subgraph_embeddings @ Wf1 + bf1)
    out = out @ Wf2 + bf2
    return (out, aggregate_loss)

if __name__ == "__main__":
    import jax
    _d = setup_inputs()
    print(jax.jit(kernel)(*tuple(_d.values())))

</pallas_src>

<mosaic_0001>
module attributes {stable_mosaic.version = 14 : i64} {
  func.func @_mm_body(%arg0: i32, %arg1: memref<1024x768xf32, #tpu.memory_space<vmem>>, %arg2: memref<768x512xf32, #tpu.memory_space<vmem>>, %arg3: memref<1024x512xf32, #tpu.memory_space<vmem>>) attributes {dimension_semantics = [#tpu.dimension_semantics<arbitrary>], iteration_bounds = array<i64: 10>, scalar_prefetch = 0 : i64, scratch_operands = 0 : i64, tpu.core_type = #tpu.core_type<tc>, window_params = [{transform_indices = @transform_0, window_bounds = array<i64: 1024, 768>}, {pipeline_mode = #tpu.pipeline_mode<synchronous>, transform_indices = @transform_1, window_bounds = array<i64: 768, 512>}, {transform_indices = @transform_2, window_bounds = array<i64: 1024, 512>}]} {
    %get3A = arith.constant 0 : index
    %get3A_0 = arith.constant 0 : index
    %get3A_1 = vector.load %arg1[%get3A, %get3A_0] : memref<1024x768xf32, #tpu.memory_space<vmem>>, vector<1024x768xf32>
    %get3A_2 = arith.constant 0 : index
    %get3A_3 = arith.constant 0 : index
    %get3A_4 = vector.load %arg2[%get3A_2, %get3A_3] : memref<768x512xf32, #tpu.memory_space<vmem>>, vector<768x512xf32>
    %dot_general3A = arith.constant dense<0.000000e+00> : vector<1024x512xf32>
    %dot_general3A_5 = tpu.matmul %get3A_1, %get3A_4, %dot_general3A {dimension_numbers = #tpu.dot_dimension_numbers<[1], [0], [0], [1], [0, 0, 1, 1], [], []>, transpose_lhs_hint = false} : vector<1024x768xf32>, vector<768x512xf32>, vector<1024x512xf32> -> vector<1024x512xf32>
    %swap3A = arith.constant 0 : index
    %swap3A_6 = arith.constant 0 : index
    %swap3A_7 = vector.load %arg3[%swap3A, %swap3A_6] : memref<1024x512xf32, #tpu.memory_space<vmem>>, vector<1024x512xf32>
    tpu.vector_store %arg3[%swap3A, %swap3A_6], %dot_general3A_5 {strides = array<i32>} : memref<1024x512xf32, #tpu.memory_space<vmem>>, vector<1024x512xf32>,
    return
  }
  func.func @transform_0(%arg0: i32) -> (i32, i32) {
    %c0_i32 = arith.constant 0 : i32
    %c0_i32_0 = arith.constant 0 : i32
    return %arg0, %c0_i32 : i32, i32
  }
  func.func @transform_1(%arg0: i32) -> (i32, i32) {
    %c0_i32 = arith.constant 0 : i32
    %c0_i32_0 = arith.constant 0 : i32
    %c0_i32_1 = arith.constant 0 : i32
    return %c0_i32, %c0_i32_0 : i32, i32
  }
  func.func @transform_2(%arg0: i32) -> (i32, i32) {
    %c0_i32 = arith.constant 0 : i32
    %c0_i32_0 = arith.constant 0 : i32
    return %arg0, %c0_i32 : i32, i32
  }
}

module attributes {stable_mosaic.version = 14 : i64} {
  func.func @_msg_body(%arg0: i32, %arg1: memref<512x1xi32, #tpu.memory_space<vmem>>, %arg2: memref<1x512xi32, #tpu.memory_space<vmem>>, %arg3: memref<512x4xf32, #tpu.memory_space<vmem>>, %arg4: memref<10240x512xbf16, #tpu.memory_space<vmem>>, %arg5: memref<10240x512xf32, #tpu.memory_space<vmem>>, %arg6: memref<10240x4xf32, #tpu.memory_space<vmem>>) attributes {dimension_semantics = [#tpu.dimension_semantics<arbitrary>], iteration_bounds = array<i64: 333>, scalar_prefetch = 0 : i64, scratch_operands = 0 : i64, tpu.core_type = #tpu.core_type<tc>, window_params = [{transform_indices = @transform_0, window_bounds = array<i64: 512, 1>}, {transform_indices = @transform_1, window_bounds = array<i64: 1, 512>}, {transform_indices = @transform_2, window_bounds = array<i64: 512, 4>}, {pipeline_mode = #tpu.pipeline_mode<synchronous>, transform_indices = @transform_3, window_bounds = array<i64: 10240, 512>}, {pipeline_mode = #tpu.pipeline_mode<synchronous>, transform_indices = @transform_4, window_bounds = array<i64: 10240, 512>}, {pipeline_mode = #tpu.pipeline_mode<synchronous>, transform_indices = @transform_5, window_bounds = array<i64: 10240, 4>}]} {
    %eq3A = arith.constant 0 : i32
    %eq3A_0 = arith.cmpi eq, %arg0, %eq3A : i32
    %convert_element_type3A = arith.extui %eq3A_0 : i1 to i32
    %cond3A = arith.constant 0 : i32
    %cond3A_1 = arith.cmpi ne, %convert_element_type3A, %cond3A : i32
    scf.if %cond3A_1 {
      %broadcast_in_dim3A_443 = arith.constant 0.000000e+00 : f32
      %broadcast_in_dim3A_444 = vector.broadcast %broadcast_in_dim3A_443 : f32 to vector<10240x512xf32>
      %swap3A_445 = arith.constant 0 : index
      %swap3A_446 = arith.constant 0 : index
      %swap3A_447 = vector.load %arg5[%swap3A_445, %swap3A_446] : memref<10240x512xf32, #tpu.memory_space<vmem>>, vector<10240x512xf32>
      tpu.vector_store %arg5[%swap3A_445, %swap3A_446], %broadcast_in_dim3A_444 {strides = array<i32>} : memref<10240x512xf32, #tpu.memory_space<vmem>>, vector<10240x512xf32>,
      %broadcast_in_dim3A_448 = arith.constant 0.000000e+00 : f32
      %broadcast_in_dim3A_449 = vector.broadcast %broadcast_in_dim3A_448 : f32 to vector<10240x4xf32>
      %swap3A_450 = arith.constant 0 : index
      %swap3A_451 = arith.constant 0 : index
      %swap3A_452 = vector.load %arg6[%swap3A_450, %swap3A_451] : memref<10240x4xf32, #tpu.memory_space<vmem>>, vector<10240x4xf32>
      tpu.vector_store %arg6[%swap3A_450, %swap3A_451], %broadcast_in_dim3A_449 {strides = array<i32>} : memref<10240x4xf32, #tpu.memory_space<vmem>>, vector<10240x4xf32>,
    } else {
    }
    %get3A = arith.constant 0 : index
    %get3A_2 = arith.constant 0 : index
    %get3A_3 = vector.load %arg1[%get3A, %get3A_2] : memref<512x1xi32, #tpu.memory_space<vmem>>, vector<512x1xi32>
    %get3A_4 = arith.constant 0 : index
    %get3A_5 = arith.constant 0 : index
    %get3A_6 = vector.load %arg2[%get3A_4, %get3A_5] : memref<1x512xi32, #tpu.memory_space<vmem>>, vector<1x512xi32>
    %get3A_7 = arith.constant 0 : index
    %get3A_8 = arith.constant 0 : index
    %get3A_9 = vector.load %arg3[%get3A_7, %get3A_8] : memref<512x4xf32, #tpu.memory_space<vmem>>, vector<512x4xf32>
    %broadcast_in_dim3A = arith.constant 0.000000e+00 : f32
    %broadcast_in_dim3A_10 = vector.broadcast %broadcast_in_dim3A : f32 to vector<512x512xf32>
    %iota3A = tpu.iota {dimensions = array<i32: 1>} : vector<512x1024xi32>
    %add3A = arith.constant 0 : i32
    %add3A_11 = vector.broadcast %add3A : i32 to vector<512x1024xi32>
    %add3A_12 = arith.addi %add3A_11, %iota3A : vector<512x1024xi32>
    %eq3A_13 = vector.broadcast %get3A_3 : vector<512x1xi32> to vector<512x1024xi32>
    %eq3A_14 = arith.cmpi eq, %eq3A_13, %add3A_12 : vector<512x1024xi32>
    %convert_element_type3A_15 = arith.extui %eq3A_14 : vector<512x1024xi1> to vector<512x1024xi32>
    %convert_element_type3A_16 = arith.sitofp %convert_element_type3A_15 : vector<512x1024xi32> to vector<512x1024xf32>
    %convert_element_type3A_17 = arith.truncf %convert_element_type3A_16 : vector<512x1024xf32> to vector<512x1024xbf16>
    %get3A_18 = arith.constant 0 : index
    %get3A_19 = arith.constant 0 : index
    %get3A_20 = vector.load %arg4[%get3A_18, %get3A_19] : memref<10240x512xbf16, #tpu.memory_space<vmem>>, vector<1024x512xbf16>
    %dot_general3A = arith.constant dense<0.000000e+00> : vector<512x512xf32>
    %dot_general3A_21 = tpu.matmul %convert_element_type3A_17, %get3A_20, %dot_general3A {dimension_numbers = #tpu.dot_dimension_numbers<[1], [0], [0], [1], [0, 0, 1, 1], [], []>, transpose_lhs_hint = false} : vector<512x1024xbf16>, vector<1024x512xbf16>, vector<512x512xf32> -> vector<512x512xf32>
    %add3A_22 = arith.addf %broadcast_in_dim3A_10, %dot_general3A_21 : vector<512x512xf32>
    %iota3A_23 = tpu.iota {dimensions = array<i32: 1>} : vector<512x1024xi32>
    %add3A_24 = arith.constant 1024 : i32
    %add3A_25 = vector.broadcast %add3A_24 : i32 to vector<512x1024xi32>
    %add3A_26 = arith.addi %add3A_25, %iota3A_23 : vector<512x1024xi32>
    %eq3A_27 = vector.broadcast %get3A_3 : vector<512x1xi32> to vector<512x1024xi32>
    %eq3A_28 = arith.cmpi eq, %eq3A_27, %add3A_26 : vector<512x1024xi32>
    %convert_element_type3A_29 = arith.extui %eq3A_28 : vector<512x1024xi1> to vector<512x1024xi32>
    %convert_element_type3A_30 = arith.sitofp %convert_element_type3A_29 : vector<512x1024xi32> to vector<512x1024xf32>
    %convert_element_type3A_31 = arith.truncf %convert_element_type3A_30 : vector<512x1024xf32> to vector<512x1024xbf16>
    %get3A_32 = arith.constant 1024 : index
    %get3A_33 = arith.constant 0 : index
    %get3A_34 = vector.load %arg4[%get3A_32, %get3A_33] : memref<10240x512xbf16, #tpu.memory_space<vmem>>, vector<1024x512xbf16>
    %dot_general3A_35 = arith.constant dense<0.000000e+00> : vector<512x512xf32>
    %dot_general3A_36 = tpu.matmul %convert_element_type3A_31, %get3A_34, %dot_general3A_35 {dimension_numbers = #tpu.dot_dimension_numbers<[1], [0], [0], [1], [0, 0, 1, 1], [], []>, transpose_lhs_hint = false} : vector<512x1024xbf16>, vector<1024x512xbf16>, vector<512x512xf32> -> vector<512x512xf32>
    %add3A_37 = arith.addf %add3A_22, %dot_general3A_36 : vector<512x512xf32>
    %iota3A_38 = tpu.iota {dimensions = array<i32: 1>} : vector<512x1024xi32>
    %add3A_39 = arith.constant 2048 : i32
    %add3A_40 = vector.broadcast %add3A_39 : i32 to vector<512x1024xi32>
    %add3A_41 = arith.addi %add3A_40, %iota3A_38 : vector<512x1024xi32>
    %eq3A_42 = vector.broadcast %get3A_3 : vector<512x1xi32> to vector<512x1024xi32>
    %eq3A_43 = arith.cmpi eq, %eq3A_42, %add3A_41 : vector<512x1024xi32>
    %convert_element_type3A_44 = arith.extui %eq3A_43 : vector<512x1024xi1> to vector<512x1024xi32>
    %convert_element_type3A_45 = arith.sitofp %convert_element_type3A_44 : vector<512x1024xi32> to vector<512x1024xf32>
    %convert_element_type3A_46 = arith.truncf %convert_element_type3A_45 : vector<512x1024xf32> to vector<512x1024xbf16>
    %get3A_47 = arith.constant 2048 : index
    %get3A_48 = arith.constant 0 : index
    %get3A_49 = vector.load %arg4[%get3A_47, %get3A_48] : memref<10240x512xbf16, #tpu.memory_space<vmem>>, vector<1024x512xbf16>
    %dot_general3A_50 = arith.constant dense<0.000000e+00> : vector<512x512xf32>
    %dot_general3A_51 = tpu.matmul %convert_element_type3A_46, %get3A_49, %dot_general3A_50 {dimension_numbers = #tpu.dot_dimension_numbers<[1], [0], [0], [1], [0, 0, 1, 1], [], []>, transpose_lhs_hint = false} : vector<512x1024xbf16>, vector<1024x512xbf16>, vector<512x512xf32> -> vector<512x512xf32>
    %add3A_52 = arith.addf %add3A_37, %dot_general3A_51 : vector<512x512xf32>
    %iota3A_53 = tpu.iota {dimensions = array<i32: 1>} : vector<512x1024xi32>
    %add3A_54 = arith.constant 3072 : i32
    %add3A_55 = vector.broadcast %add3A_54 : i32 to vector<512x1024xi32>
    %add3A_56 = arith.addi %add3A_55, %iota3A_53 : vector<512x1024xi32>
    %eq3A_57 = vector.broadcast %get3A_3 : vector<512x1xi32> to vector<512x1024xi32>
    %eq3A_58 = arith.cmpi eq, %eq3A_57, %add3A_56 : vector<512x1024xi32>
    %convert_element_type3A_59 = arith.extui %eq3A_58 : vector<512x1024xi1> to vector<512x1024xi32>
    %convert_element_type3A_60 = arith.sitofp %convert_element_type3A_59 : vector<512x1024xi32> to vector<512x1024xf32>
    %convert_element_type3A_61 = arith.truncf %convert_element_type3A_60 : vector<512x1024xf32> to vector<512x1024xbf16>
    %get3A_62 = arith.constant 3072 : index
    %get3A_63 = arith.constant 0 : index
    %get3A_64 = vector.load %arg4[%get3A_62, %get3A_63] : memref<10240x512xbf16, #tpu.memory_space<vmem>>, vector<1024x512xbf16>
    %dot_general3A_65 = arith.constant dense<0.000000e+00> : vector<512x512xf32>
    %dot_general3A_66 = tpu.matmul %convert_element_type3A_61, %get3A_64, %dot_general3A_65 {dimension_numbers = #tpu.dot_dimension_numbers<[1], [0], [0], [1], [0, 0, 1, 1], [], []>, transpose_lhs_hint = false} : vector<512x1024xbf16>, vector<1024x512xbf16>, vector<512x512xf32> -> vector<512x512xf32>
    %add3A_67 = arith.addf %add3A_52, %dot_general3A_66 : vector<512x512xf32>
    %iota3A_68 = tpu.iota {dimensions = array<i32: 1>} : vector<512x1024xi32>
    %add3A_69 = arith.constant 4096 : i32
    %add3A_70 = vector.broadcast %add3A_69 : i32 to vector<512x1024xi32>
    %add3A_71 = arith.addi %add3A_70, %iota3A_68 : vector<512x1024xi32>
    %eq3A_72 = vector.broadcast %get3A_3 : vector<512x1xi32> to vector<512x1024xi32>
    %eq3A_73 = arith.cmpi eq, %eq3A_72, %add3A_71 : vector<512x1024xi32>
    %convert_element_type3A_74 = arith.extui %eq3A_73 : vector<512x1024xi1> to vector<512x1024xi32>
    %convert_element_type3A_75 = arith.sitofp %convert_element_type3A_74 : vector<512x1024xi32> to vector<512x1024xf32>
    %convert_element_type3A_76 = arith.truncf %convert_element_type3A_75 : vector<512x1024xf32> to vector<512x1024xbf16>
    %get3A_77 = arith.constant 4096 : index
    %get3A_78 = arith.constant 0 : index
    %get3A_79 = vector.load %arg4[%get3A_77, %get3A_78] : memref<10240x512xbf16, #tpu.memory_space<vmem>>, vector<1024x512xbf16>
    %dot_general3A_80 = arith.constant dense<0.000000e+00> : vector<512x512xf32>
    %dot_general3A_81 = tpu.matmul %convert_element_type3A_76, %get3A_79, %dot_general3A_80 {dimension_numbers = #tpu.dot_dimension_numbers<[1], [0], [0], [1], [0, 0, 1, 1], [], []>, transpose_lhs_hint = false} : vector<512x1024xbf16>, vector<1024x512xbf16>, vector<512x512xf32> -> vector<512x512xf32>
    %add3A_82 = arith.addf %add3A_67, %dot_general3A_81 : vector<512x512xf32>
    %iota3A_83 = tpu.iota {dimensions = array<i32: 1>} : vector<512x1024xi32>
    %add3A_84 = arith.constant 5120 : i32
    %add3A_85 = vector.broadcast %add3A_84 : i32 to vector<512x1024xi32>
    %add3A_86 = arith.addi %add3A_85, %iota3A_83 : vector<512x1024xi32>
    %eq3A_87 = vector.broadcast %get3A_3 : vector<512x1xi32> to vector<512x1024xi32>
    %eq3A_88 = arith.cmpi eq, %eq3A_87, %add3A_86 : vector<512x1024xi32>
    %convert_element_type3A_89 = arith.extui %eq3A_88 : vector<512x1024xi1> to vector<512x1024xi32>
    %convert_element_type3A_90 = arith.sitofp %convert_element_type3A_89 : vector<512x1024xi32> to vector<512x1024xf32>
    %convert_element_type3A_91 = arith.truncf %convert_element_type3A_90 : vector<512x1024xf32> to vector<512x1024xbf16>
    %get3A_92 = arith.constant 5120 : index
    %get3A_93 = arith.constant 0 : index
    %get3A_94 = vector.load %arg4[%get3A_92, %get3A_93] : memref<10240x512xbf16, #tpu.memory_space<vmem>>, vector<1024x512xbf16>
    %dot_general3A_95 = arith.constant dense<0.000000e+00> : vector<512x512xf32>
    %dot_general3A_96 = tpu.matmul %convert_element_type3A_91, %get3A_94, %dot_general3A_95 {dimension_numbers = #tpu.dot_dimension_numbers<[1], [0], [0], [1], [0, 0, 1, 1], [], []>, transpose_lhs_hint = false} : vector<512x1024xbf16>, vector<1024x512xbf16>, vector<512x512xf32> -> vector<512x512xf32>
    %add3A_97 = arith.addf %add3A_82, %dot_general3A_96 : vector<512x512xf32>
    %iota3A_98 = tpu.iota {dimensions = array<i32: 1>} : vector<512x1024xi32>
    %add3A_99 = arith.constant 6144 : i32
    %add3A_100 = vector.broadcast %add3A_99 : i32 to vector<512x1024xi32>
    %add3A_101 = arith.addi %add3A_100, %iota3A_98 : vector<512x1024xi32>
    %eq3A_102 = vector.broadcast %get3A_3 : vector<512x1xi32> to vector<512x1024xi32>
    %eq3A_103 = arith.cmpi eq, %eq3A_102, %add3A_101 : vector<512x1024xi32>
    %convert_element_type3A_104 = arith.extui %eq3A_103 : vector<512x1024xi1> to vector<512x1024xi32>
    %convert_element_type3A_105 = arith.sitofp %convert_element_type3A_104 : vector<512x1024xi32> to vector<512x1024xf32>
    %convert_element_type3A_106 = arith.truncf %convert_element_type3A_105 : vector<512x1024xf32> to vector<512x1024xbf16>
    %get3A_107 = arith.constant 6144 : index
    %get3A_108 = arith.constant 0 : index
    %get3A_109 = vector.load %arg4[%get3A_107, %get3A_108] : memref<10240x512xbf16, #tpu.memory_space<vmem>>, vector<1024x512xbf16>
    %dot_general3A_110 = arith.constant dense<0.000000e+00> : vector<512x512xf32>
    %dot_general3A_111 = tpu.matmul %convert_element_type3A_106, %get3A_109, %dot_general3A_110 {dimension_numbers = #tpu.dot_dimension_numbers<[1], [0], [0], [1], [0, 0, 1, 1], [], []>, transpose_lhs_hint = false} : vector<512x1024xbf16>, vector<1024x512xbf16>, vector<512x512xf32> -> vector<512x512xf32>
    %add3A_112 = arith.addf %add3A_97, %dot_general3A_111 : vector<512x512xf32>
    %iota3A_113 = tpu.iota {dimensions = array<i32: 1>} : vector<512x1024xi32>
    %add3A_114 = arith.constant 7168 : i32
    %add3A_115 = vector.broadcast %add3A_114 : i32 to vector<512x1024xi32>
    %add3A_116 = arith.addi %add3A_115, %iota3A_113 : vector<512x1024xi32>
    %eq3A_117 = vector.broadcast %get3A_3 : vector<512x1xi32> to vector<512x1024xi32>
    %eq3A_118 = arith.cmpi eq, %eq3A_117, %add3A_116 : vector<512x1024xi32>
    %convert_element_type3A_119 = arith.extui %eq3A_118 : vector<512x1024xi1> to vector<512x1024xi32>
    %convert_element_type3A_120 = arith.sitofp %convert_element_type3A_119 : vector<512x1024xi32> to vector<512x1024xf32>
    %convert_element_type3A_121 = arith.truncf %convert_element_type3A_120 : vector<512x1024xf32> to vector<512x1024xbf16>
    %get3A_122 = arith.constant 7168 : index
    %get3A_123 = arith.constant 0 : index
    %get3A_124 = vector.load %arg4[%get3A_122, %get3A_123] : memref<10240x512xbf16, #tpu.memory_space<vmem>>, vector<1024x512xbf16>
    %dot_general3A_125 = arith.constant dense<0.000000e+00> : vector<512x512xf32>
    %dot_general3A_126 = tpu.matmul %convert_element_type3A_121, %get3A_124, %dot_general3A_125 {dimension_numbers = #tpu.dot_dimension_numbers<[1], [0], [0], [1], [0, 0, 1, 1], [], []>, transpose_lhs_hint = false} : vector<512x1024xbf16>, vector<1024x512xbf16>, vector<512x512xf32> -> vector<512x512xf32>
    %add3A_127 = arith.addf %add3A_112, %dot_general3A_126 : vector<512x512xf32>
    %iota3A_128 = tpu.iota {dimensions = array<i32: 1>} : vector<512x1024xi32>
    %add3A_129 = arith.constant 8192 : i32
    %add3A_130 = vector.broadcast %add3A_129 : i32 to vector<512x1024xi32>
    %add3A_131 = arith.addi %add3A_130, %iota3A_128 : vector<512x1024xi32>
    %eq3A_132 = vector.broadcast %get3A_3 : vector<512x1xi32> to vector<512x1024xi32>
    %eq3A_133 = arith.cmpi eq, %eq3A_132, %add3A_131 : vector<512x1024xi32>
    %convert_element_type3A_134 = arith.extui %eq3A_133 : vector<512x1024xi1> to vector<512x1024xi32>
    %convert_element_type3A_135 = arith.sitofp %convert_element_type3A_134 : vector<512x1024xi32> to vector<512x1024xf32>
    %convert_element_type3A_136 = arith.truncf %convert_element_type3A_135 : vector<512x1024xf32> to vector<512x1024xbf16>
    %get3A_137 = arith.constant 8192 : index
    %get3A_138 = arith.constant 0 : index
    %get3A_139 = vector.load %arg4[%get3A_137, %get3A_138] : memref<10240x512xbf16, #tpu.memory_space<vmem>>, vector<1024x512xbf16>
    %dot_general3A_140 = arith.constant dense<0.000000e+00> : vector<512x512xf32>
    %dot_general3A_141 = tpu.matmul %convert_element_type3A_136, %get3A_139, %dot_general3A_140 {dimension_numbers = #tpu.dot_dimension_numbers<[1], [0], [0], [1], [0, 0, 1, 1], [], []>, transpose_lhs_hint = false} : vector<512x1024xbf16>, vector<1024x512xbf16>, vector<512x512xf32> -> vector<512x512xf32>
    %add3A_142 = arith.addf %add3A_127, %dot_general3A_141 : vector<512x512xf32>
    %iota3A_143 = tpu.iota {dimensions = array<i32: 1>} : vector<512x1024xi32>
    %add3A_144 = arith.constant 9216 : i32
    %add3A_145 = vector.broadcast %add3A_144 : i32 to vector<512x1024xi32>
    %add3A_146 = arith.addi %add3A_145, %iota3A_143 : vector<512x1024xi32>
    %eq3A_147 = vector.broadcast %get3A_3 : vector<512x1xi32> to vector<512x1024xi32>
    %eq3A_148 = arith.cmpi eq, %eq3A_147, %add3A_146 : vector<512x1024xi32>
    %convert_element_type3A_149 = arith.extui %eq3A_148 : vector<512x1024xi1> to vector<512x1024xi32>
    %convert_element_type3A_150 = arith.sitofp %convert_element_type3A_149 : vector<512x1024xi32> to vector<512x1024xf32>
    %convert_element_type3A_151 = arith.truncf %convert_element_type3A_150 : vector<512x1024xf32> to vector<512x1024xbf16>
    %get3A_152 = arith.constant 9216 : index
    %get3A_153 = arith.constant 0 : index
    %get3A_154 = vector.load %arg4[%get3A_152, %get3A_153] : memref<10240x512xbf16, #tpu.memory_space<vmem>>, vector<1024x512xbf16>
    %dot_general3A_155 = arith.constant dense<0.000000e+00> : vector<512x512xf32>
    %dot_general3A_156 = tpu.matmul %convert_element_type3A_151, %get3A_154, %dot_general3A_155 {dimension_numbers = #tpu.dot_dimension_numbers<[1], [0], [0], [1], [0, 0, 1, 1], [], []>, transpose_lhs_hint = false} : vector<512x1024xbf16>, vector<1024x512xbf16>, vector<512x512xf32> -> vector<512x512xf32>
    %add3A_157 = arith.addf %add3A_142, %dot_general3A_156 : vector<512x512xf32>
    %slice3A = vector.extract_strided_slice %add3A_157 {offsets = [0, 0], sizes = [512, 128], strides = [1, 1]} : vector<512x512xf32> to vector<512x128xf32>
    %slice3A_158 = vector.extract_strided_slice %get3A_9 {offsets = [0, 0], sizes = [512, 1], strides = [1, 1]} : vector<512x4xf32> to vector<512x1xf32>
    %mul3A = vector.broadcast %slice3A_158 : vector<512x1xf32> to vector<512x128xf32>
    %mul3A_159 = arith.mulf %slice3A, %mul3A : vector<512x128xf32>
    %slice3A_160 = vector.extract_strided_slice %add3A_157 {offsets = [0, 128], sizes = [512, 128], strides = [1, 1]} : vector<512x512xf32> to vector<512x128xf32>
    %slice3A_161 = vector.extract_strided_slice %get3A_9 {offsets = [0, 1], sizes = [512, 1], strides = [1, 1]} : vector<512x4xf32> to vector<512x1xf32>
    %mul3A_162 = vector.broadcast %slice3A_161 : vector<512x1xf32> to vector<512x128xf32>
    %mul3A_163 = arith.mulf %slice3A_160, %mul3A_162 : vector<512x128xf32>
    %slice3A_164 = vector.extract_strided_slice %add3A_157 {offsets = [0, 256], sizes = [512, 128], strides = [1, 1]} : vector<512x512xf32> to vector<512x128xf32>
    %slice3A_165 = vector.extract_strided_slice %get3A_9 {offsets = [0, 2], sizes = [512, 1], strides = [1, 1]} : vector<512x4xf32> to vector<512x1xf32>
    %mul3A_166 = vector.broadcast %slice3A_165 : vector<512x1xf32> to vector<512x128xf32>
    %mul3A_167 = arith.mulf %slice3A_164, %mul3A_166 : vector<512x128xf32>
    %slice3A_168 = vector.extract_strided_slice %add3A_157 {offsets = [0, 384], sizes = [512, 128], strides = [1, 1]} : vector<512x512xf32> to vector<512x128xf32>
    %slice3A_169 = vector.extract_strided_slice %get3A_9 {offsets = [0, 3], sizes = [512, 1], strides = [1, 1]} : vector<512x4xf32> to vector<512x1xf32>
    %mul3A_170 = vector.broadcast %slice3A_169 : vector<512x1xf32> to vector<512x128xf32>
    %mul3A_171 = arith.mulf %slice3A_168, %mul3A_170 : vector<512x128xf32>
    %concatenate3A = tpu.concatenate %mul3A_159, %mul3A_163, %mul3A_167, %mul3A_171 in 1 : vector<512x128xf32>, vector<512x128xf32>, vector<512x128xf32>, vector<512x128xf32> -> vector<512x512xf32>
    %convert_element_type3A_172 = arith.truncf %concatenate3A : vector<512x512xf32> to vector<512x512xbf16>
    %convert_element_type3A_173 = arith.truncf %get3A_9 : vector<512x4xf32> to vector<512x4xbf16>
    %iota3A_174 = tpu.iota {dimensions = array<i32: 0>} : vector<1024x512xi32>
    %add3A_175 = arith.constant 0 : i32
    %add3A_176 = vector.broadcast %add3A_175 : i32 to vector<1024x512xi32>
    %add3A_177 = arith.addi %add3A_176, %iota3A_174 : vector<1024x512xi32>
    %eq3A_178 = vector.broadcast %get3A_6 : vector<1x512xi32> to vector<1024x512xi32>
    %eq3A_179 = arith.cmpi eq, %add3A_177, %eq3A_178 : vector<1024x512xi32>
    %convert_element_type3A_180 = arith.extui %eq3A_179 : vector<1024x512xi1> to vector<1024x512xi32>
    %convert_element_type3A_181 = arith.sitofp %convert_element_type3A_180 : vector<1024x512xi32> to vector<1024x512xf32>
    %convert_element_type3A_182 = arith.truncf %convert_element_type3A_181 : vector<1024x512xf32> to vector<1024x512xbf16>
    %get3A_183 = arith.constant 0 : index
    %get3A_184 = arith.constant 0 : index
    %get3A_185 = vector.load %arg5[%get3A_183, %get3A_184] : memref<10240x512xf32, #tpu.memory_space<vmem>>, vector<1024x512xf32>
    %dot_general3A_186 = arith.constant dense<0.000000e+00> : vector<1024x512xf32>
    %dot_general3A_187 = tpu.matmul %convert_element_type3A_182, %convert_element_type3A_172, %dot_general3A_186 {dimension_numbers = #tpu.dot_dimension_numbers<[1], [0], [0], [1], [0, 0, 1, 1], [], []>, transpose_lhs_hint = false} : vector<1024x512xbf16>, vector<512x512xbf16>, vector<1024x512xf32> -> vector<1024x512xf32>
    %add3A_188 = arith.addf %get3A_185, %dot_general3A_187 : vector<1024x512xf32>
    %swap3A = arith.constant 0 : index
    %swap3A_189 = arith.constant 0 : index
    %swap3A_190 = vector.load %arg5[%swap3A, %swap3A_189] : memref<10240x512xf32, #tpu.memory_space<vmem>>, vector<1024x512xf32>
    tpu.vector_store %arg5[%swap3A, %swap3A_189], %add3A_188 {strides = array<i32>} : memref<10240x512xf32, #tpu.memory_space<vmem>>, vector<1024x512xf32>,
    %get3A_191 = arith.constant 0 : index
    %get3A_192 = arith.constant 0 : index
    %get3A_193 = vector.load %arg6[%get3A_191, %get3A_192] : memref<10240x4xf32, #tpu.memory_space<vmem>>, vector<1024x4xf32>
    %dot_general3A_194 = arith.constant dense<0.000000e+00> : vector<1024x4xf32>
    %dot_general3A_195 = tpu.matmul %convert_element_type3A_182, %convert_element_type3A_173, %dot_general3A_194 {dimension_numbers = #tpu.dot_dimension_numbers<[1], [0], [0], [1], [0, 0, 1, 1], [], []>, transpose_lhs_hint = false} : vector<1024x512xbf16>, vector<512x4xbf16>, vector<1024x4xf32> -> vector<1024x4xf32>
    %add3A_196 = arith.addf %get3A_193, %dot_general3A_195 : vector<1024x4xf32>
    %swap3A_197 = arith.constant 0 : index
    %swap3A_198 = arith.constant 0 : index
    %swap3A_199 = vector.load %arg6[%swap3A_197, %swap3A_198] : memref<10240x4xf32, #tpu.memory_space<vmem>>, vector<1024x4xf32>
    tpu.vector_store %arg6[%swap3A_197, %swap3A_198], %add3A_196 {strides = array<i32>} : memref<10240x4xf32, #tpu.memory_space<vmem>>, vector<1024x4xf32>,
    %iota3A_200 = tpu.iota {dimensions = array<i32: 0>} : vector<1024x512xi32>
    %add3A_201 = arith.constant 1024 : i32
    %add3A_202 = vector.broadcast %add3A_201 : i32 to vector<1024x512xi32>
    %add3A_203 = arith.addi %add3A_202, %iota3A_200 : vector<1024x512xi32>
    %eq3A_204 = vector.broadcast %get3A_6 : vector<1x512xi32> to vector<1024x512xi32>
    %eq3A_205 = arith.cmpi eq, %add3A_203, %eq3A_204 : vector<1024x512xi32>
    %convert_element_type3A_206 = arith.extui %eq3A_205 : vector<1024x512xi1> to vector<1024x512xi32>
    %convert_element_type3A_207 = arith.sitofp %convert_element_type3A_206 : vector<1024x512xi32> to vector<1024x512xf32>
    %convert_element_type3A_208 = arith.truncf %convert_element_type3A_207 : vector<1024x512xf32> to vector<1024x512xbf16>
    %get3A_209 = arith.constant 1024 : index
    %get3A_210 = arith.constant 0 : index
    %get3A_211 = vector.load %arg5[%get3A_209, %get3A_210] : memref<10240x512xf32, #tpu.memory_space<vmem>>, vector<1024x512xf32>
    %dot_general3A_212 = arith.constant dense<0.000000e+00> : vector<1024x512xf32>
    %dot_general3A_213 = tpu.matmul %convert_element_type3A_208, %convert_element_type3A_172, %dot_general3A_212 {dimension_numbers = #tpu.dot_dimension_numbers<[1], [0], [0], [1], [0, 0, 1, 1], [], []>, transpose_lhs_hint = false} : vector<1024x512xbf16>, vector<512x512xbf16>, vector<1024x512xf32> -> vector<1024x512xf32>
    %add3A_214 = arith.addf %get3A_211, %dot_general3A_213 : vector<1024x512xf32>
    %swap3A_215 = arith.constant 1024 : index
    %swap3A_216 = arith.constant 0 : index
    %swap3A_217 = vector.load %arg5[%swap3A_215, %swap3A_216] : memref<10240x512xf32, #tpu.memory_space<vmem>>, vector<1024x512xf32>
    tpu.vector_store %arg5[%swap3A_215, %swap3A_216], %add3A_214 {strides = array<i32>} : memref<10240x512xf32, #tpu.memory_space<vmem>>, vector<1024x512xf32>,
    %get3A_218 = arith.constant 1024 : index
    %get3A_219 = arith.constant 0 : index
    %get3A_220 = vector.load %arg6[%get3A_218, %get3A_219] : memref<10240x4xf32, #tpu.memory_space<vmem>>, vector<1024x4xf32>
    %dot_general3A_221 = arith.constant dense<0.000000e+00> : vector<1024x4xf32>
    %dot_general3A_222 = tpu.matmul %convert_element_type3A_208, %convert_element_type3A_173, %dot_general3A_221 {dimension_numbers = #tpu.dot_dimension_numbers<[1], [0], [0], [1], [0, 0, 1, 1], [], []>, transpose_lhs_hint = false} : vector<1024x512xbf16>, vector<512x4xbf16>, vector<1024x4xf32> -> vector<1024x4xf32>
    %add3A_223 = arith.addf %get3A_220, %dot_general3A_222 : vector<1024x4xf32>
    %swap3A_224 = arith.constant 1024 : index
    %swap3A_225 = arith.constant 0 : index
    %swap3A_226 = vector.load %arg6[%swap3A_224, %swap3A_225] : memref<10240x4xf32, #tpu.memory_space<vmem>>, vector<1024x4xf32>
    tpu.vector_store %arg6[%swap3A_224, %swap3A_225], %add3A_223 {strides = array<i32>} : memref<10240x4xf32, #tpu.memory_space<vmem>>, vector<1024x4xf32>,
    %iota3A_227 = tpu.iota {dimensions = array<i32: 0>} : vector<1024x512xi32>
    %add3A_228 = arith.constant 2048 : i32
    %add3A_229 = vector.broadcast %add3A_228 : i32 to vector<1024x512xi32>
    %add3A_230 = arith.addi %add3A_229, %iota3A_227 : vector<1024x512xi32>
    %eq3A_231 = vector.broadcast %get3A_6 : vector<1x512xi32> to vector<1024x512xi32>
    %eq3A_232 = arith.cmpi eq, %add3A_230, %eq3A_231 : vector<1024x512xi32>
    %convert_element_type3A_233 = arith.extui %eq3A_232 : vector<1024x512xi1> to vector<1024x512xi32>
    %convert_element_type3A_234 = arith.sitofp %convert_element_type3A_233 : vector<1024x512xi32> to vector<1024x512xf32>
    %convert_element_type3A_235 = arith.truncf %convert_element_type3A_234 : vector<1024x512xf32> to vector<1024x512xbf16>
    %get3A_236 = arith.constant 2048 : index
    %get3A_237 = arith.constant 0 : index
    %get3A_238 = vector.load %arg5[%get3A_236, %get3A_237] : memref<10240x512xf32, #tpu.memory_space<vmem>>, vector<1024x512xf32>
    %dot_general3A_239 = arith.constant dense<0.000000e+00> : vector<1024x512xf32>
    %dot_general3A_240 = tpu.matmul %convert_element_type3A_235, %convert_element_type3A_172, %dot_general3A_239 {dimension_numbers = #tpu.dot_dimension_numbers<[1], [0], [0], [1], [0, 0, 1, 1], [], []>, transpose_lhs_hint = false} : vector<1024x512xbf16>, vector<512x512xbf16>, vector<1024x512xf32> -> vector<1024x512xf32>
    %add3A_241 = arith.addf %get3A_238, %dot_general3A_240 : vector<1024x512xf32>
    %swap3A_242 = arith.constant 2048 : index
    %swap3A_243 = arith.constant 0 : index
    %swap3A_244 = vector.load %arg5[%swap3A_242, %swap3A_243] : memref<10240x512xf32, #tpu.memory_space<vmem>>, vector<1024x512xf32>
    tpu.vector_store %arg5[%swap3A_242, %swap3A_243], %add3A_241 {strides = array<i32>} : memref<10240x512xf32, #tpu.memory_space<vmem>>, vector<1024x512xf32>,
    %get3A_245 = arith.constant 2048 : index
    %get3A_246 = arith.constant 0 : index
    %get3A_247 = vector.load %arg6[%get3A_245, %get3A_246] : memref<10240x4xf32, #tpu.memory_space<vmem>>, vector<1024x4xf32>
    %dot_general3A_248 = arith.constant dense<0.000000e+00> : vector<1024x4xf32>
    %dot_general3A_249 = tpu.matmul %convert_element_type3A_235, %convert_element_type3A_173, %dot_general3A_248 {dimension_numbers = #tpu.dot_dimension_numbers<[1], [0], [0], [1], [0, 0, 1, 1], [], []>, transpose_lhs_hint = false} : vector<1024x512xbf16>, vector<512x4xbf16>, vector<1024x4xf32> -> vector<1024x4xf32>
    %add3A_250 = arith.addf %get3A_247, %dot_general3A_249 : vector<1024x4xf32>
    %swap3A_251 = arith.constant 2048 : index
    %swap3A_252 = arith.constant 0 : index
    %swap3A_253 = vector.load %arg6[%swap3A_251, %swap3A_252] : memref<10240x4xf32, #tpu.memory_space<vmem>>, vector<1024x4xf32>
    tpu.vector_store %arg6[%swap3A_251, %swap3A_252], %add3A_250 {strides = array<i32>} : memref<10240x4xf32, #tpu.memory_space<vmem>>, vector<1024x4xf32>,
    %iota3A_254 = tpu.iota {dimensions = array<i32: 0>} : vector<1024x512xi32>
    %add3A_255 = arith.constant 3072 : i32
    %add3A_256 = vector.broadcast %add3A_255 : i32 to vector<1024x512xi32>
    %add3A_257 = arith.addi %add3A_256, %iota3A_254 : vector<1024x512xi32>
    %eq3A_258 = vector.broadcast %get3A_6 : vector<1x512xi32> to vector<1024x512xi32>
    %eq3A_259 = arith.cmpi eq, %add3A_257, %eq3A_258 : vector<1024x512xi32>
    %convert_element_type3A_260 = arith.extui %eq3A_259 : vector<1024x512xi1> to vector<1024x512xi32>
    %convert_element_type3A_261 = arith.sitofp %convert_element_type3A_260 : vector<1024x512xi32> to vector<1024x512xf32>
    %convert_element_type3A_262 = arith.truncf %convert_element_type3A_261 : vector<1024x512xf32> to vector<1024x512xbf16>
    %get3A_263 = arith.constant 3072 : index
    %get3A_264 = arith.constant 0 : index
    %get3A_265 = vector.load %arg5[%get3A_263, %get3A_264] : memref<10240x512xf32, #tpu.memory_space<vmem>>, vector<1024x512xf32>
    %dot_general3A_266 = arith.constant dense<0.000000e+00> : vector<1024x512xf32>
    %dot_general3A_267 = tpu.matmul %convert_element_type3A_262, %convert_element_type3A_172, %dot_general3A_266 {dimension_numbers = #tpu.dot_dimension_numbers<[1], [0], [0], [1], [0, 0, 1, 1], [], []>, transpose_lhs_hint = false} : vector<1024x512xbf16>, vector<512x512xbf16>, vector<1024x512xf32> -> vector<1024x512xf32>
    %add3A_268 = arith.addf %get3A_265, %dot_general3A_267 : vector<1024x512xf32>
    %swap3A_269 = arith.constant 3072 : index
    %swap3A_270 = arith.constant 0 : index
    %swap3A_271 = vector.load %arg5[%swap3A_269, %swap3A_270] : memref<10240x512xf32, #tpu.memory_space<vmem>>, vector<1024x512xf32>
    tpu.vector_store %arg5[%swap3A_269, %swap3A_270], %add3A_268 {strides = array<i32>} : memref<10240x512xf32, #tpu.memory_space<vmem>>, vector<1024x512xf32>,
    %get3A_272 = arith.constant 3072 : index
    %get3A_273 = arith.constant 0 : index
    %get3A_274 = vector.load %arg6[%get3A_272, %get3A_273] : memref<10240x4xf32, #tpu.memory_space<vmem>>, vector<1024x4xf32>
    %dot_general3A_275 = arith.constant dense<0.000000e+00> : vector<1024x4xf32>
    %dot_general3A_276 = tpu.matmul %convert_element_type3A_262, %convert_element_type3A_173, %dot_general3A_275 {dimension_numbers = #tpu.dot_dimension_numbers<[1], [0], [0], [1], [0, 0, 1, 1], [], []>, transpose_lhs_hint = false} : vector<1024x512xbf16>, vector<512x4xbf16>, vector<1024x4xf32> -> vector<1024x4xf32>
    %add3A_277 = arith.addf %get3A_274, %dot_general3A_276 : vector<1024x4xf32>
    %swap3A_278 = arith.constant 3072 : index
    %swap3A_279 = arith.constant 0 : index
    %swap3A_280 = vector.load %arg6[%swap3A_278, %swap3A_279] : memref<10240x4xf32, #tpu.memory_space<vmem>>, vector<1024x4xf32>
    tpu.vector_store %arg6[%swap3A_278, %swap3A_279], %add3A_277 {strides = array<i32>} : memref<10240x4xf32, #tpu.memory_space<vmem>>, vector<1024x4xf32>,
    %iota3A_281 = tpu.iota {dimensions = array<i32: 0>} : vector<1024x512xi32>
    %add3A_282 = arith.constant 4096 : i32
    %add3A_283 = vector.broadcast %add3A_282 : i32 to vector<1024x512xi32>
    %add3A_284 = arith.addi %add3A_283, %iota3A_281 : vector<1024x512xi32>
    %eq3A_285 = vector.broadcast %get3A_6 : vector<1x512xi32> to vector<1024x512xi32>
    %eq3A_286 = arith.cmpi eq, %add3A_284, %eq3A_285 : vector<1024x512xi32>
    %convert_element_type3A_287 = arith.extui %eq3A_286 : vector<1024x512xi1> to vector<1024x512xi32>
    %convert_element_type3A_288 = arith.sitofp %convert_element_type3A_287 : vector<1024x512xi32> to vector<1024x512xf32>
    %convert_element_type3A_289 = arith.truncf %convert_element_type3A_288 : vector<1024x512xf32> to vector<1024x512xbf16>
    %get3A_290 = arith.constant 4096 : index
    %get3A_291 = arith.constant 0 : index
    %get3A_292 = vector.load %arg5[%get3A_290, %get3A_291] : memref<10240x512xf32, #tpu.memory_space<vmem>>, vector<1024x512xf32>
    %dot_general3A_293 = arith.constant dense<0.000000e+00> : vector<1024x512xf32>
    %dot_general3A_294 = tpu.matmul %convert_element_type3A_289, %convert_element_type3A_172, %dot_general3A_293 {dimension_numbers = #tpu.dot_dimension_numbers<[1], [0], [0], [1], [0, 0, 1, 1], [], []>, transpose_lhs_hint = false} : vector<1024x512xbf16>, vector<512x512xbf16>, vector<1024x512xf32> -> vector<1024x512xf32>
    %add3A_295 = arith.addf %get3A_292, %dot_general3A_294 : vector<1024x512xf32>
    %swap3A_296 = arith.constant 4096 : index
    %swap3A_297 = arith.constant 0 : index
    %swap3A_298 = vector.load %arg5[%swap3A_296, %swap3A_297] : memref<10240x512xf32, #tpu.memory_space<vmem>>, vector<1024x512xf32>
    tpu.vector_store %arg5[%swap3A_296, %swap3A_297], %add3A_295 {strides = array<i32>} : memref<10240x512xf32, #tpu.memory_space<vmem>>, vector<1024x512xf32>,
    %get3A_299 = arith.constant 4096 : index
    %get3A_300 = arith.constant 0 : index
    %get3A_301 = vector.load %arg6[%get3A_299, %get3A_300] : memref<10240x4xf32, #tpu.memory_space<vmem>>, vector<1024x4xf32>
    %dot_general3A_302 = arith.constant dense<0.000000e+00> : vector<1024x4xf32>
    %dot_general3A_303 = tpu.matmul %convert_element_type3A_289, %convert_element_type3A_173, %dot_general3A_302 {dimension_numbers = #tpu.dot_dimension_numbers<[1], [0], [0], [1], [0, 0, 1, 1], [], []>, transpose_lhs_hint = false} : vector<1024x512xbf16>, vector<512x4xbf16>, vector<1024x4xf32> -> vector<1024x4xf32>
    %add3A_304 = arith.addf %get3A_301, %dot_general3A_303 : vector<1024x4xf32>
    %swap3A_305 = arith.constant 4096 : index
    %swap3A_306 = arith.constant 0 : index
    %swap3A_307 = vector.load %arg6[%swap3A_305, %swap3A_306] : memref<10240x4xf32, #tpu.memory_space<vmem>>, vector<1024x4xf32>
    tpu.vector_store %arg6[%swap3A_305, %swap3A_306], %add3A_304 {strides = array<i32>} : memref<10240x4xf32, #tpu.memory_space<vmem>>, vector<1024x4xf32>,
    %iota3A_308 = tpu.iota {dimensions = array<i32: 0>} : vector<1024x512xi32>
    %add3A_309 = arith.constant 5120 : i32
    %add3A_310 = vector.broadcast %add3A_309 : i32 to vector<1024x512xi32>
    %add3A_311 = arith.addi %add3A_310, %iota3A_308 : vector<1024x512xi32>
    %eq3A_312 = vector.broadcast %get3A_6 : vector<1x512xi32> to vector<1024x512xi32>
    %eq3A_313 = arith.cmpi eq, %add3A_311, %eq3A_312 : vector<1024x512xi32>
    %convert_element_type3A_314 = arith.extui %eq3A_313 : vector<1024x512xi1> to vector<1024x512xi32>
    %convert_element_type3A_315 = arith.sitofp %convert_element_type3A_314 : vector<1024x512xi32> to vector<1024x512xf32>
    %convert_element_type3A_316 = arith.truncf %convert_element_type3A_315 : vector<1024x512xf32> to vector<1024x512xbf16>
    %get3A_317 = arith.constant 5120 : index
    %get3A_318 = arith.constant 0 : index
    %get3A_319 = vector.load %arg5[%get3A_317, %get3A_318] : memref<10240x512xf32, #tpu.memory_space<vmem>>, vector<1024x512xf32>
    %dot_general3A_320 = arith.constant dense<0.000000e+00> : vector<1024x512xf32>
    %dot_general3A_321 = tpu.matmul %convert_element_type3A_316, %convert_element_type3A_172, %dot_general3A_320 {dimension_numbers = #tpu.dot_dimension_numbers<[1], [0], [0], [1], [0, 0, 1, 1], [], []>, transpose_lhs_hint = false} : vector<1024x512xbf16>, vector<512x512xbf16>, vector<1024x512xf32> -> vector<1024x512xf32>
    %add3A_322 = arith.addf %get3A_319, %dot_general3A_321 : vector<1024x512xf32>
    %swap3A_323 = arith.constant 5120 : index
    %swap3A_324 = arith.constant 0 : index
    %swap3A_325 = vector.load %arg5[%swap3A_323, %swap3A_324] : memref<10240x512xf32, #tpu.memory_space<vmem>>, vector<1024x512xf32>
    tpu.vector_store %arg5[%swap3A_323, %swap3A_324], %add3A_322 {strides = array<i32>} : memref<10240x512xf32, #tpu.memory_space<vmem>>, vector<1024x512xf32>,
    %get3A_326 = arith.constant 5120 : index
    %get3A_327 = arith.constant 0 : index
    %get3A_328 = vector.load %arg6[%get3A_326, %get3A_327] : memref<10240x4xf32, #tpu.memory_space<vmem>>, vector<1024x4xf32>
    %dot_general3A_329 = arith.constant dense<0.000000e+00> : vector<1024x4xf32>
    %dot_general3A_330 = tpu.matmul %convert_element_type3A_316, %convert_element_type3A_173, %dot_general3A_329 {dimension_numbers = #tpu.dot_dimension_numbers<[1], [0], [0], [1], [0, 0, 1, 1], [], []>, transpose_lhs_hint = false} : vector<1024x512xbf16>, vector<512x4xbf16>, vector<1024x4xf32> -> vector<1024x4xf32>
    %add3A_331 = arith.addf %get3A_328, %dot_general3A_330 : vector<1024x4xf32>
    %swap3A_332 = arith.constant 5120 : index
    %swap3A_333 = arith.constant 0 : index
    %swap3A_334 = vector.load %arg6[%swap3A_332, %swap3A_333] : memref<10240x4xf32, #tpu.memory_space<vmem>>, vector<1024x4xf32>
    tpu.vector_store %arg6[%swap3A_332, %swap3A_333], %add3A_331 {strides = array<i32>} : memref<10240x4xf32, #tpu.memory_space<vmem>>, vector<1024x4xf32>,
    %iota3A_335 = tpu.iota {dimensions = array<i32: 0>} : vector<1024x512xi32>
    %add3A_336 = arith.constant 6144 : i32
    %add3A_337 = vector.broadcast %add3A_336 : i32 to vector<1024x512xi32>
    %add3A_338 = arith.addi %add3A_337, %iota3A_335 : vector<1024x512xi32>
    %eq3A_339 = vector.broadcast %get3A_6 : vector<1x512xi32> to vector<1024x512xi32>
    %eq3A_340 = arith.cmpi eq, %add3A_338, %eq3A_339 : vector<1024x512xi32>
    %convert_element_type3A_341 = arith.extui %eq3A_340 : vector<1024x512xi1> to vector<1024x512xi32>
    %convert_element_type3A_342 = arith.sitofp %convert_element_type3A_341 : vector<1024x512xi32> to vector<1024x512xf32>
    %convert_element_type3A_343 = arith.truncf %convert_element_type3A_342 : vector<1024x512xf32> to vector<1024x512xbf16>
    %get3A_344 = arith.constant 6144 : index
    %get3A_345 = arith.constant 0 : index
    %get3A_346 = vector.load %arg5[%get3A_344, %get3A_345] : memref<10240x512xf32, #tpu.memory_space<vmem>>, vector<1024x512xf32>
    %dot_general3A_347 = arith.constant dense<0.000000e+00> : vector<1024x512xf32>
    %dot_general3A_348 = tpu.matmul %convert_element_type3A_343, %convert_element_type3A_172, %dot_general3A_347 {dimension_numbers = #tpu.dot_dimension_numbers<[1], [0], [0], [1], [0, 0, 1, 1], [], []>, transpose_lhs_hint = false} : vector<1024x512xbf16>, vector<512x512xbf16>, vector<1024x512xf32> -> vector<1024x512xf32>
    %add3A_349 = arith.addf %get3A_346, %dot_general3A_348 : vector<1024x512xf32>
    %swap3A_350 = arith.constant 6144 : index
    %swap3A_351 = arith.constant 0 : index
    %swap3A_352 = vector.load %arg5[%swap3A_350, %swap3A_351] : memref<10240x512xf32, #tpu.memory_space<vmem>>, vector<1024x512xf32>
    tpu.vector_store %arg5[%swap3A_350, %swap3A_351], %add3A_349 {strides = array<i32>} : memref<10240x512xf32, #tpu.memory_space<vmem>>, vector<1024x512xf32>,
    %get3A_353 = arith.constant 6144 : index
    %get3A_354 = arith.constant 0 : index
    %get3A_355 = vector.load %arg6[%get3A_353, %get3A_354] : memref<10240x4xf32, #tpu.memory_space<vmem>>, vector<1024x4xf32>
    %dot_general3A_356 = arith.constant dense<0.000000e+00> : vector<1024x4xf32>
    %dot_general3A_357 = tpu.matmul %convert_element_type3A_343, %convert_element_type3A_173, %dot_general3A_356 {dimension_numbers = #tpu.dot_dimension_numbers<[1], [0], [0], [1], [0, 0, 1, 1], [], []>, transpose_lhs_hint = false} : vector<1024x512xbf16>, vector<512x4xbf16>, vector<1024x4xf32> -> vector<1024x4xf32>
    %add3A_358 = arith.addf %get3A_355, %dot_general3A_357 : vector<1024x4xf32>
    %swap3A_359 = arith.constant 6144 : index
    %swap3A_360 = arith.constant 0 : index
    %swap3A_361 = vector.load %arg6[%swap3A_359, %swap3A_360] : memref<10240x4xf32, #tpu.memory_space<vmem>>, vector<1024x4xf32>
    tpu.vector_store %arg6[%swap3A_359, %swap3A_360], %add3A_358 {strides = array<i32>} : memref<10240x4xf32, #tpu.memory_space<vmem>>, vector<1024x4xf32>,
    %iota3A_362 = tpu.iota {dimensions = array<i32: 0>} : vector<1024x512xi32>
    %add3A_363 = arith.constant 7168 : i32
    %add3A_364 = vector.broadcast %add3A_363 : i32 to vector<1024x512xi32>
    %add3A_365 = arith.addi %add3A_364, %iota3A_362 : vector<1024x512xi32>
    %eq3A_366 = vector.broadcast %get3A_6 : vector<1x512xi32> to vector<1024x512xi32>
    %eq3A_367 = arith.cmpi eq, %add3A_365, %eq3A_366 : vector<1024x512xi32>
    %convert_element_type3A_368 = arith.extui %eq3A_367 : vector<1024x512xi1> to vector<1024x512xi32>
    %convert_element_type3A_369 = arith.sitofp %convert_element_type3A_368 : vector<1024x512xi32> to vector<1024x512xf32>
    %convert_element_type3A_370 = arith.truncf %convert_element_type3A_369 : vector<1024x512xf32> to vector<1024x512xbf16>
    %get3A_371 = arith.constant 7168 : index
    %get3A_372 = arith.constant 0 : index
    %get3A_373 = vector.load %arg5[%get3A_371, %get3A_372] : memref<10240x512xf32, #tpu.memory_space<vmem>>, vector<1024x512xf32>
    %dot_general3A_374 = arith.constant dense<0.000000e+00> : vector<1024x512xf32>
    %dot_general3A_375 = tpu.matmul %convert_element_type3A_370, %convert_element_type3A_172, %dot_general3A_374 {dimension_numbers = #tpu.dot_dimension_numbers<[1], [0], [0], [1], [0, 0, 1, 1], [], []>, transpose_lhs_hint = false} : vector<1024x512xbf16>, vector<512x512xbf16>, vector<1024x512xf32> -> vector<1024x512xf32>
    %add3A_376 = arith.addf %get3A_373, %dot_general3A_375 : vector<1024x512xf32>
    %swap3A_377 = arith.constant 7168 : index
    %swap3A_378 = arith.constant 0 : index
    %swap3A_379 = vector.load %arg5[%swap3A_377, %swap3A_378] : memref<10240x512xf32, #tpu.memory_space<vmem>>, vector<1024x512xf32>
    tpu.vector_store %arg5[%swap3A_377, %swap3A_378], %add3A_376 {strides = array<i32>} : memref<10240x512xf32, #tpu.memory_space<vmem>>, vector<1024x512xf32>,
    %get3A_380 = arith.constant 7168 : index
    %get3A_381 = arith.constant 0 : index
    %get3A_382 = vector.load %arg6[%get3A_380, %get3A_381] : memref<10240x4xf32, #tpu.memory_space<vmem>>, vector<1024x4xf32>
    %dot_general3A_383 = arith.constant dense<0.000000e+00> : vector<1024x4xf32>
    %dot_general3A_384 = tpu.matmul %convert_element_type3A_370, %convert_element_type3A_173, %dot_general3A_383 {dimension_numbers = #tpu.dot_dimension_numbers<[1], [0], [0], [1], [0, 0, 1, 1], [], []>, transpose_lhs_hint = false} : vector<1024x512xbf16>, vector<512x4xbf16>, vector<1024x4xf32> -> vector<1024x4xf32>
    %add3A_385 = arith.addf %get3A_382, %dot_general3A_384 : vector<1024x4xf32>
    %swap3A_386 = arith.constant 7168 : index
    %swap3A_387 = arith.constant 0 : index
    %swap3A_388 = vector.load %arg6[%swap3A_386, %swap3A_387] : memref<10240x4xf32, #tpu.memory_space<vmem>>, vector<1024x4xf32>
    tpu.vector_store %arg6[%swap3A_386, %swap3A_387], %add3A_385 {strides = array<i32>} : memref<10240x4xf32, #tpu.memory_space<vmem>>, vector<1024x4xf32>,
    %iota3A_389 = tpu.iota {dimensions = array<i32: 0>} : vector<1024x512xi32>
    %add3A_390 = arith.constant 8192 : i32
    %add3A_391 = vector.broadcast %add3A_390 : i32 to vector<1024x512xi32>
    %add3A_392 = arith.addi %add3A_391, %iota3A_389 : vector<1024x512xi32>
    %eq3A_393 = vector.broadcast %get3A_6 : vector<1x512xi32> to vector<1024x512xi32>
    %eq3A_394 = arith.cmpi eq, %add3A_392, %eq3A_393 : vector<1024x512xi32>
    %convert_element_type3A_395 = arith.extui %eq3A_394 : vector<1024x512xi1> to vector<1024x512xi32>
    %convert_element_type3A_396 = arith.sitofp %convert_element_type3A_395 : vector<1024x512xi32> to vector<1024x512xf32>
    %convert_element_type3A_397 = arith.truncf %convert_element_type3A_396 : vector<1024x512xf32> to vector<1024x512xbf16>
    %get3A_398 = arith.constant 8192 : index
    %get3A_399 = arith.constant 0 : index
    %get3A_400 = vector.load %arg5[%get3A_398, %get3A_399] : memref<10240x512xf32, #tpu.memory_space<vmem>>, vector<1024x512xf32>
    %dot_general3A_401 = arith.constant dense<0.000000e+00> : vector<1024x512xf32>
    %dot_general3A_402 = tpu.matmul %convert_element_type3A_397, %convert_element_type3A_172, %dot_general3A_401 {dimension_numbers = #tpu.dot_dimension_numbers<[1], [0], [0], [1], [0, 0, 1, 1], [], []>, transpose_lhs_hint = false} : vector<1024x512xbf16>, vector<512x512xbf16>, vector<1024x512xf32> -> vector<1024x512xf32>
    %add3A_403 = arith.addf %get3A_400, %dot_general3A_402 : vector<1024x512xf32>
    %swap3A_404 = arith.constant 8192 : index
    %swap3A_405 = arith.constant 0 : index
    %swap3A_406 = vector.load %arg5[%swap3A_404, %swap3A_405] : memref<10240x512xf32, #tpu.memory_space<vmem>>, vector<1024x512xf32>
    tpu.vector_store %arg5[%swap3A_404, %swap3A_405], %add3A_403 {strides = array<i32>} : memref<10240x512xf32, #tpu.memory_space<vmem>>, vector<1024x512xf32>,
    %get3A_407 = arith.constant 8192 : index
    %get3A_408 = arith.constant 0 : index
    %get3A_409 = vector.load %arg6[%get3A_407, %get3A_408] : memref<10240x4xf32, #tpu.memory_space<vmem>>, vector<1024x4xf32>
    %dot_general3A_410 = arith.constant dense<0.000000e+00> : vector<1024x4xf32>
    %dot_general3A_411 = tpu.matmul %convert_element_type3A_397, %convert_element_type3A_173, %dot_general3A_410 {dimension_numbers = #tpu.dot_dimension_numbers<[1], [0], [0], [1], [0, 0, 1, 1], [], []>, transpose_lhs_hint = false} : vector<1024x512xbf16>, vector<512x4xbf16>, vector<1024x4xf32> -> vector<1024x4xf32>
    %add3A_412 = arith.addf %get3A_409, %dot_general3A_411 : vector<1024x4xf32>
    %swap3A_413 = arith.constant 8192 : index
    %swap3A_414 = arith.constant 0 : index
    %swap3A_415 = vector.load %arg6[%swap3A_413, %swap3A_414] : memref<10240x4xf32, #tpu.memory_space<vmem>>, vector<1024x4xf32>
    tpu.vector_store %arg6[%swap3A_413, %swap3A_414], %add3A_412 {strides = array<i32>} : memref<10240x4xf32, #tpu.memory_space<vmem>>, vector<1024x4xf32>,
    %iota3A_416 = tpu.iota {dimensions = array<i32: 0>} : vector<1024x512xi32>
    %add3A_417 = arith.constant 9216 : i32
    %add3A_418 = vector.broadcast %add3A_417 : i32 to vector<1024x512xi32>
    %add3A_419 = arith.addi %add3A_418, %iota3A_416 : vector<1024x512xi32>
    %eq3A_420 = vector.broadcast %get3A_6 : vector<1x512xi32> to vector<1024x512xi32>
    %eq3A_421 = arith.cmpi eq, %add3A_419, %eq3A_420 : vector<1024x512xi32>
    %convert_element_type3A_422 = arith.extui %eq3A_421 : vector<1024x512xi1> to vector<1024x512xi32>
    %convert_element_type3A_423 = arith.sitofp %convert_element_type3A_422 : vector<1024x512xi32> to vector<1024x512xf32>
    %convert_element_type3A_424 = arith.truncf %convert_element_type3A_423 : vector<1024x512xf32> to vector<1024x512xbf16>
    %get3A_425 = arith.constant 9216 : index
    %get3A_426 = arith.constant 0 : index
    %get3A_427 = vector.load %arg5[%get3A_425, %get3A_426] : memref<10240x512xf32, #tpu.memory_space<vmem>>, vector<1024x512xf32>
    %dot_general3A_428 = arith.constant dense<0.000000e+00> : vector<1024x512xf32>
    %dot_general3A_429 = tpu.matmul %convert_element_type3A_424, %convert_element_type3A_172, %dot_general3A_428 {dimension_numbers = #tpu.dot_dimension_numbers<[1], [0], [0], [1], [0, 0, 1, 1], [], []>, transpose_lhs_hint = false} : vector<1024x512xbf16>, vector<512x512xbf16>, vector<1024x512xf32> -> vector<1024x512xf32>
    %add3A_430 = arith.addf %get3A_427, %dot_general3A_429 : vector<1024x512xf32>
    %swap3A_431 = arith.constant 9216 : index
    %swap3A_432 = arith.constant 0 : index
    %swap3A_433 = vector.load %arg5[%swap3A_431, %swap3A_432] : memref<10240x512xf32, #tpu.memory_space<vmem>>, vector<1024x512xf32>
    tpu.vector_store %arg5[%swap3A_431, %swap3A_432], %add3A_430 {strides = array<i32>} : memref<10240x512xf32, #tpu.memory_space<vmem>>, vector<1024x512xf32>,
    %get3A_434 = arith.constant 9216 : index
    %get3A_435 = arith.constant 0 : index
    %get3A_436 = vector.load %arg6[%get3A_434, %get3A_435] : memref<10240x4xf32, #tpu.memory_space<vmem>>, vector<1024x4xf32>
    %dot_general3A_437 = arith.constant dense<0.000000e+00> : vector<1024x4xf32>
    %dot_general3A_438 = tpu.matmul %convert_element_type3A_424, %convert_element_type3A_173, %dot_general3A_437 {dimension_numbers = #tpu.dot_dimension_numbers<[1], [0], [0], [1], [0, 0, 1, 1], [], []>, transpose_lhs_hint = false} : vector<1024x512xbf16>, vector<512x4xbf16>, vector<1024x4xf32> -> vector<1024x4xf32>
    %add3A_439 = arith.addf %get3A_436, %dot_general3A_438 : vector<1024x4xf32>
    %swap3A_440 = arith.constant 9216 : index
    %swap3A_441 = arith.constant 0 : index
    %swap3A_442 = vector.load %arg6[%swap3A_440, %swap3A_441] : memref<10240x4xf32, #tpu.memory_space<vmem>>, vector<1024x4xf32>
    tpu.vector_store %arg6[%swap3A_440, %swap3A_441], %add3A_439 {strides = array<i32>} : memref<10240x4xf32, #tpu.memory_space<vmem>>, vector<1024x4xf32>,
    return
  }
  func.func @transform_0(%arg0: i32) -> (i32, i32) {
    %c0_i32 = arith.constant 0 : i32
    %c0_i32_0 = arith.constant 0 : i32
    return %arg0, %c0_i32 : i32, i32
  }
  func.func @transform_1(%arg0: i32) -> (i32, i32) {
    %c0_i32 = arith.constant 0 : i32
    %c0_i32_0 = arith.constant 0 : i32
    return %c0_i32, %arg0 : i32, i32
  }
  func.func @transform_2(%arg0: i32) -> (i32, i32) {
    %c0_i32 = arith.constant 0 : i32
    %c0_i32_0 = arith.constant 0 : i32
    return %arg0, %c0_i32 : i32, i32
  }
  func.func @transform_3(%arg0: i32) -> (i32, i32) {
    %c0_i32 = arith.constant 0 : i32
    %c0_i32_0 = arith.constant 0 : i32
    %c0_i32_1 = arith.constant 0 : i32
    return %c0_i32, %c0_i32_0 : i32, i32
  }
  func.func @transform_4(%arg0: i32) -> (i32, i32) {
    %c0_i32 = arith.constant 0 : i32
    %c0_i32_0 = arith.constant 0 : i32
    %c0_i32_1 = arith.constant 0 : i32
    return %c0_i32, %c0_i32_0 : i32, i32
  }
  func.func @transform_5(%arg0: i32) -> (i32, i32) {
    %c0_i32 = arith.constant 0 : i32
    %c0_i32_0 = arith.constant 0 : i32
    %c0_i32_1 = arith.constant 0 : i32
    return %c0_i32, %c0_i32_0 : i32, i32
  }
}

module attributes {stable_mosaic.version = 14 : i64} {
  func.func @_mm_body(%arg0: i32, %arg1: memref<1024x512xf32, #tpu.memory_space<vmem>>, %arg2: memref<512x128xf32, #tpu.memory_space<vmem>>, %arg3: memref<1024x128xf32, #tpu.memory_space<vmem>>) attributes {dimension_semantics = [#tpu.dimension_semantics<arbitrary>], iteration_bounds = array<i64: 10>, scalar_prefetch = 0 : i64, scratch_operands = 0 : i64, tpu.core_type = #tpu.core_type<tc>, window_params = [{transform_indices = @transform_0, window_bounds = array<i64: 1024, 512>}, {pipeline_mode = #tpu.pipeline_mode<synchronous>, transform_indices = @transform_1, window_bounds = array<i64: 512, 128>}, {transform_indices = @transform_2, window_bounds = array<i64: 1024, 128>}]} {
    %get3A = arith.constant 0 : index
    %get3A_0 = arith.constant 0 : index
    %get3A_1 = vector.load %arg1[%get3A, %get3A_0] : memref<1024x512xf32, #tpu.memory_space<vmem>>, vector<1024x512xf32>
    %get3A_2 = arith.constant 0 : index
    %get3A_3 = arith.constant 0 : index
    %get3A_4 = vector.load %arg2[%get3A_2, %get3A_3] : memref<512x128xf32, #tpu.memory_space<vmem>>, vector<512x128xf32>
    %dot_general3A = arith.constant dense<0.000000e+00> : vector<1024x128xf32>
    %dot_general3A_5 = tpu.matmul %get3A_1, %get3A_4, %dot_general3A {dimension_numbers = #tpu.dot_dimension_numbers<[1], [0], [0], [1], [0, 0, 1, 1], [], []>, transpose_lhs_hint = false} : vector<1024x512xf32>, vector<512x128xf32>, vector<1024x128xf32> -> vector<1024x128xf32>
    %swap3A = arith.constant 0 : index
    %swap3A_6 = arith.constant 0 : index
    %swap3A_7 = vector.load %arg3[%swap3A, %swap3A_6] : memref<1024x128xf32, #tpu.memory_space<vmem>>, vector<1024x128xf32>
    tpu.vector_store %arg3[%swap3A, %swap3A_6], %dot_general3A_5 {strides = array<i32>} : memref<1024x128xf32, #tpu.memory_space<vmem>>, vector<1024x128xf32>,
    return
  }
  func.func @transform_0(%arg0: i32) -> (i32, i32) {
    %c0_i32 = arith.constant 0 : i32
    %c0_i32_0 = arith.constant 0 : i32
    return %arg0, %c0_i32 : i32, i32
  }
  func.func @transform_1(%arg0: i32) -> (i32, i32) {
    %c0_i32 = arith.constant 0 : i32
    %c0_i32_0 = arith.constant 0 : i32
    %c0_i32_1 = arith.constant 0 : i32
    return %c0_i32, %c0_i32_0 : i32, i32
  }
  func.func @transform_2(%arg0: i32) -> (i32, i32) {
    %c0_i32 = arith.constant 0 : i32
    %c0_i32_0 = arith.constant 0 : i32
    return %arg0, %c0_i32 : i32, i32
  }
}

module attributes {stable_mosaic.version = 14 : i64} {
  func.func @_msg_body(%arg0: i32, %arg1: memref<512x1xi32, #tpu.memory_space<vmem>>, %arg2: memref<1x512xi32, #tpu.memory_space<vmem>>, %arg3: memref<512x1xf32, #tpu.memory_space<vmem>>, %arg4: memref<10240x128xbf16, #tpu.memory_space<vmem>>, %arg5: memref<10240x128xf32, #tpu.memory_space<vmem>>, %arg6: memref<10240x1xf32, #tpu.memory_space<vmem>>) attributes {dimension_semantics = [#tpu.dimension_semantics<arbitrary>], iteration_bounds = array<i64: 333>, scalar_prefetch = 0 : i64, scratch_operands = 0 : i64, tpu.core_type = #tpu.core_type<tc>, window_params = [{transform_indices = @transform_0, window_bounds = array<i64: 512, 1>}, {transform_indices = @transform_1, window_bounds = array<i64: 1, 512>}, {transform_indices = @transform_2, window_bounds = array<i64: 512, 1>}, {pipeline_mode = #tpu.pipeline_mode<synchronous>, transform_indices = @transform_3, window_bounds = array<i64: 10240, 128>}, {pipeline_mode = #tpu.pipeline_mode<synchronous>, transform_indices = @transform_4, window_bounds = array<i64: 10240, 128>}, {pipeline_mode = #tpu.pipeline_mode<synchronous>, transform_indices = @transform_5, window_bounds = array<i64: 10240, 1>}]} {
    %eq3A = arith.constant 0 : i32
    %eq3A_0 = arith.cmpi eq, %arg0, %eq3A : i32
    %convert_element_type3A = arith.extui %eq3A_0 : i1 to i32
    %cond3A = arith.constant 0 : i32
    %cond3A_1 = arith.cmpi ne, %convert_element_type3A, %cond3A : i32
    scf.if %cond3A_1 {
      %broadcast_in_dim3A_430 = arith.constant 0.000000e+00 : f32
      %broadcast_in_dim3A_431 = vector.broadcast %broadcast_in_dim3A_430 : f32 to vector<10240x128xf32>
      %swap3A_432 = arith.constant 0 : index
      %swap3A_433 = arith.constant 0 : index
      %swap3A_434 = vector.load %arg5[%swap3A_432, %swap3A_433] : memref<10240x128xf32, #tpu.memory_space<vmem>>, vector<10240x128xf32>
      tpu.vector_store %arg5[%swap3A_432, %swap3A_433], %broadcast_in_dim3A_431 {strides = array<i32>} : memref<10240x128xf32, #tpu.memory_space<vmem>>, vector<10240x128xf32>,
      %broadcast_in_dim3A_435 = arith.constant 0.000000e+00 : f32
      %broadcast_in_dim3A_436 = vector.broadcast %broadcast_in_dim3A_435 : f32 to vector<10240x1xf32>
      %swap3A_437 = arith.constant 0 : index
      %swap3A_438 = arith.constant 0 : index
      %swap3A_439 = vector.load %arg6[%swap3A_437, %swap3A_438] : memref<10240x1xf32, #tpu.memory_space<vmem>>, vector<10240x1xf32>
      tpu.vector_store %arg6[%swap3A_437, %swap3A_438], %broadcast_in_dim3A_436 {strides = array<i32>} : memref<10240x1xf32, #tpu.memory_space<vmem>>, vector<10240x1xf32>,
    } else {
    }
    %get3A = arith.constant 0 : index
    %get3A_2 = arith.constant 0 : index
    %get3A_3 = vector.load %arg1[%get3A, %get3A_2] : memref<512x1xi32, #tpu.memory_space<vmem>>, vector<512x1xi32>
    %get3A_4 = arith.constant 0 : index
    %get3A_5 = arith.constant 0 : index
    %get3A_6 = vector.load %arg2[%get3A_4, %get3A_5] : memref<1x512xi32, #tpu.memory_space<vmem>>, vector<1x512xi32>
    %get3A_7 = arith.constant 0 : index
    %get3A_8 = arith.constant 0 : index
    %get3A_9 = vector.load %arg3[%get3A_7, %get3A_8] : memref<512x1xf32, #tpu.memory_space<vmem>>, vector<512x1xf32>
    %broadcast_in_dim3A = arith.constant 0.000000e+00 : f32
    %broadcast_in_dim3A_10 = vector.broadcast %broadcast_in_dim3A : f32 to vector<512x128xf32>
    %iota3A = tpu.iota {dimensions = array<i32: 1>} : vector<512x1024xi32>
    %add3A = arith.constant 0 : i32
    %add3A_11 = vector.broadcast %add3A : i32 to vector<512x1024xi32>
    %add3A_12 = arith.addi %add3A_11, %iota3A : vector<512x1024xi32>
    %eq3A_13 = vector.broadcast %get3A_3 : vector<512x1xi32> to vector<512x1024xi32>
    %eq3A_14 = arith.cmpi eq, %eq3A_13, %add3A_12 : vector<512x1024xi32>
    %convert_element_type3A_15 = arith.extui %eq3A_14 : vector<512x1024xi1> to vector<512x1024xi32>
    %convert_element_type3A_16 = arith.sitofp %convert_element_type3A_15 : vector<512x1024xi32> to vector<512x1024xf32>
    %convert_element_type3A_17 = arith.truncf %convert_element_type3A_16 : vector<512x1024xf32> to vector<512x1024xbf16>
    %get3A_18 = arith.constant 0 : index
    %get3A_19 = arith.constant 0 : index
    %get3A_20 = vector.load %arg4[%get3A_18, %get3A_19] : memref<10240x128xbf16, #tpu.memory_space<vmem>>, vector<1024x128xbf16>
    %dot_general3A = arith.constant dense<0.000000e+00> : vector<512x128xf32>
    %dot_general3A_21 = tpu.matmul %convert_element_type3A_17, %get3A_20, %dot_general3A {dimension_numbers = #tpu.dot_dimension_numbers<[1], [0], [0], [1], [0, 0, 1, 1], [], []>, transpose_lhs_hint = false} : vector<512x1024xbf16>, vector<1024x128xbf16>, vector<512x128xf32> -> vector<512x128xf32>
    %add3A_22 = arith.addf %broadcast_in_dim3A_10, %dot_general3A_21 : vector<512x128xf32>
    %iota3A_23 = tpu.iota {dimensions = array<i32: 1>} : vector<512x1024xi32>
    %add3A_24 = arith.constant 1024 : i32
    %add3A_25 = vector.broadcast %add3A_24 : i32 to vector<512x1024xi32>
    %add3A_26 = arith.addi %add3A_25, %iota3A_23 : vector<512x1024xi32>
    %eq3A_27 = vector.broadcast %get3A_3 : vector<512x1xi32> to vector<512x1024xi32>
    %eq3A_28 = arith.cmpi eq, %eq3A_27, %add3A_26 : vector<512x1024xi32>
    %convert_element_type3A_29 = arith.extui %eq3A_28 : vector<512x1024xi1> to vector<512x1024xi32>
    %convert_element_type3A_30 = arith.sitofp %convert_element_type3A_29 : vector<512x1024xi32> to vector<512x1024xf32>
    %convert_element_type3A_31 = arith.truncf %convert_element_type3A_30 : vector<512x1024xf32> to vector<512x1024xbf16>
    %get3A_32 = arith.constant 1024 : index
    %get3A_33 = arith.constant 0 : index
    %get3A_34 = vector.load %arg4[%get3A_32, %get3A_33] : memref<10240x128xbf16, #tpu.memory_space<vmem>>, vector<1024x128xbf16>
    %dot_general3A_35 = arith.constant dense<0.000000e+00> : vector<512x128xf32>
    %dot_general3A_36 = tpu.matmul %convert_element_type3A_31, %get3A_34, %dot_general3A_35 {dimension_numbers = #tpu.dot_dimension_numbers<[1], [0], [0], [1], [0, 0, 1, 1], [], []>, transpose_lhs_hint = false} : vector<512x1024xbf16>, vector<1024x128xbf16>, vector<512x128xf32> -> vector<512x128xf32>
    %add3A_37 = arith.addf %add3A_22, %dot_general3A_36 : vector<512x128xf32>
    %iota3A_38 = tpu.iota {dimensions = array<i32: 1>} : vector<512x1024xi32>
    %add3A_39 = arith.constant 2048 : i32
    %add3A_40 = vector.broadcast %add3A_39 : i32 to vector<512x1024xi32>
    %add3A_41 = arith.addi %add3A_40, %iota3A_38 : vector<512x1024xi32>
    %eq3A_42 = vector.broadcast %get3A_3 : vector<512x1xi32> to vector<512x1024xi32>
    %eq3A_43 = arith.cmpi eq, %eq3A_42, %add3A_41 : vector<512x1024xi32>
    %convert_element_type3A_44 = arith.extui %eq3A_43 : vector<512x1024xi1> to vector<512x1024xi32>
    %convert_element_type3A_45 = arith.sitofp %convert_element_type3A_44 : vector<512x1024xi32> to vector<512x1024xf32>
    %convert_element_type3A_46 = arith.truncf %convert_element_type3A_45 : vector<512x1024xf32> to vector<512x1024xbf16>
    %get3A_47 = arith.constant 2048 : index
    %get3A_48 = arith.constant 0 : index
    %get3A_49 = vector.load %arg4[%get3A_47, %get3A_48] : memref<10240x128xbf16, #tpu.memory_space<vmem>>, vector<1024x128xbf16>
    %dot_general3A_50 = arith.constant dense<0.000000e+00> : vector<512x128xf32>
    %dot_general3A_51 = tpu.matmul %convert_element_type3A_46, %get3A_49, %dot_general3A_50 {dimension_numbers = #tpu.dot_dimension_numbers<[1], [0], [0], [1], [0, 0, 1, 1], [], []>, transpose_lhs_hint = false} : vector<512x1024xbf16>, vector<1024x128xbf16>, vector<512x128xf32> -> vector<512x128xf32>
    %add3A_52 = arith.addf %add3A_37, %dot_general3A_51 : vector<512x128xf32>
    %iota3A_53 = tpu.iota {dimensions = array<i32: 1>} : vector<512x1024xi32>
    %add3A_54 = arith.constant 3072 : i32
    %add3A_55 = vector.broadcast %add3A_54 : i32 to vector<512x1024xi32>
    %add3A_56 = arith.addi %add3A_55, %iota3A_53 : vector<512x1024xi32>
    %eq3A_57 = vector.broadcast %get3A_3 : vector<512x1xi32> to vector<512x1024xi32>
    %eq3A_58 = arith.cmpi eq, %eq3A_57, %add3A_56 : vector<512x1024xi32>
    %convert_element_type3A_59 = arith.extui %eq3A_58 : vector<512x1024xi1> to vector<512x1024xi32>
    %convert_element_type3A_60 = arith.sitofp %convert_element_type3A_59 : vector<512x1024xi32> to vector<512x1024xf32>
    %convert_element_type3A_61 = arith.truncf %convert_element_type3A_60 : vector<512x1024xf32> to vector<512x1024xbf16>
    %get3A_62 = arith.constant 3072 : index
    %get3A_63 = arith.constant 0 : index
    %get3A_64 = vector.load %arg4[%get3A_62, %get3A_63] : memref<10240x128xbf16, #tpu.memory_space<vmem>>, vector<1024x128xbf16>
    %dot_general3A_65 = arith.constant dense<0.000000e+00> : vector<512x128xf32>
    %dot_general3A_66 = tpu.matmul %convert_element_type3A_61, %get3A_64, %dot_general3A_65 {dimension_numbers = #tpu.dot_dimension_numbers<[1], [0], [0], [1], [0, 0, 1, 1], [], []>, transpose_lhs_hint = false} : vector<512x1024xbf16>, vector<1024x128xbf16>, vector<512x128xf32> -> vector<512x128xf32>
    %add3A_67 = arith.addf %add3A_52, %dot_general3A_66 : vector<512x128xf32>
    %iota3A_68 = tpu.iota {dimensions = array<i32: 1>} : vector<512x1024xi32>
    %add3A_69 = arith.constant 4096 : i32
    %add3A_70 = vector.broadcast %add3A_69 : i32 to vector<512x1024xi32>
    %add3A_71 = arith.addi %add3A_70, %iota3A_68 : vector<512x1024xi32>
    %eq3A_72 = vector.broadcast %get3A_3 : vector<512x1xi32> to vector<512x1024xi32>
    %eq3A_73 = arith.cmpi eq, %eq3A_72, %add3A_71 : vector<512x1024xi32>
    %convert_element_type3A_74 = arith.extui %eq3A_73 : vector<512x1024xi1> to vector<512x1024xi32>
    %convert_element_type3A_75 = arith.sitofp %convert_element_type3A_74 : vector<512x1024xi32> to vector<512x1024xf32>
    %convert_element_type3A_76 = arith.truncf %convert_element_type3A_75 : vector<512x1024xf32> to vector<512x1024xbf16>
    %get3A_77 = arith.constant 4096 : index
    %get3A_78 = arith.constant 0 : index
    %get3A_79 = vector.load %arg4[%get3A_77, %get3A_78] : memref<10240x128xbf16, #tpu.memory_space<vmem>>, vector<1024x128xbf16>
    %dot_general3A_80 = arith.constant dense<0.000000e+00> : vector<512x128xf32>
    %dot_general3A_81 = tpu.matmul %convert_element_type3A_76, %get3A_79, %dot_general3A_80 {dimension_numbers = #tpu.dot_dimension_numbers<[1], [0], [0], [1], [0, 0, 1, 1], [], []>, transpose_lhs_hint = false} : vector<512x1024xbf16>, vector<1024x128xbf16>, vector<512x128xf32> -> vector<512x128xf32>
    %add3A_82 = arith.addf %add3A_67, %dot_general3A_81 : vector<512x128xf32>
    %iota3A_83 = tpu.iota {dimensions = array<i32: 1>} : vector<512x1024xi32>
    %add3A_84 = arith.constant 5120 : i32
    %add3A_85 = vector.broadcast %add3A_84 : i32 to vector<512x1024xi32>
    %add3A_86 = arith.addi %add3A_85, %iota3A_83 : vector<512x1024xi32>
    %eq3A_87 = vector.broadcast %get3A_3 : vector<512x1xi32> to vector<512x1024xi32>
    %eq3A_88 = arith.cmpi eq, %eq3A_87, %add3A_86 : vector<512x1024xi32>
    %convert_element_type3A_89 = arith.extui %eq3A_88 : vector<512x1024xi1> to vector<512x1024xi32>
    %convert_element_type3A_90 = arith.sitofp %convert_element_type3A_89 : vector<512x1024xi32> to vector<512x1024xf32>
    %convert_element_type3A_91 = arith.truncf %convert_element_type3A_90 : vector<512x1024xf32> to vector<512x1024xbf16>
    %get3A_92 = arith.constant 5120 : index
    %get3A_93 = arith.constant 0 : index
    %get3A_94 = vector.load %arg4[%get3A_92, %get3A_93] : memref<10240x128xbf16, #tpu.memory_space<vmem>>, vector<1024x128xbf16>
    %dot_general3A_95 = arith.constant dense<0.000000e+00> : vector<512x128xf32>
    %dot_general3A_96 = tpu.matmul %convert_element_type3A_91, %get3A_94, %dot_general3A_95 {dimension_numbers = #tpu.dot_dimension_numbers<[1], [0], [0], [1], [0, 0, 1, 1], [], []>, transpose_lhs_hint = false} : vector<512x1024xbf16>, vector<1024x128xbf16>, vector<512x128xf32> -> vector<512x128xf32>
    %add3A_97 = arith.addf %add3A_82, %dot_general3A_96 : vector<512x128xf32>
    %iota3A_98 = tpu.iota {dimensions = array<i32: 1>} : vector<512x1024xi32>
    %add3A_99 = arith.constant 6144 : i32
    %add3A_100 = vector.broadcast %add3A_99 : i32 to vector<512x1024xi32>
    %add3A_101 = arith.addi %add3A_100, %iota3A_98 : vector<512x1024xi32>
    %eq3A_102 = vector.broadcast %get3A_3 : vector<512x1xi32> to vector<512x1024xi32>
    %eq3A_103 = arith.cmpi eq, %eq3A_102, %add3A_101 : vector<512x1024xi32>
    %convert_element_type3A_104 = arith.extui %eq3A_103 : vector<512x1024xi1> to vector<512x1024xi32>
    %convert_element_type3A_105 = arith.sitofp %convert_element_type3A_104 : vector<512x1024xi32> to vector<512x1024xf32>
    %convert_element_type3A_106 = arith.truncf %convert_element_type3A_105 : vector<512x1024xf32> to vector<512x1024xbf16>
    %get3A_107 = arith.constant 6144 : index
    %get3A_108 = arith.constant 0 : index
    %get3A_109 = vector.load %arg4[%get3A_107, %get3A_108] : memref<10240x128xbf16, #tpu.memory_space<vmem>>, vector<1024x128xbf16>
    %dot_general3A_110 = arith.constant dense<0.000000e+00> : vector<512x128xf32>
    %dot_general3A_111 = tpu.matmul %convert_element_type3A_106, %get3A_109, %dot_general3A_110 {dimension_numbers = #tpu.dot_dimension_numbers<[1], [0], [0], [1], [0, 0, 1, 1], [], []>, transpose_lhs_hint = false} : vector<512x1024xbf16>, vector<1024x128xbf16>, vector<512x128xf32> -> vector<512x128xf32>
    %add3A_112 = arith.addf %add3A_97, %dot_general3A_111 : vector<512x128xf32>
    %iota3A_113 = tpu.iota {dimensions = array<i32: 1>} : vector<512x1024xi32>
    %add3A_114 = arith.constant 7168 : i32
    %add3A_115 = vector.broadcast %add3A_114 : i32 to vector<512x1024xi32>
    %add3A_116 = arith.addi %add3A_115, %iota3A_113 : vector<512x1024xi32>
    %eq3A_117 = vector.broadcast %get3A_3 : vector<512x1xi32> to vector<512x1024xi32>
    %eq3A_118 = arith.cmpi eq, %eq3A_117, %add3A_116 : vector<512x1024xi32>
    %convert_element_type3A_119 = arith.extui %eq3A_118 : vector<512x1024xi1> to vector<512x1024xi32>
    %convert_element_type3A_120 = arith.sitofp %convert_element_type3A_119 : vector<512x1024xi32> to vector<512x1024xf32>
    %convert_element_type3A_121 = arith.truncf %convert_element_type3A_120 : vector<512x1024xf32> to vector<512x1024xbf16>
    %get3A_122 = arith.constant 7168 : index
    %get3A_123 = arith.constant 0 : index
    %get3A_124 = vector.load %arg4[%get3A_122, %get3A_123] : memref<10240x128xbf16, #tpu.memory_space<vmem>>, vector<1024x128xbf16>
    %dot_general3A_125 = arith.constant dense<0.000000e+00> : vector<512x128xf32>
    %dot_general3A_126 = tpu.matmul %convert_element_type3A_121, %get3A_124, %dot_general3A_125 {dimension_numbers = #tpu.dot_dimension_numbers<[1], [0], [0], [1], [0, 0, 1, 1], [], []>, transpose_lhs_hint = false} : vector<512x1024xbf16>, vector<1024x128xbf16>, vector<512x128xf32> -> vector<512x128xf32>
    %add3A_127 = arith.addf %add3A_112, %dot_general3A_126 : vector<512x128xf32>
    %iota3A_128 = tpu.iota {dimensions = array<i32: 1>} : vector<512x1024xi32>
    %add3A_129 = arith.constant 8192 : i32
    %add3A_130 = vector.broadcast %add3A_129 : i32 to vector<512x1024xi32>
    %add3A_131 = arith.addi %add3A_130, %iota3A_128 : vector<512x1024xi32>
    %eq3A_132 = vector.broadcast %get3A_3 : vector<512x1xi32> to vector<512x1024xi32>
    %eq3A_133 = arith.cmpi eq, %eq3A_132, %add3A_131 : vector<512x1024xi32>
    %convert_element_type3A_134 = arith.extui %eq3A_133 : vector<512x1024xi1> to vector<512x1024xi32>
    %convert_element_type3A_135 = arith.sitofp %convert_element_type3A_134 : vector<512x1024xi32> to vector<512x1024xf32>
    %convert_element_type3A_136 = arith.truncf %convert_element_type3A_135 : vector<512x1024xf32> to vector<512x1024xbf16>
    %get3A_137 = arith.constant 8192 : index
    %get3A_138 = arith.constant 0 : index
    %get3A_139 = vector.load %arg4[%get3A_137, %get3A_138] : memref<10240x128xbf16, #tpu.memory_space<vmem>>, vector<1024x128xbf16>
    %dot_general3A_140 = arith.constant dense<0.000000e+00> : vector<512x128xf32>
    %dot_general3A_141 = tpu.matmul %convert_element_type3A_136, %get3A_139, %dot_general3A_140 {dimension_numbers = #tpu.dot_dimension_numbers<[1], [0], [0], [1], [0, 0, 1, 1], [], []>, transpose_lhs_hint = false} : vector<512x1024xbf16>, vector<1024x128xbf16>, vector<512x128xf32> -> vector<512x128xf32>
    %add3A_142 = arith.addf %add3A_127, %dot_general3A_141 : vector<512x128xf32>
    %iota3A_143 = tpu.iota {dimensions = array<i32: 1>} : vector<512x1024xi32>
    %add3A_144 = arith.constant 9216 : i32
    %add3A_145 = vector.broadcast %add3A_144 : i32 to vector<512x1024xi32>
    %add3A_146 = arith.addi %add3A_145, %iota3A_143 : vector<512x1024xi32>
    %eq3A_147 = vector.broadcast %get3A_3 : vector<512x1xi32> to vector<512x1024xi32>
    %eq3A_148 = arith.cmpi eq, %eq3A_147, %add3A_146 : vector<512x1024xi32>
    %convert_element_type3A_149 = arith.extui %eq3A_148 : vector<512x1024xi1> to vector<512x1024xi32>
    %convert_element_type3A_150 = arith.sitofp %convert_element_type3A_149 : vector<512x1024xi32> to vector<512x1024xf32>
    %convert_element_type3A_151 = arith.truncf %convert_element_type3A_150 : vector<512x1024xf32> to vector<512x1024xbf16>
    %get3A_152 = arith.constant 9216 : index
    %get3A_153 = arith.constant 0 : index
    %get3A_154 = vector.load %arg4[%get3A_152, %get3A_153] : memref<10240x128xbf16, #tpu.memory_space<vmem>>, vector<1024x128xbf16>
    %dot_general3A_155 = arith.constant dense<0.000000e+00> : vector<512x128xf32>
    %dot_general3A_156 = tpu.matmul %convert_element_type3A_151, %get3A_154, %dot_general3A_155 {dimension_numbers = #tpu.dot_dimension_numbers<[1], [0], [0], [1], [0, 0, 1, 1], [], []>, transpose_lhs_hint = false} : vector<512x1024xbf16>, vector<1024x128xbf16>, vector<512x128xf32> -> vector<512x128xf32>
    %add3A_157 = arith.addf %add3A_142, %dot_general3A_156 : vector<512x128xf32>
    %mul3A = vector.broadcast %get3A_9 : vector<512x1xf32> to vector<512x128xf32>
    %mul3A_158 = arith.mulf %add3A_157, %mul3A : vector<512x128xf32>
    %convert_element_type3A_159 = arith.truncf %mul3A_158 : vector<512x128xf32> to vector<512x128xbf16>
    %convert_element_type3A_160 = arith.truncf %get3A_9 : vector<512x1xf32> to vector<512x1xbf16>
    %iota3A_161 = tpu.iota {dimensions = array<i32: 0>} : vector<1024x512xi32>
    %add3A_162 = arith.constant 0 : i32
    %add3A_163 = vector.broadcast %add3A_162 : i32 to vector<1024x512xi32>
    %add3A_164 = arith.addi %add3A_163, %iota3A_161 : vector<1024x512xi32>
    %eq3A_165 = vector.broadcast %get3A_6 : vector<1x512xi32> to vector<1024x512xi32>
    %eq3A_166 = arith.cmpi eq, %add3A_164, %eq3A_165 : vector<1024x512xi32>
    %convert_element_type3A_167 = arith.extui %eq3A_166 : vector<1024x512xi1> to vector<1024x512xi32>
    %convert_element_type3A_168 = arith.sitofp %convert_element_type3A_167 : vector<1024x512xi32> to vector<1024x512xf32>
    %convert_element_type3A_169 = arith.truncf %convert_element_type3A_168 : vector<1024x512xf32> to vector<1024x512xbf16>
    %get3A_170 = arith.constant 0 : index
    %get3A_171 = arith.constant 0 : index
    %get3A_172 = vector.load %arg5[%get3A_170, %get3A_171] : memref<10240x128xf32, #tpu.memory_space<vmem>>, vector<1024x128xf32>
    %dot_general3A_173 = arith.constant dense<0.000000e+00> : vector<1024x128xf32>
    %dot_general3A_174 = tpu.matmul %convert_element_type3A_169, %convert_element_type3A_159, %dot_general3A_173 {dimension_numbers = #tpu.dot_dimension_numbers<[1], [0], [0], [1], [0, 0, 1, 1], [], []>, transpose_lhs_hint = false} : vector<1024x512xbf16>, vector<512x128xbf16>, vector<1024x128xf32> -> vector<1024x128xf32>
    %add3A_175 = arith.addf %get3A_172, %dot_general3A_174 : vector<1024x128xf32>
    %swap3A = arith.constant 0 : index
    %swap3A_176 = arith.constant 0 : index
    %swap3A_177 = vector.load %arg5[%swap3A, %swap3A_176] : memref<10240x128xf32, #tpu.memory_space<vmem>>, vector<1024x128xf32>
    tpu.vector_store %arg5[%swap3A, %swap3A_176], %add3A_175 {strides = array<i32>} : memref<10240x128xf32, #tpu.memory_space<vmem>>, vector<1024x128xf32>,
    %get3A_178 = arith.constant 0 : index
    %get3A_179 = arith.constant 0 : index
    %get3A_180 = vector.load %arg6[%get3A_178, %get3A_179] : memref<10240x1xf32, #tpu.memory_space<vmem>>, vector<1024x1xf32>
    %dot_general3A_181 = arith.constant dense<0.000000e+00> : vector<1024x1xf32>
    %dot_general3A_182 = tpu.matmul %convert_element_type3A_169, %convert_element_type3A_160, %dot_general3A_181 {dimension_numbers = #tpu.dot_dimension_numbers<[1], [0], [0], [1], [0, 0, 1, 1], [], []>, transpose_lhs_hint = false} : vector<1024x512xbf16>, vector<512x1xbf16>, vector<1024x1xf32> -> vector<1024x1xf32>
    %add3A_183 = arith.addf %get3A_180, %dot_general3A_182 : vector<1024x1xf32>
    %swap3A_184 = arith.constant 0 : index
    %swap3A_185 = arith.constant 0 : index
    %swap3A_186 = vector.load %arg6[%swap3A_184, %swap3A_185] : memref<10240x1xf32, #tpu.memory_space<vmem>>, vector<1024x1xf32>
    tpu.vector_store %arg6[%swap3A_184, %swap3A_185], %add3A_183 {strides = array<i32>} : memref<10240x1xf32, #tpu.memory_space<vmem>>, vector<1024x1xf32>,
    %iota3A_187 = tpu.iota {dimensions = array<i32: 0>} : vector<1024x512xi32>
    %add3A_188 = arith.constant 1024 : i32
    %add3A_189 = vector.broadcast %add3A_188 : i32 to vector<1024x512xi32>
    %add3A_190 = arith.addi %add3A_189, %iota3A_187 : vector<1024x512xi32>
    %eq3A_191 = vector.broadcast %get3A_6 : vector<1x512xi32> to vector<1024x512xi32>
    %eq3A_192 = arith.cmpi eq, %add3A_190, %eq3A_191 : vector<1024x512xi32>
    %convert_element_type3A_193 = arith.extui %eq3A_192 : vector<1024x512xi1> to vector<1024x512xi32>
    %convert_element_type3A_194 = arith.sitofp %convert_element_type3A_193 : vector<1024x512xi32> to vector<1024x512xf32>
    %convert_element_type3A_195 = arith.truncf %convert_element_type3A_194 : vector<1024x512xf32> to vector<1024x512xbf16>
    %get3A_196 = arith.constant 1024 : index
    %get3A_197 = arith.constant 0 : index
    %get3A_198 = vector.load %arg5[%get3A_196, %get3A_197] : memref<10240x128xf32, #tpu.memory_space<vmem>>, vector<1024x128xf32>
    %dot_general3A_199 = arith.constant dense<0.000000e+00> : vector<1024x128xf32>
    %dot_general3A_200 = tpu.matmul %convert_element_type3A_195, %convert_element_type3A_159, %dot_general3A_199 {dimension_numbers = #tpu.dot_dimension_numbers<[1], [0], [0], [1], [0, 0, 1, 1], [], []>, transpose_lhs_hint = false} : vector<1024x512xbf16>, vector<512x128xbf16>, vector<1024x128xf32> -> vector<1024x128xf32>
    %add3A_201 = arith.addf %get3A_198, %dot_general3A_200 : vector<1024x128xf32>
    %swap3A_202 = arith.constant 1024 : index
    %swap3A_203 = arith.constant 0 : index
    %swap3A_204 = vector.load %arg5[%swap3A_202, %swap3A_203] : memref<10240x128xf32, #tpu.memory_space<vmem>>, vector<1024x128xf32>
    tpu.vector_store %arg5[%swap3A_202, %swap3A_203], %add3A_201 {strides = array<i32>} : memref<10240x128xf32, #tpu.memory_space<vmem>>, vector<1024x128xf32>,
    %get3A_205 = arith.constant 1024 : index
    %get3A_206 = arith.constant 0 : index
    %get3A_207 = vector.load %arg6[%get3A_205, %get3A_206] : memref<10240x1xf32, #tpu.memory_space<vmem>>, vector<1024x1xf32>
    %dot_general3A_208 = arith.constant dense<0.000000e+00> : vector<1024x1xf32>
    %dot_general3A_209 = tpu.matmul %convert_element_type3A_195, %convert_element_type3A_160, %dot_general3A_208 {dimension_numbers = #tpu.dot_dimension_numbers<[1], [0], [0], [1], [0, 0, 1, 1], [], []>, transpose_lhs_hint = false} : vector<1024x512xbf16>, vector<512x1xbf16>, vector<1024x1xf32> -> vector<1024x1xf32>
    %add3A_210 = arith.addf %get3A_207, %dot_general3A_209 : vector<1024x1xf32>
    %swap3A_211 = arith.constant 1024 : index
    %swap3A_212 = arith.constant 0 : index
    %swap3A_213 = vector.load %arg6[%swap3A_211, %swap3A_212] : memref<10240x1xf32, #tpu.memory_space<vmem>>, vector<1024x1xf32>
    tpu.vector_store %arg6[%swap3A_211, %swap3A_212], %add3A_210 {strides = array<i32>} : memref<10240x1xf32, #tpu.memory_space<vmem>>, vector<1024x1xf32>,
    %iota3A_214 = tpu.iota {dimensions = array<i32: 0>} : vector<1024x512xi32>
    %add3A_215 = arith.constant 2048 : i32
    %add3A_216 = vector.broadcast %add3A_215 : i32 to vector<1024x512xi32>
    %add3A_217 = arith.addi %add3A_216, %iota3A_214 : vector<1024x512xi32>
    %eq3A_218 = vector.broadcast %get3A_6 : vector<1x512xi32> to vector<1024x512xi32>
    %eq3A_219 = arith.cmpi eq, %add3A_217, %eq3A_218 : vector<1024x512xi32>
    %convert_element_type3A_220 = arith.extui %eq3A_219 : vector<1024x512xi1> to vector<1024x512xi32>
    %convert_element_type3A_221 = arith.sitofp %convert_element_type3A_220 : vector<1024x512xi32> to vector<1024x512xf32>
    %convert_element_type3A_222 = arith.truncf %convert_element_type3A_221 : vector<1024x512xf32> to vector<1024x512xbf16>
    %get3A_223 = arith.constant 2048 : index
    %get3A_224 = arith.constant 0 : index
    %get3A_225 = vector.load %arg5[%get3A_223, %get3A_224] : memref<10240x128xf32, #tpu.memory_space<vmem>>, vector<1024x128xf32>
    %dot_general3A_226 = arith.constant dense<0.000000e+00> : vector<1024x128xf32>
    %dot_general3A_227 = tpu.matmul %convert_element_type3A_222, %convert_element_type3A_159, %dot_general3A_226 {dimension_numbers = #tpu.dot_dimension_numbers<[1], [0], [0], [1], [0, 0, 1, 1], [], []>, transpose_lhs_hint = false} : vector<1024x512xbf16>, vector<512x128xbf16>, vector<1024x128xf32> -> vector<1024x128xf32>
    %add3A_228 = arith.addf %get3A_225, %dot_general3A_227 : vector<1024x128xf32>
    %swap3A_229 = arith.constant 2048 : index
    %swap3A_230 = arith.constant 0 : index
    %swap3A_231 = vector.load %arg5[%swap3A_229, %swap3A_230] : memref<10240x128xf32, #tpu.memory_space<vmem>>, vector<1024x128xf32>
    tpu.vector_store %arg5[%swap3A_229, %swap3A_230], %add3A_228 {strides = array<i32>} : memref<10240x128xf32, #tpu.memory_space<vmem>>, vector<1024x128xf32>,
    %get3A_232 = arith.constant 2048 : index
    %get3A_233 = arith.constant 0 : index
    %get3A_234 = vector.load %arg6[%get3A_232, %get3A_233] : memref<10240x1xf32, #tpu.memory_space<vmem>>, vector<1024x1xf32>
    %dot_general3A_235 = arith.constant dense<0.000000e+00> : vector<1024x1xf32>
    %dot_general3A_236 = tpu.matmul %convert_element_type3A_222, %convert_element_type3A_160, %dot_general3A_235 {dimension_numbers = #tpu.dot_dimension_numbers<[1], [0], [0], [1], [0, 0, 1, 1], [], []>, transpose_lhs_hint = false} : vector<1024x512xbf16>, vector<512x1xbf16>, vector<1024x1xf32> -> vector<1024x1xf32>
    %add3A_237 = arith.addf %get3A_234, %dot_general3A_236 : vector<1024x1xf32>
    %swap3A_238 = arith.constant 2048 : index
    %swap3A_239 = arith.constant 0 : index
    %swap3A_240 = vector.load %arg6[%swap3A_238, %swap3A_239] : memref<10240x1xf32, #tpu.memory_space<vmem>>, vector<1024x1xf32>
    tpu.vector_store %arg6[%swap3A_238, %swap3A_239], %add3A_237 {strides = array<i32>} : memref<10240x1xf32, #tpu.memory_space<vmem>>, vector<1024x1xf32>,
    %iota3A_241 = tpu.iota {dimensions = array<i32: 0>} : vector<1024x512xi32>
    %add3A_242 = arith.constant 3072 : i32
    %add3A_243 = vector.broadcast %add3A_242 : i32 to vector<1024x512xi32>
    %add3A_244 = arith.addi %add3A_243, %iota3A_241 : vector<1024x512xi32>
    %eq3A_245 = vector.broadcast %get3A_6 : vector<1x512xi32> to vector<1024x512xi32>
    %eq3A_246 = arith.cmpi eq, %add3A_244, %eq3A_245 : vector<1024x512xi32>
    %convert_element_type3A_247 = arith.extui %eq3A_246 : vector<1024x512xi1> to vector<1024x512xi32>
    %convert_element_type3A_248 = arith.sitofp %convert_element_type3A_247 : vector<1024x512xi32> to vector<1024x512xf32>
    %convert_element_type3A_249 = arith.truncf %convert_element_type3A_248 : vector<1024x512xf32> to vector<1024x512xbf16>
    %get3A_250 = arith.constant 3072 : index
    %get3A_251 = arith.constant 0 : index
    %get3A_252 = vector.load %arg5[%get3A_250, %get3A_251] : memref<10240x128xf32, #tpu.memory_space<vmem>>, vector<1024x128xf32>
    %dot_general3A_253 = arith.constant dense<0.000000e+00> : vector<1024x128xf32>
    %dot_general3A_254 = tpu.matmul %convert_element_type3A_249, %convert_element_type3A_159, %dot_general3A_253 {dimension_numbers = #tpu.dot_dimension_numbers<[1], [0], [0], [1], [0, 0, 1, 1], [], []>, transpose_lhs_hint = false} : vector<1024x512xbf16>, vector<512x128xbf16>, vector<1024x128xf32> -> vector<1024x128xf32>
    %add3A_255 = arith.addf %get3A_252, %dot_general3A_254 : vector<1024x128xf32>
    %swap3A_256 = arith.constant 3072 : index
    %swap3A_257 = arith.constant 0 : index
    %swap3A_258 = vector.load %arg5[%swap3A_256, %swap3A_257] : memref<10240x128xf32, #tpu.memory_space<vmem>>, vector<1024x128xf32>
    tpu.vector_store %arg5[%swap3A_256, %swap3A_257], %add3A_255 {strides = array<i32>} : memref<10240x128xf32, #tpu.memory_space<vmem>>, vector<1024x128xf32>,
    %get3A_259 = arith.constant 3072 : index
    %get3A_260 = arith.constant 0 : index
    %get3A_261 = vector.load %arg6[%get3A_259, %get3A_260] : memref<10240x1xf32, #tpu.memory_space<vmem>>, vector<1024x1xf32>
    %dot_general3A_262 = arith.constant dense<0.000000e+00> : vector<1024x1xf32>
    %dot_general3A_263 = tpu.matmul %convert_element_type3A_249, %convert_element_type3A_160, %dot_general3A_262 {dimension_numbers = #tpu.dot_dimension_numbers<[1], [0], [0], [1], [0, 0, 1, 1], [], []>, transpose_lhs_hint = false} : vector<1024x512xbf16>, vector<512x1xbf16>, vector<1024x1xf32> -> vector<1024x1xf32>
    %add3A_264 = arith.addf %get3A_261, %dot_general3A_263 : vector<1024x1xf32>
    %swap3A_265 = arith.constant 3072 : index
    %swap3A_266 = arith.constant 0 : index
    %swap3A_267 = vector.load %arg6[%swap3A_265, %swap3A_266] : memref<10240x1xf32, #tpu.memory_space<vmem>>, vector<1024x1xf32>
    tpu.vector_store %arg6[%swap3A_265, %swap3A_266], %add3A_264 {strides = array<i32>} : memref<10240x1xf32, #tpu.memory_space<vmem>>, vector<1024x1xf32>,
    %iota3A_268 = tpu.iota {dimensions = array<i32: 0>} : vector<1024x512xi32>
    %add3A_269 = arith.constant 4096 : i32
    %add3A_270 = vector.broadcast %add3A_269 : i32 to vector<1024x512xi32>
    %add3A_271 = arith.addi %add3A_270, %iota3A_268 : vector<1024x512xi32>
    %eq3A_272 = vector.broadcast %get3A_6 : vector<1x512xi32> to vector<1024x512xi32>
    %eq3A_273 = arith.cmpi eq, %add3A_271, %eq3A_272 : vector<1024x512xi32>
    %convert_element_type3A_274 = arith.extui %eq3A_273 : vector<1024x512xi1> to vector<1024x512xi32>
    %convert_element_type3A_275 = arith.sitofp %convert_element_type3A_274 : vector<1024x512xi32> to vector<1024x512xf32>
    %convert_element_type3A_276 = arith.truncf %convert_element_type3A_275 : vector<1024x512xf32> to vector<1024x512xbf16>
    %get3A_277 = arith.constant 4096 : index
    %get3A_278 = arith.constant 0 : index
    %get3A_279 = vector.load %arg5[%get3A_277, %get3A_278] : memref<10240x128xf32, #tpu.memory_space<vmem>>, vector<1024x128xf32>
    %dot_general3A_280 = arith.constant dense<0.000000e+00> : vector<1024x128xf32>
    %dot_general3A_281 = tpu.matmul %convert_element_type3A_276, %convert_element_type3A_159, %dot_general3A_280 {dimension_numbers = #tpu.dot_dimension_numbers<[1], [0], [0], [1], [0, 0, 1, 1], [], []>, transpose_lhs_hint = false} : vector<1024x512xbf16>, vector<512x128xbf16>, vector<1024x128xf32> -> vector<1024x128xf32>
    %add3A_282 = arith.addf %get3A_279, %dot_general3A_281 : vector<1024x128xf32>
    %swap3A_283 = arith.constant 4096 : index
    %swap3A_284 = arith.constant 0 : index
    %swap3A_285 = vector.load %arg5[%swap3A_283, %swap3A_284] : memref<10240x128xf32, #tpu.memory_space<vmem>>, vector<1024x128xf32>
    tpu.vector_store %arg5[%swap3A_283, %swap3A_284], %add3A_282 {strides = array<i32>} : memref<10240x128xf32, #tpu.memory_space<vmem>>, vector<1024x128xf32>,
    %get3A_286 = arith.constant 4096 : index
    %get3A_287 = arith.constant 0 : index
    %get3A_288 = vector.load %arg6[%get3A_286, %get3A_287] : memref<10240x1xf32, #tpu.memory_space<vmem>>, vector<1024x1xf32>
    %dot_general3A_289 = arith.constant dense<0.000000e+00> : vector<1024x1xf32>
    %dot_general3A_290 = tpu.matmul %convert_element_type3A_276, %convert_element_type3A_160, %dot_general3A_289 {dimension_numbers = #tpu.dot_dimension_numbers<[1], [0], [0], [1], [0, 0, 1, 1], [], []>, transpose_lhs_hint = false} : vector<1024x512xbf16>, vector<512x1xbf16>, vector<1024x1xf32> -> vector<1024x1xf32>
    %add3A_291 = arith.addf %get3A_288, %dot_general3A_290 : vector<1024x1xf32>
    %swap3A_292 = arith.constant 4096 : index
    %swap3A_293 = arith.constant 0 : index
    %swap3A_294 = vector.load %arg6[%swap3A_292, %swap3A_293] : memref<10240x1xf32, #tpu.memory_space<vmem>>, vector<1024x1xf32>
    tpu.vector_store %arg6[%swap3A_292, %swap3A_293], %add3A_291 {strides = array<i32>} : memref<10240x1xf32, #tpu.memory_space<vmem>>, vector<1024x1xf32>,
    %iota3A_295 = tpu.iota {dimensions = array<i32: 0>} : vector<1024x512xi32>
    %add3A_296 = arith.constant 5120 : i32
    %add3A_297 = vector.broadcast %add3A_296 : i32 to vector<1024x512xi32>
    %add3A_298 = arith.addi %add3A_297, %iota3A_295 : vector<1024x512xi32>
    %eq3A_299 = vector.broadcast %get3A_6 : vector<1x512xi32> to vector<1024x512xi32>
    %eq3A_300 = arith.cmpi eq, %add3A_298, %eq3A_299 : vector<1024x512xi32>
    %convert_element_type3A_301 = arith.extui %eq3A_300 : vector<1024x512xi1> to vector<1024x512xi32>
    %convert_element_type3A_302 = arith.sitofp %convert_element_type3A_301 : vector<1024x512xi32> to vector<1024x512xf32>
    %convert_element_type3A_303 = arith.truncf %convert_element_type3A_302 : vector<1024x512xf32> to vector<1024x512xbf16>
    %get3A_304 = arith.constant 5120 : index
    %get3A_305 = arith.constant 0 : index
    %get3A_306 = vector.load %arg5[%get3A_304, %get3A_305] : memref<10240x128xf32, #tpu.memory_space<vmem>>, vector<1024x128xf32>
    %dot_general3A_307 = arith.constant dense<0.000000e+00> : vector<1024x128xf32>
    %dot_general3A_308 = tpu.matmul %convert_element_type3A_303, %convert_element_type3A_159, %dot_general3A_307 {dimension_numbers = #tpu.dot_dimension_numbers<[1], [0], [0], [1], [0, 0, 1, 1], [], []>, transpose_lhs_hint = false} : vector<1024x512xbf16>, vector<512x128xbf16>, vector<1024x128xf32> -> vector<1024x128xf32>
    %add3A_309 = arith.addf %get3A_306, %dot_general3A_308 : vector<1024x128xf32>
    %swap3A_310 = arith.constant 5120 : index
    %swap3A_311 = arith.constant 0 : index
    %swap3A_312 = vector.load %arg5[%swap3A_310, %swap3A_311] : memref<10240x128xf32, #tpu.memory_space<vmem>>, vector<1024x128xf32>
    tpu.vector_store %arg5[%swap3A_310, %swap3A_311], %add3A_309 {strides = array<i32>} : memref<10240x128xf32, #tpu.memory_space<vmem>>, vector<1024x128xf32>,
    %get3A_313 = arith.constant 5120 : index
    %get3A_314 = arith.constant 0 : index
    %get3A_315 = vector.load %arg6[%get3A_313, %get3A_314] : memref<10240x1xf32, #tpu.memory_space<vmem>>, vector<1024x1xf32>
    %dot_general3A_316 = arith.constant dense<0.000000e+00> : vector<1024x1xf32>
    %dot_general3A_317 = tpu.matmul %convert_element_type3A_303, %convert_element_type3A_160, %dot_general3A_316 {dimension_numbers = #tpu.dot_dimension_numbers<[1], [0], [0], [1], [0, 0, 1, 1], [], []>, transpose_lhs_hint = false} : vector<1024x512xbf16>, vector<512x1xbf16>, vector<1024x1xf32> -> vector<1024x1xf32>
    %add3A_318 = arith.addf %get3A_315, %dot_general3A_317 : vector<1024x1xf32>
    %swap3A_319 = arith.constant 5120 : index
    %swap3A_320 = arith.constant 0 : index
    %swap3A_321 = vector.load %arg6[%swap3A_319, %swap3A_320] : memref<10240x1xf32, #tpu.memory_space<vmem>>, vector<1024x1xf32>
    tpu.vector_store %arg6[%swap3A_319, %swap3A_320], %add3A_318 {strides = array<i32>} : memref<10240x1xf32, #tpu.memory_space<vmem>>, vector<1024x1xf32>,
    %iota3A_322 = tpu.iota {dimensions = array<i32: 0>} : vector<1024x512xi32>
    %add3A_323 = arith.constant 6144 : i32
    %add3A_324 = vector.broadcast %add3A_323 : i32 to vector<1024x512xi32>
    %add3A_325 = arith.addi %add3A_324, %iota3A_322 : vector<1024x512xi32>
    %eq3A_326 = vector.broadcast %get3A_6 : vector<1x512xi32> to vector<1024x512xi32>
    %eq3A_327 = arith.cmpi eq, %add3A_325, %eq3A_326 : vector<1024x512xi32>
    %convert_element_type3A_328 = arith.extui %eq3A_327 : vector<1024x512xi1> to vector<1024x512xi32>
    %convert_element_type3A_329 = arith.sitofp %convert_element_type3A_328 : vector<1024x512xi32> to vector<1024x512xf32>
    %convert_element_type3A_330 = arith.truncf %convert_element_type3A_329 : vector<1024x512xf32> to vector<1024x512xbf16>
    %get3A_331 = arith.constant 6144 : index
    %get3A_332 = arith.constant 0 : index
    %get3A_333 = vector.load %arg5[%get3A_331, %get3A_332] : memref<10240x128xf32, #tpu.memory_space<vmem>>, vector<1024x128xf32>
    %dot_general3A_334 = arith.constant dense<0.000000e+00> : vector<1024x128xf32>
    %dot_general3A_335 = tpu.matmul %convert_element_type3A_330, %convert_element_type3A_159, %dot_general3A_334 {dimension_numbers = #tpu.dot_dimension_numbers<[1], [0], [0], [1], [0, 0, 1, 1], [], []>, transpose_lhs_hint = false} : vector<1024x512xbf16>, vector<512x128xbf16>, vector<1024x128xf32> -> vector<1024x128xf32>
    %add3A_336 = arith.addf %get3A_333, %dot_general3A_335 : vector<1024x128xf32>
    %swap3A_337 = arith.constant 6144 : index
    %swap3A_338 = arith.constant 0 : index
    %swap3A_339 = vector.load %arg5[%swap3A_337, %swap3A_338] : memref<10240x128xf32, #tpu.memory_space<vmem>>, vector<1024x128xf32>
    tpu.vector_store %arg5[%swap3A_337, %swap3A_338], %add3A_336 {strides = array<i32>} : memref<10240x128xf32, #tpu.memory_space<vmem>>, vector<1024x128xf32>,
    %get3A_340 = arith.constant 6144 : index
    %get3A_341 = arith.constant 0 : index
    %get3A_342 = vector.load %arg6[%get3A_340, %get3A_341] : memref<10240x1xf32, #tpu.memory_space<vmem>>, vector<1024x1xf32>
    %dot_general3A_343 = arith.constant dense<0.000000e+00> : vector<1024x1xf32>
    %dot_general3A_344 = tpu.matmul %convert_element_type3A_330, %convert_element_type3A_160, %dot_general3A_343 {dimension_numbers = #tpu.dot_dimension_numbers<[1], [0], [0], [1], [0, 0, 1, 1], [], []>, transpose_lhs_hint = false} : vector<1024x512xbf16>, vector<512x1xbf16>, vector<1024x1xf32> -> vector<1024x1xf32>
    %add3A_345 = arith.addf %get3A_342, %dot_general3A_344 : vector<1024x1xf32>
    %swap3A_346 = arith.constant 6144 : index
    %swap3A_347 = arith.constant 0 : index
    %swap3A_348 = vector.load %arg6[%swap3A_346, %swap3A_347] : memref<10240x1xf32, #tpu.memory_space<vmem>>, vector<1024x1xf32>
    tpu.vector_store %arg6[%swap3A_346, %swap3A_347], %add3A_345 {strides = array<i32>} : memref<10240x1xf32, #tpu.memory_space<vmem>>, vector<1024x1xf32>,
    %iota3A_349 = tpu.iota {dimensions = array<i32: 0>} : vector<1024x512xi32>
    %add3A_350 = arith.constant 7168 : i32
    %add3A_351 = vector.broadcast %add3A_350 : i32 to vector<1024x512xi32>
    %add3A_352 = arith.addi %add3A_351, %iota3A_349 : vector<1024x512xi32>
    %eq3A_353 = vector.broadcast %get3A_6 : vector<1x512xi32> to vector<1024x512xi32>
    %eq3A_354 = arith.cmpi eq, %add3A_352, %eq3A_353 : vector<1024x512xi32>
    %convert_element_type3A_355 = arith.extui %eq3A_354 : vector<1024x512xi1> to vector<1024x512xi32>
    %convert_element_type3A_356 = arith.sitofp %convert_element_type3A_355 : vector<1024x512xi32> to vector<1024x512xf32>
    %convert_element_type3A_357 = arith.truncf %convert_element_type3A_356 : vector<1024x512xf32> to vector<1024x512xbf16>
    %get3A_358 = arith.constant 7168 : index
    %get3A_359 = arith.constant 0 : index
    %get3A_360 = vector.load %arg5[%get3A_358, %get3A_359] : memref<10240x128xf32, #tpu.memory_space<vmem>>, vector<1024x128xf32>
    %dot_general3A_361 = arith.constant dense<0.000000e+00> : vector<1024x128xf32>
    %dot_general3A_362 = tpu.matmul %convert_element_type3A_357, %convert_element_type3A_159, %dot_general3A_361 {dimension_numbers = #tpu.dot_dimension_numbers<[1], [0], [0], [1], [0, 0, 1, 1], [], []>, transpose_lhs_hint = false} : vector<1024x512xbf16>, vector<512x128xbf16>, vector<1024x128xf32> -> vector<1024x128xf32>
    %add3A_363 = arith.addf %get3A_360, %dot_general3A_362 : vector<1024x128xf32>
    %swap3A_364 = arith.constant 7168 : index
    %swap3A_365 = arith.constant 0 : index
    %swap3A_366 = vector.load %arg5[%swap3A_364, %swap3A_365] : memref<10240x128xf32, #tpu.memory_space<vmem>>, vector<1024x128xf32>
    tpu.vector_store %arg5[%swap3A_364, %swap3A_365], %add3A_363 {strides = array<i32>} : memref<10240x128xf32, #tpu.memory_space<vmem>>, vector<1024x128xf32>,
    %get3A_367 = arith.constant 7168 : index
    %get3A_368 = arith.constant 0 : index
    %get3A_369 = vector.load %arg6[%get3A_367, %get3A_368] : memref<10240x1xf32, #tpu.memory_space<vmem>>, vector<1024x1xf32>
    %dot_general3A_370 = arith.constant dense<0.000000e+00> : vector<1024x1xf32>
    %dot_general3A_371 = tpu.matmul %convert_element_type3A_357, %convert_element_type3A_160, %dot_general3A_370 {dimension_numbers = #tpu.dot_dimension_numbers<[1], [0], [0], [1], [0, 0, 1, 1], [], []>, transpose_lhs_hint = false} : vector<1024x512xbf16>, vector<512x1xbf16>, vector<1024x1xf32> -> vector<1024x1xf32>
    %add3A_372 = arith.addf %get3A_369, %dot_general3A_371 : vector<1024x1xf32>
    %swap3A_373 = arith.constant 7168 : index
    %swap3A_374 = arith.constant 0 : index
    %swap3A_375 = vector.load %arg6[%swap3A_373, %swap3A_374] : memref<10240x1xf32, #tpu.memory_space<vmem>>, vector<1024x1xf32>
    tpu.vector_store %arg6[%swap3A_373, %swap3A_374], %add3A_372 {strides = array<i32>} : memref<10240x1xf32, #tpu.memory_space<vmem>>, vector<1024x1xf32>,
    %iota3A_376 = tpu.iota {dimensions = array<i32: 0>} : vector<1024x512xi32>
    %add3A_377 = arith.constant 8192 : i32
    %add3A_378 = vector.broadcast %add3A_377 : i32 to vector<1024x512xi32>
    %add3A_379 = arith.addi %add3A_378, %iota3A_376 : vector<1024x512xi32>
    %eq3A_380 = vector.broadcast %get3A_6 : vector<1x512xi32> to vector<1024x512xi32>
    %eq3A_381 = arith.cmpi eq, %add3A_379, %eq3A_380 : vector<1024x512xi32>
    %convert_element_type3A_382 = arith.extui %eq3A_381 : vector<1024x512xi1> to vector<1024x512xi32>
    %convert_element_type3A_383 = arith.sitofp %convert_element_type3A_382 : vector<1024x512xi32> to vector<1024x512xf32>
    %convert_element_type3A_384 = arith.truncf %convert_element_type3A_383 : vector<1024x512xf32> to vector<1024x512xbf16>
    %get3A_385 = arith.constant 8192 : index
    %get3A_386 = arith.constant 0 : index
    %get3A_387 = vector.load %arg5[%get3A_385, %get3A_386] : memref<10240x128xf32, #tpu.memory_space<vmem>>, vector<1024x128xf32>
    %dot_general3A_388 = arith.constant dense<0.000000e+00> : vector<1024x128xf32>
    %dot_general3A_389 = tpu.matmul %convert_element_type3A_384, %convert_element_type3A_159, %dot_general3A_388 {dimension_numbers = #tpu.dot_dimension_numbers<[1], [0], [0], [1], [0, 0, 1, 1], [], []>, transpose_lhs_hint = false} : vector<1024x512xbf16>, vector<512x128xbf16>, vector<1024x128xf32> -> vector<1024x128xf32>
    %add3A_390 = arith.addf %get3A_387, %dot_general3A_389 : vector<1024x128xf32>
    %swap3A_391 = arith.constant 8192 : index
    %swap3A_392 = arith.constant 0 : index
    %swap3A_393 = vector.load %arg5[%swap3A_391, %swap3A_392] : memref<10240x128xf32, #tpu.memory_space<vmem>>, vector<1024x128xf32>
    tpu.vector_store %arg5[%swap3A_391, %swap3A_392], %add3A_390 {strides = array<i32>} : memref<10240x128xf32, #tpu.memory_space<vmem>>, vector<1024x128xf32>,
    %get3A_394 = arith.constant 8192 : index
    %get3A_395 = arith.constant 0 : index
    %get3A_396 = vector.load %arg6[%get3A_394, %get3A_395] : memref<10240x1xf32, #tpu.memory_space<vmem>>, vector<1024x1xf32>
    %dot_general3A_397 = arith.constant dense<0.000000e+00> : vector<1024x1xf32>
    %dot_general3A_398 = tpu.matmul %convert_element_type3A_384, %convert_element_type3A_160, %dot_general3A_397 {dimension_numbers = #tpu.dot_dimension_numbers<[1], [0], [0], [1], [0, 0, 1, 1], [], []>, transpose_lhs_hint = false} : vector<1024x512xbf16>, vector<512x1xbf16>, vector<1024x1xf32> -> vector<1024x1xf32>
    %add3A_399 = arith.addf %get3A_396, %dot_general3A_398 : vector<1024x1xf32>
    %swap3A_400 = arith.constant 8192 : index
    %swap3A_401 = arith.constant 0 : index
    %swap3A_402 = vector.load %arg6[%swap3A_400, %swap3A_401] : memref<10240x1xf32, #tpu.memory_space<vmem>>, vector<1024x1xf32>
    tpu.vector_store %arg6[%swap3A_400, %swap3A_401], %add3A_399 {strides = array<i32>} : memref<10240x1xf32, #tpu.memory_space<vmem>>, vector<1024x1xf32>,
    %iota3A_403 = tpu.iota {dimensions = array<i32: 0>} : vector<1024x512xi32>
    %add3A_404 = arith.constant 9216 : i32
    %add3A_405 = vector.broadcast %add3A_404 : i32 to vector<1024x512xi32>
    %add3A_406 = arith.addi %add3A_405, %iota3A_403 : vector<1024x512xi32>
    %eq3A_407 = vector.broadcast %get3A_6 : vector<1x512xi32> to vector<1024x512xi32>
    %eq3A_408 = arith.cmpi eq, %add3A_406, %eq3A_407 : vector<1024x512xi32>
    %convert_element_type3A_409 = arith.extui %eq3A_408 : vector<1024x512xi1> to vector<1024x512xi32>
    %convert_element_type3A_410 = arith.sitofp %convert_element_type3A_409 : vector<1024x512xi32> to vector<1024x512xf32>
    %convert_element_type3A_411 = arith.truncf %convert_element_type3A_410 : vector<1024x512xf32> to vector<1024x512xbf16>
    %get3A_412 = arith.constant 9216 : index
    %get3A_413 = arith.constant 0 : index
    %get3A_414 = vector.load %arg5[%get3A_412, %get3A_413] : memref<10240x128xf32, #tpu.memory_space<vmem>>, vector<1024x128xf32>
    %dot_general3A_415 = arith.constant dense<0.000000e+00> : vector<1024x128xf32>
    %dot_general3A_416 = tpu.matmul %convert_element_type3A_411, %convert_element_type3A_159, %dot_general3A_415 {dimension_numbers = #tpu.dot_dimension_numbers<[1], [0], [0], [1], [0, 0, 1, 1], [], []>, transpose_lhs_hint = false} : vector<1024x512xbf16>, vector<512x128xbf16>, vector<1024x128xf32> -> vector<1024x128xf32>
    %add3A_417 = arith.addf %get3A_414, %dot_general3A_416 : vector<1024x128xf32>
    %swap3A_418 = arith.constant 9216 : index
    %swap3A_419 = arith.constant 0 : index
    %swap3A_420 = vector.load %arg5[%swap3A_418, %swap3A_419] : memref<10240x128xf32, #tpu.memory_space<vmem>>, vector<1024x128xf32>
    tpu.vector_store %arg5[%swap3A_418, %swap3A_419], %add3A_417 {strides = array<i32>} : memref<10240x128xf32, #tpu.memory_space<vmem>>, vector<1024x128xf32>,
    %get3A_421 = arith.constant 9216 : index
    %get3A_422 = arith.constant 0 : index
    %get3A_423 = vector.load %arg6[%get3A_421, %get3A_422] : memref<10240x1xf32, #tpu.memory_space<vmem>>, vector<1024x1xf32>
    %dot_general3A_424 = arith.constant dense<0.000000e+00> : vector<1024x1xf32>
    %dot_general3A_425 = tpu.matmul %convert_element_type3A_411, %convert_element_type3A_160, %dot_general3A_424 {dimension_numbers = #tpu.dot_dimension_numbers<[1], [0], [0], [1], [0, 0, 1, 1], [], []>, transpose_lhs_hint = false} : vector<1024x512xbf16>, vector<512x1xbf16>, vector<1024x1xf32> -> vector<1024x1xf32>
    %add3A_426 = arith.addf %get3A_423, %dot_general3A_425 : vector<1024x1xf32>
    %swap3A_427 = arith.constant 9216 : index
    %swap3A_428 = arith.constant 0 : index
    %swap3A_429 = vector.load %arg6[%swap3A_427, %swap3A_428] : memref<10240x1xf32, #tpu.memory_space<vmem>>, vector<1024x1xf32>
    tpu.vector_store %arg6[%swap3A_427, %swap3A_428], %add3A_426 {strides = array<i32>} : memref<10240x1xf32, #tpu.memory_space<vmem>>, vector<1024x1xf32>,
    return
  }
  func.func @transform_0(%arg0: i32) -> (i32, i32) {
    %c0_i32 = arith.constant 0 : i32
    %c0_i32_0 = arith.constant 0 : i32
    return %arg0, %c0_i32 : i32, i32
  }
  func.func @transform_1(%arg0: i32) -> (i32, i32) {
    %c0_i32 = arith.constant 0 : i32
    %c0_i32_0 = arith.constant 0 : i32
    return %c0_i32, %arg0 : i32, i32
  }
  func.func @transform_2(%arg0: i32) -> (i32, i32) {
    %c0_i32 = arith.constant 0 : i32
    %c0_i32_0 = arith.constant 0 : i32
    return %arg0, %c0_i32 : i32, i32
  }
  func.func @transform_3(%arg0: i32) -> (i32, i32) {
    %c0_i32 = arith.constant 0 : i32
    %c0_i32_0 = arith.constant 0 : i32
    %c0_i32_1 = arith.constant 0 : i32
    return %c0_i32, %c0_i32_0 : i32, i32
  }
  func.func @transform_4(%arg0: i32) -> (i32, i32) {
    %c0_i32 = arith.constant 0 : i32
    %c0_i32_0 = arith.constant 0 : i32
    %c0_i32_1 = arith.constant 0 : i32
    return %c0_i32, %c0_i32_0 : i32, i32
  }
  func.func @transform_5(%arg0: i32) -> (i32, i32) {
    %c0_i32 = arith.constant 0 : i32
    %c0_i32_0 = arith.constant 0 : i32
    %c0_i32_1 = arith.constant 0 : i32
    return %c0_i32, %c0_i32_0 : i32, i32
  }
}

</mosaic_0001>

<sc_bundles>
// kernel: scatter_offload_async_start.1
scs
__scs_entry_jumppad:
0x0: {  	(pc) =	sbr.rel $0x88, $3  }
0x1: {  	(tag) =	ssettag $0x0;
	lr =	simm.s32 $0x1  }
0x2: {  	[smem:$0x3F90] =	sst lr;
	_ =	strace $0xD0000000  }
0x3: {  	_ = 	snop  }
0x4: {  	_ = 	snop  }
0x5: {  	_ = 	snop  }
0x6: {  	_ = 	snop  }
0x7: {  	_ = 	snop  }
__scs_overlays_trampoline_lowered:
0x8: {  	[smem:$0x3F9F] =	sst s0  }
0x9: {  	[smem:$0x3FA0] =	sst s1  }
0xa: {  	[smem:$0x3FA1] =	sst s2  }
0xb: {  	[smem:$0x3FA2] =	sst s3  }
0xc: {  	[smem:$0x3FA3] =	sst s4  }
0xd: {  	[smem:$0x3FA4] =	sst s5  }
0xe: {  	[smem:$0x3FA5] =	sst s6  }
0xf: {  	[smem:$0x3FA6] =	sst s7  }
0x10: {  	[smem:$0x3FA7] =	sst s8  }
0x11: {  	[smem:$0x3FA8] =	sst s9;
	s0 =	simm.s32 @!p0 $0x0  }
0x12: {  	s1 =	sld [smem:$0x3F8E];
	s0 =	simm.s32 @p0 $0x1  }
0x13: {  	[smem:$0x3FA9] =	sst s0;
	s0 =	simm.s32 @!p1 $0x0  }
0x14: {  	s2 =	sld [smem:$0x3F8D];
	s0 =	simm.s32 @p1 $0x1  }
0x15: {  	[smem:$0x3FAA] =	sst s0;
	s0 =	simm.s32 @!p2 $0x0  }
0x16: {  	s3 =	sld [smem:$0x3FDB];
	s0 =	simm.s32 @p2 $0x1  }
0x17: {  	s4 =	simm.s32 $0x1BF5;
	[smem:$0x3FAC] =	sst s0  }
0x18: {  	s0 =	sld [smem:$0x3F8F];
	_ =	swait.ge [sflag:s4], $0x0  }
0x19: {  	s7 =	sld [smem:$0x3F90]  }
0x1a: {  	s8 =	sadd.s32 $0xFFFFE003, lr  }
0x1b: {  	s9 =	sadd.s32 $0xFFFFFEF7, lr;
	s5 =	simm.s32 $0xFFFFFFFF;
	p2 =	slt.u32 s8, $0xFFFFF086  }
0x1c: {  	p1 =	slt.u32 s9, $0xF7A;
	s5 =	simm.s32 @!p2 $0x0  }
0x1d: {  	s5 =	simm.s32 @p1 $0x1;
	p0 =	seq.s32 s7, s2  }
0x1e: {  	s7 =	smul.u32 @!p0 $0xF7A, s2;
	p2 =	seq.s32 @!p0 s5, $0x0  }
0x1f: {  	s9 =	smul.u32 $0xF7A, s1;
	s8 =	simm.s32 @!p0 $0x1BF5;
	p2 =	por !p2, p0  }
0x20: {  	[sflag:s8] =	ssyncset.s32 @!p0 $0xFFFFF086;
	s6 =	sadd.s32 @!p0 s3, s7;
	s7 =	simm.s32 @!p0 $0x108  }
0x21: {  	s3 =	sadd.s32 s3, s9;
	s6 =	sadd.s32 @!p0 $0x88, s6;
	s7 =	simm.s32 @p2 $0x1082  }
0x22: {  	[simem:s7], [sflag:s8] =	dma.local @!p0 [hbm:s6], $0xF7A  }
0x23: {  	s9 =	sor.u32 $0xD0000000, s2;
	s6 =	simm.s32 $0x108;
	_ =	swait.ge @!p0 [sflag:s8], $0x0  }
0x24: {  	s3 =	sadd.s32 $0x88, s3;
	s6 =	simm.s32 @!p1 $0x1082;
	[sflag:s4] =	ssyncset.s32 $0xFFFFF086  }
0x25: {  	[simem:s6], [sflag:s4] =	dma.local [hbm:s3], $0xF7A  }
0x26: {  	[smem:$0x3F90] =	sst s1;
	(tag) =	ssettag s2;
	_ =	strace s9  }
0x27: {  	s1 =	sld [smem:$0x3FA0]  }
0x28: {  	s2 =	sld [smem:$0x3FA1]  }
0x29: {  	s4 =	sld [smem:$0x3FA3]  }
0x2a: {  	p0 =	seq.s32 s5, $0x0;
	s5 =	sld [smem:$0x3FA4]  }
0x2b: {  	s6 =	sld [smem:$0x3FA5]  }
0x2c: {  	s7 =	sld [smem:$0x3FA6]  }
0x2d: {  	s3 =	simm.s32 $0x108;
	s8 =	sld [smem:$0x3FA7]  }
0x2e: {  	s3 =	simm.s32 @!p0 $0x1082;
	s9 =	sld [smem:$0x3FA8]  }
0x2f: {  	lr =	sadd.s32 s0, s3;
	s0 =	sld [smem:$0x3F9F]  }
0x30: {  	s3 =	sld [smem:$0x3FA2]  }
0x31: {  	[smem:$0x3FAB] =	sst s10  }
0x32: {  	s10 =	sld [smem:$0x3FA9];
	_ =	sdelay $0x3  }
0x33: {  	p0 =	seq.s32 s10, $0x1;
	s10 =	sld [smem:$0x3FAB];
	_ =	sdelay $0x3  }
0x34: {  	[smem:$0x3FAB] =	sst s10  }
0x35: {  	s10 =	sld [smem:$0x3FAA];
	_ =	sdelay $0x3  }
0x36: {  	p1 =	seq.s32 s10, $0x1;
	s10 =	sld [smem:$0x3FAB];
	_ =	sdelay $0x3  }
0x37: {  	[smem:$0x3FAB] =	sst s10  }
0x38: {  	s10 =	sld [smem:$0x3FAC]  }
0x39: {  	_ = 	snop;
	(pc) =	sbr.ind lr, $3  }
0x3a: {  	_ = 	snop  }
0x3b: {  	_ = 	snop  }
0x3c: {  	p2 =	seq.s32 s10, $0x1;
	s10 =	sld [smem:$0x3FAB]  }
0x3d: {  	_ =	shalt  }
0x3e: {  	_ =	shalt  }
0x3f: {  	_ =	shalt  }
0x40: {  	_ =	shalt  }
0x41: {  	_ =	shalt  }
0x42: {  	_ =	shalt  }
0x43: {  	_ =	shalt  }
0x44: {  	_ =	shalt  }
0x45: {  	_ =	shalt  }
0x46: {  	_ =	shalt  }
0x47: {  	_ =	shalt  }
0x48: {  	_ =	shalt  }
0x49: {  	_ =	shalt  }
0x4a: {  	_ =	shalt  }
0x4b: {  	_ =	shalt  }
0x4c: {  	_ =	shalt  }
0x4d: {  	_ =	shalt  }
0x4e: {  	_ =	shalt  }
0x4f: {  	_ =	shalt  }
0x50: {  	_ =	shalt  }
0x51: {  	_ =	shalt  }
0x52: {  	_ =	shalt  }
0x53: {  	_ =	shalt  }
0x54: {  	_ =	shalt  }
0x55: {  	_ =	shalt  }
0x56: {  	_ =	shalt  }
0x57: {  	_ =	shalt  }
0x58: {  	_ =	shalt  }
0x59: {  	_ =	shalt  }
0x5a: {  	_ =	shalt  }
0x5b: {  	_ =	shalt  }
0x5c: {  	_ =	shalt  }
0x5d: {  	_ =	shalt  }
0x5e: {  	_ =	shalt  }
0x5f: {  	_ =	shalt  }
0x60: {  	_ =	shalt  }
0x61: {  	_ =	shalt  }
0x62: {  	_ =	shalt  }
0x63: {  	_ =	shalt  }
0x64: {  	_ =	shalt  }
0x65: {  	_ =	shalt  }
0x66: {  	_ =	shalt  }
0x67: {  	_ =	shalt  }
0x68: {  	_ =	shalt  }
0x69: {  	_ =	shalt  }
0x6a: {  	_ =	shalt  }
0x6b: {  	_ =	shalt  }
0x6c: {  	_ =	shalt  }
0x6d: {  	_ =	shalt  }
0x6e: {  	_ =	shalt  }
0x6f: {  	_ =	shalt  }
0x70: {  	_ =	shalt  }
0x71: {  	_ =	shalt  }
0x72: {  	_ =	shalt  }
0x73: {  	_ =	shalt  }
0x74: {  	_ =	shalt  }
0x75: {  	_ =	shalt  }
0x76: {  	_ =	shalt  }
0x77: {  	_ =	shalt  }
0x78: {  	_ =	shalt  }
0x79: {  	_ =	shalt  }
0x7a: {  	_ =	shalt  }
0x7b: {  	_ =	shalt  }
0x7c: {  	_ =	shalt  }
0x7d: {  	_ =	shalt  }
0x7e: {  	_ =	shalt  }
0x7f: {  	_ =	shalt  }
0x80: {  	_ =	shalt  }
0x81: {  	_ =	shalt  }
0x82: {  	_ =	shalt  }
0x83: {  	_ =	shalt  }
0x84: {  	_ =	shalt  }
0x85: {  	_ =	shalt  }
0x86: {  	_ =	shalt  }
0x87: {  	_ =	shalt  }
.Lfunc_end0:
.L_simem_size_0:
called_computation.1_lowered:
.L_overlay_start_0:
0x88: {  	s0 =	sld [smem:$0x3FD9]  }
0x89: {  	s1 =	sld [smem:$0x3FFE];
	_ =	sdelay $0x3  }
0x8a: {  	s0 =	sadd.s32 s1, s0  }
0x8b: {  	[smem:$0x3FB7] =	sst s0  }
0x8c: {  	_ = 	snop  }
0x8d: {  	(tm) =	ssettm $0x1  }
0x8e: {  	s15 =	sld [smem:$0x3FFB];
	_ =	sdelay $0x3  }
0x8f: {  	_ =	strace s15  }
0x90: {  	s0 =	sld [smem:$0x3FFC];
	_ =	sdelay $0x3  }
0x91: {  	_ =	strace s0  }
0x92: {  	s0 =	sld [smem:$0x3FFD];
	_ =	sdelay $0x3  }
0x93: {  	_ =	strace s0  }
0x94: {  	_ =	strace $0x8FFFFFFF  }
0x95: {  	s16 =	sld [smem:$0x3FDB];
	_ =	sdelay $0x1  }
0x96: {  	s17 =	simm.s32 $_scs_section_size  }
0x97: {  	s2 =	simm.s32 $_size__tile_overlayer_lowered;
	s3 =	simm.s32 $_tile_overlayer_lowered  }
0x98: {  	s20 =	simm.s32 $0x1BFF;
	s19 =	sshll.u32 s3, $0x1;
	s0 =	sadd.s32 s17, s16  }
0x99: {  	s4 =	simm.s32 $0x0;
	s18 =	sshll.u32 s2, $0x1;
	s2 =	sadd.s32 s19, s0  }
0x9a: {  	[timem:s4], [sflag:s20] =	dma.local [hbm:s2], s18  }
0x9b: {  	_ =	swait.ge [sflag:s20], s18  }
0x9c: {  	s1 =	ssub.s32 $0x0, s18;
	[sflag:s20] =	ssyncset.done $0x0  }
0x9d: {  	[sflag:s20] =	ssyncadd.s32 s1;
	_ =	sdelay $0x1  }
0x9e: {  	s21 =	simm.s32 $0x1B8B  }
0x9f: {  	_ =	swait.ge [sflag:s21], $0x1  }
0xa0: {  	[sflag:s21] =	ssyncset.done $0x0  }
0xa1: {  	s23 =	simm.s32 $0x1B8E;
	s22 =	sld [smem:$0x3FFE];
	[sflag:s21] =	ssyncadd.s32 $0xFFFFFFFF  }
0xa2: {  	s24 =	simm.s32 $execute0_lowered;
	[smem:$0x3FD2] =	sst s23  }
0xa3: {  	s2 =	sshll.u32 s24, $0x1;
	_ =	strace $0x80000049;
	[dreg:$0x1] =	wrdreg $0xFFFFFFFF  }
0xa4: {  	s25 =	simm.s32 $_size_execute0_lowered;
	s0 =	sadd.s32 s0, s2;
	[dreg:$0x0] =	wrdreg $0x0  }
0xa5: {  	s2 =	sshll.u32 s25, $0x1;
	[dreg:$0x2] =	wrdreg s0  }
0xa6: {  	[dreg:$0x3] =	wrdreg s2  }
0xa7: {  	[dreg:$0x4] =	wrdreg $0xC0  }
0xa8: {  	_ =	task [dreg:s4], $0x5FFFF  }
0xa9: {  	[dreg:$0x1] =	wrdreg $0xFFFFFFFF  }
0xaa: {  	[dreg:$0x0] =	wrdreg $0x60  }
0xab: {  	[dreg:$0x2] =	wrdreg s22  }
0xac: {  	[dreg:$0x3] =	wrdreg $0xA  }
0xad: {  	_ =	task.clear_ibuf [dreg:s4], $0x4FFFF;
	_ =	strace $0x90000049  }
0xae: {  	s26 =	simm.s32 $0xA;
	_ =	strace $0x8000004B  }
0xaf: {  	_ =	swait.ge [sflag:s26], $0x1  }
0xb0: {  	[sflag:s26] =	ssyncadd.s32 $0xFFFFFFFF  }
0xb1: {  	_ =	strace $0x9000004B  }
0xb2: {  	_ =	sfence  }
0xb3: {  	s28 =	sld [smem:$0x0];
	_ =	sdelay $0x1  }
0xb4: {  	s29 =	srdreg.scid  }
0xb5: {  	s30 =	sshll.u32 s29, $0xD;
	s31 =	sshrl.u32 s29, $0x2  }
0xb6: {  	s1 =	sand.u32 $0x1, s29;
	s2 =	sand.u32 $0x4000, s30;
	s0 =	sadd.s32 s31, s28  }
0xb7: {  	s1 =	sor.u32 s2, s1;
	s0 =	sshll.u32 s0, $0x11  }
0xb8: {  	s0 =	sor.u32 s0, s1  }
0xb9: {  	s0 =	sadd.s32 $0x8F2B, s0  }
0xba: {  	[sflag:s0] =	ssyncadd.remote.s32 $0x1  }
0xbb: {  	_ =	sfence.sel $0xFFFF  }
0xbc: {  	[dreg:$0x0] =	wrdreg $0xFFFFFFFF;
	(pc) =	sbr.abs _section_cstart, $3  }
0xbd: {  	[dreg:$0x1] =	wrdreg $0xFFFFFFFF  }
0xbe: {  	_ =	task.clear_ibuf [dreg:s4], $0x2FFFF;
	_ =	strace $0x9FFFFFFF  }
0xbf: {  	(tm) =	ssettm $0x7FFFFFFF  }
tec
execute0_lowered:
.L_overlay_start_1:
0x0: {  	(tag) =	ssettag $0x1  }
0x1: {  	s30 =	rddreg [dreg:$0x0];
	_ =	strace $0x8000004A;
	s0 =	simm.s32 $0x1  }
0x2: {  	s9 =	simm.s32 $0x108;
	v0 =	vimm.s32 $0x0;
	[sflag:s0] =	ssyncpa.u1 $0x0  }
0x3: {  	[tilespmem:s9+$0x70] =	vst v0  }
0x4: {  	[tilespmem:s9+$0x60] =	vst v0  }
0x5: {  	[tilespmem:s9+$0x50] =	vst v0  }
0x6: {  	[tilespmem:s9+$0x40] =	vst v0  }
0x7: {  	[tilespmem:s9+$0x30] =	vst v0  }
0x8: {  	s1 =	sadd.s32 $0x27200, s30;
	[tilespmem:s9+$0x20] =	vst v0  }
0x9: {  	s5 =	sadd.s32 $0x2A4200, s30;
	s6 =	sadd.s32 $0x2A4800, s30;
	s0 =	simm.s32 $0x40;
	[tilespmem:s9+$0x10] =	vst v0  }
.LBB2_1:
0xa: {  	s0 =	sadd.s32 $0x40, s0;
	[tilespmem:s9+$0x0] =	vst v0;
	s9 =	sadd.s32 $0x80, s9  }
0xb: {  	p0 =	slt.u32 s0, $0x3C40;
	[tilespmem:s9+$0x70] =	vst v0  }
0xc: {  	[tilespmem:s9+$0x60] =	vst v0  }
.Ltmp0:
0xd: {  	[tilespmem:s9+$0x50] =	vst v0;
	(pc) =	sbr.rel @p0 .LBB2_1-.Ltmp0, $4  }
0xe: {  	[tilespmem:s9+$0x40] =	vst v0  }
0xf: {  	[tilespmem:s9+$0x30] =	vst v0  }
0x10: {  	[tilespmem:s9+$0x20] =	vst v0  }
0x11: {  	[tilespmem:s9+$0x10] =	vst v0  }
0x12: {  	s3 =	stileid.u32  }
0x13: {  	s2 =	sshll.u32 s3, $0x1;
	s0 =	smin.u32 s3, $0xA  }
0x14: {  	s0 =	sadd.s32 s0, s2  }
0x15: {  	p0 =	slt.u32 s3, $0xA;
	s7 =	smul.u32 $0xF0, s0;
	s0 =	simm.s32 $0x2D0  }
0x16: {  	s0 =	simm.s32 @!p0 $0x1E0  }
0x17: {  	s0 =	sadd.s32 s0, s7  }
0x18: {  	s8 =	smin.u32 s0, $0x2710  }
0x19: {  	s0 =	ssub.s32 s8, s7  }
0x1a: {  	p0 =	sgt.s32 s0, $0x0  }
0x1b: {  	s0 =	simm.s32 @!p0 $0x0  }
0x1c: {  	s4 =	simm.s32 $0x2;
	s29 =	smul.u32 $0x8889, s0  }
0x1d: {  	s10 =	simm.s32 $0x7;
	s31 =	simm.s32 $0x8;
	s11 =	simm.s32 $0x9  }
0x1e: {  	s20 =	simm.s32 $0x0;
	[dreg:$0x2] =	wrdreg s2;
	s2 =	sshrl.u32 s29, $0x17  }
0x1f: {  	s16 =	simm.s32 $0xA;
	s18 =	simm.s32 $0x0;
	s12 =	smul.u32 $0xF0, s2  }
.Ltmp1:
0x20: {  	[tilespmem:s9+$0x0] =	vst v0;
	v0 =	vimm.s32 $0xFFFFFFFF;
	s19 =	simm.s32 $0x0;
	[sflag:s4] =	ssyncpa.u1 $0x0;
	(pc) =	sbr.rel .LBB2_3-.Ltmp1, $4  }
0x21: {  	[tilespmem:$0xF208] =	vst v0;
	[sflag:s10] =	ssyncpa.u1 $0x0;
	p0 =	sne.s32 s0, s12;
	s0 =	simm.s32 $0x1  }
0x22: {  	s14 =	sshll.u32 s3, $0x8;
	[sflag:s31] =	ssyncpa.u1 $0x0;
	s0 =	simm.s32 @!p0 $0x0  }
0x23: {  	[sflag:s11] =	ssyncpa.u1 $0x0;
	s17 =	smov.u32 s7;
	s13 =	sadd.s32 s2, s0  }
0x24: {  	v0 =	vlaneseq.u32;
	s12 =	simm.s32 $0x1;
	p0 =	por $0x0, $0x0;
	s15 =	sadd.s32 $0x1, s13  }
.LBB2_18:
0x25: {  	s0 =	sshrl.u32 s29, $0x2  }
.LBB2_20:
0x26: {  	_ =	swait.ge [sflag:s16], s0  }
0x27: {  	s31 =	ssub.s32 $0x0, s0;
	v1 =	vmov s22;
	vm0 =	veq.s32 v0, $0x0;
	[sflag:s16] =	ssyncset.done $0x0  }
0x28: {  	vm15 =	veq.s32 v0, $0x2;
	v1 =	vsel vm0, s28, v1;
	[sflag:s16] =	ssyncadd.s32 s31  }
0x29: {  	v1 =	vsel vm15, s20, v1;
	[sflag:s16] =	ssyncpa.u1 $0x1  }
0x2a: {  	[tilespmem:$0xF208] =	vst v1  }
.LBB2_21:
0x2b: {  	s0 =	sadd.s32 $0xF0, s17  }
0x2c: {  	s2 =	smov.u32 s7;
	p1 =	slt.s32 s0, s8  }
0x2d: {  	s2 =	smov.u32 @p1 s0;
	p1 =	sne.s32 s19, s15  }
.Ltmp2:
0x2e: {  	_ = 	snop;
	(pc) =	sbr.rel @!p1 .LBB2_22-.Ltmp2, $3  }
0x2f: {  	_ =	sdelay $0x1  }
0x30: {  	s20 =	smov.u32 s18;
	s31 =	sadd.s32 $0x1, s19;
	s18 =	smov.u32 s17  }
0x31: {  	p0 =	por !p0, !p0;
	s19 =	smov.u32 s31;
	s17 =	smov.u32 s2  }
.LBB2_3:
0x32: {  	p1 =	sge.u32 s19, s13  }
0x33: {  	s0 =	smulhi.u32 @!p1 $0xAAAAAAAB, s19  }
0x34: {  	s2 =	smov.u32 s17;
	p2 =	sgt.s32 @!p1 s17, $0x2620  }
0x35: {  	s4 =	sshra.s32 @!p1 s17, $0x1F;
	p2 =	por !p2, p1;
	s0 =	sshrl.u32 @!p1 s0, $0x1  }
0x36: {  	s4 =	sand.u32 @!p1 s4, s17;
	s2 =	simm.s32 @p2 $0x2620;
	s0 =	smul.u32 @!p1 $0x3, s0  }
0x37: {  	s2 =	ssub.s32 @!p1 s2, s4  }
0x38: {  	s2 =	sadd.s32 @!p1 $0xFFFFD9E0, s2;
	s0 =	ssub.s32 @!p1 s19, s0  }
0x39: {  	s4 =	sshll.u32 @!p1 s2, $0x2;
	p2 =	sgt.s32 @!p1 s2, $0xEF;
	s0 =	smul.u32 @!p1 $0x3C0, s0  }
0x3a: {  	s21 =	sand.u32 @!p1 $0x7, s17;
	s2 =	ssub.s32 @!p1 $0x3C0, s4;
	p2 =	por !p2, p1  }
0x3b: {  	s4 =	sshrl.u32 @!p1 s17, $0x3;
	s2 =	sshrl.u32 @!p1 s2, $0x2;
	s0 =	sshrl.u32 @!p1 s0, $0x2  }
0x3c: {  	s4 =	sadd.s32 @!p1 s6, s4;
	s2 =	simm.s32 @!p2 $0x0;
	s0 =	sadd.s32 @!p1 $0x10238, s0  }
0x3d: {  	[tilespmem:s0], [sflag:$0x8] =	stream.linear.gather @!p1 [hbm4b:s4+s21], s2, $0x38;
	[tilespmem:$0x1F6E8] =	vst v63  }
0x3e: {  	s0 =	sadd.s32 $0xFFFFFFFF, s19  }
0x3f: {  	p1 =	sge.u32 s0, s13  }
0x40: {  	p2 =	sgt.s32 @!p1 s18, $0x2620  }
0x41: {  	s2 =	smov.u32 s18;
	s4 =	sshra.s32 @!p1 s18, $0x1F;
	p2 =	por !p2, p1  }
0x42: {  	s4 =	sand.u32 @!p1 s4, s18;
	s2 =	simm.s32 @p2 $0x2620  }
0x43: {  	s2 =	ssub.s32 @!p1 s2, s4  }
0x44: {  	s2 =	sadd.s32 @!p1 $0xFFFFD9E0, s2  }
0x45: {  	s21 =	sand.u32 @!p1 $0x1, s0;
	s4 =	sshll.u32 @!p1 s2, $0x2  }
0x46: {  	p2 =	sgt.s32 @!p1 s2, $0xEF;
	s2 =	ssub.s32 @!p1 $0x3C0, s4;
	s4 =	smulhi.u32 @!p1 $0xAAAAAAAB, s0  }
0x47: {  	s23 =	smul.u32 @!p1 $0x3C0, s21;
	p2 =	por !p2, p1;
	s2 =	sshrl.u32 @!p1 s2, $0x2  }
0x48: {  	s22 =	simm.s32 @!p1 $0x8;
	s2 =	simm.s32 @!p2 $0x0;
	s4 =	sshrl.u32 @!p1 s4, $0x1  }
0x49: {  	s23 =	sshrl.u32 @!p1 s23, $0x2;
	_ =	swait.ge @!p1 [sflag:s22], s2;
	s4 =	smul.u32 @!p1 $0x3, s4  }
0x4a: {  	s23 =	sor.u32 @!p1 $0x10508, s23;
	s24 =	ssub.s32 @!p1 $0x0, s2;
	[sflag:s22] =	ssyncset.done @!p1 $0x0  }
0x4b: {  	[sflag:s22] =	ssyncadd.s32 @!p1 s24;
	s22 =	sshrl.u32 @!p1 s18, $0x3;
	s0 =	ssub.s32 @!p1 s0, s4  }
0x4c: {  	s24 =	sand.u32 @!p1 $0x7, s18;
	s22 =	sadd.s32 @!p1 s5, s22;
	s0 =	smul.u32 @!p1 $0x3C0, s0  }
0x4d: {  	[tilespmem:s23], [sflag:$0x9] =	stream.linear.gather @!p1 [hbm4b:s22+s24], s2, $0x38;
	[tilespmem:$0x1F6E8] =	vst v63  }
0x4e: {  	s4 =	ssub.s32 @!p1 $0x2710, s18;
	s2 =	smul.u32 @!p1 $0x1E000, s21  }
0x4f: {  	p2 =	slt.s32 @!p1 s4, $0xF0  }
0x50: {  	p2 =	por !p2, p1;
	s0 =	sshrl.u32 @!p1 s0, $0x2;
	s2 =	sshrl.u32 @!p1 s2, $0x2  }
0x51: {  	s4 =	simm.s32 @p2 $0xF0;
	s0 =	sadd.s32 @!p1 $0x10238, s0;
	s2 =	sor.u32 @!p1 $0x106E8, s2  }
0x52: {  	[tilespmem:s2], [sflag:$0x7] =	stream.indirect.gather @!p1 [hbm4b:s30+s4], $0x80, s0, s4, $0xb8;
	[tilespmem:$0x1F6E8] =	vst v63  }
0x53: {  	p1 =	slt.u32 s19, $0x2  }
.Ltmp3:
0x54: {  	_ = 	snop;
	(pc) =	sbr.rel @p1 .LBB2_21-.Ltmp3, $1  }
0x55: {  	_ =	sdelay $0x3  }
0x56: {  	p1 =	sgt.s32 s20, $0x2620;
	s0 =	smov.u32 s20  }
0x57: {  	s2 =	sshra.s32 s20, $0x1F;
	s4 =	ssub.s32 $0x2710, s20;
	s0 =	simm.s32 @!p1 $0x2620  }
0x58: {  	s2 =	sand.u32 s2, s20;
	p1 =	slt.s32 s4, $0xF0;
	s21 =	smov.u32 s4  }
0x59: {  	s0 =	ssub.s32 s0, s2;
	s21 =	simm.s32 @!p1 $0xF0  }
0x5a: {  	s0 =	sadd.s32 $0xFFFFD9E0, s0;
	s25 =	sshll.u32 s21, $0x7  }
0x5b: {  	s26 =	sshll.u32 s0, $0x2;
	s2 =	sand.u32 $0x3FFFFF80, s25  }
0x5c: {  	p1 =	sgt.s32 s0, $0xEF;
	s29 =	ssub.s32 $0x3C0, s26;
	_ =	swait.ge [sflag:s10], s2  }
0x5d: {  	s2 =	ssub.s32 $0x0, s2;
	[sflag:s10] =	ssyncset.done $0x0;
	s0 =	sshrl.u32 s29, $0x2  }
0x5e: {  	[sflag:s10] =	ssyncadd.s32 s2;
	s0 =	simm.s32 @p1 $0x0  }
0x5f: {  	_ =	swait.ge [sflag:s11], s0  }
0x60: {  	s0 =	ssub.s32 $0x0, s0;
	[sflag:s11] =	ssyncset.done $0x0  }
0x61: {  	[sflag:s11] =	ssyncadd.s32 s0  }
0x62: {  	v1 =	vld [tilespmem:$0xF208];
	_ =	sdelay $0x4  }
0x63: {  	(v2sf) =	vpush v1, $0x0  }
0x64: {  	(v2sf) =	vpush v1, $0x1  }
0x65: {  	(v2sf) =	vpush v1, $0x2;
	_ =	sdelay $0x3  }
0x66: {  	s0 =	sadd.s32 $0xF0, s20  }
0x67: {  	p1 =	slt.s32 s8, s0  }
0x68: {  	s0 =	smov.u32 @p1 s8;
	p1 =	sgt.s32 s4, $0x0  }
0x69: {  	s24 =	ssub.s32 s0, s20;
	s4 =	simm.s32 @!p1 $0x0  }
0x6a: {  	p1 =	slt.s32 s4, s24  }
0x6b: {  	s24 =	smov.u32 @p1 s4  }
0x6c: {  	s23 =	simm.s32 $0x1;
	p1 =	slt.s32 s24, $0x1  }
.Ltmp4:
0x6d: {  	s23 =	simm.s32 @!p0 $0x0;
	(pc) =	sbr.rel @p1 .LBB2_8-.Ltmp4, $4  }
0x6e: {  	s31 =	smul.u32 $0x3C0, s23  }
0x6f: {  	s25 =	spop (v2sf)  }
0x70: {  	s0 =	sshrl.u32 s31, $0x2;
	s28 =	spop (v2sf)  }
0x71: {  	s21 =	sor.u32 $0x10508, s0;
	s20 =	spop (v2sf)  }
0x72: {  	s0 =	smin.u32 s24, $0x10  }
0x73: {  	v1 =	vmov s0  }
0x74: {  	p2 =	sgt.s32 s24, $0x10;
	vm1 =	vgt.u32 v1, v0  }
.Ltmp5:
0x75: {  	_ = 	snop;
	(pc) =	sbr.rel @!p2 .LBB2_7-.Ltmp5, $2  }
0x76: {  	_ =	sdelay $0x2  }
0x77: {  	s26 =	simm.s32 $0x10;
	s29 =	sadd.s32 $0xFFFFFFF0, s24;
	s22 =	smov.u32 s21;
	vm0 =	vmmov vm1  }
.LBB2_6:
0x78: {  	s0 =	smin.u32 s29, $0x10;
	s26 =	sadd.s32 $0x10, s26;
	v1 =	vld.msk [tilespmem:s22+$0x0 ss:$0x1], vm1  }
0x79: {  	v2 =	vmov s0;
	p2 =	slt.s32 s26, s24  }
0x7a: {  	vm1 =	vgt.u32 v2, v0  }
.Ltmp6:
0x7b: {  	(pc) =	sbr.rel @p2 .LBB2_6-.Ltmp6, $3  }
0x7c: {  	_ =	sdelay $0x1  }
0x7d: {  	v1 =	vshll.u32 v1, $0x4  }
0x7e: {  	s29 =	sadd.s32 $0xFFFFFFF0, s29;
	[tilespmem:s22+$0x0] =	vst.msk vm0, v1;
	s22 =	sadd.s32 $0x10, s22;
	vm0 =	vmmov vm1  }
.LBB2_7:
0x7f: {  	_ =	sdelay $0x4  }
0x80: {  	v1 =	vld.msk [tilespmem:s22+$0x0 ss:$0x1], vm1;
	_ =	sdelay $0x4  }
0x81: {  	v1 =	vshll.u32 v1, $0x4  }
0x82: {  	[tilespmem:s22+$0x0] =	vst.msk vm0, v1  }
.LBB2_8:
0x83: {  	s0 =	sand.u32 $0x1, s19  }
0x84: {  	s0 =	smul.u32 $0xF0, s0  }
0x85: {  	p2 =	sne.s32 s28, $0xFFFFFFFF  }
0x86: {  	v1 =	vld.msk @!p2 [tilespmem:s0+$0x10508], $0x1;
	_ =	sdelay $0x4  }
0x87: {  	(v2sf) =	vpush @!p2 v1, $0x0;
	_ =	sdelay $0xc  }
.Ltmp7:
0x88: {  	_ = 	snop;
	(pc) =	sbr.rel @p1 .LBB2_19-.Ltmp7, $4  }
0x89: {  	_ = 	snop  }
0x8a: {  	s26 =	spop @!p2 (v2sf)  }
0x8b: {  	s20 =	simm.s32 @!p2 $0x0;
	s22 =	smov.u32 s26  }
0x8c: {  	[sflag:s16] =	ssyncpa.u1 $0x0;
	s26 =	smov.u32 @p2 s25;
	s22 =	smov.u32 @p2 s28  }
0x8d: {  	v1 =	vld.msk [tilespmem:s21+$0x0], $0x1;
	_ =	sdelay $0x4  }
0x8e: {  	(v2sf) =	vpush v1, $0x0;
	_ =	sdelay $0xe  }
0x8f: {  	s9 =	smov.u32 s30;
	s0 =	smul.u32 $0x1E000, s23;
	s30 =	spop (v2sf)  }
0x90: {  	s24 =	ssub.s32 $0x0, s24;
	p1 =	seq.s32 s26, s30  }
0x91: {  	s28 =	sadd.s32 $0x1, s24;
	s0 =	sshrl.u32 s0, $0x2;
	p2 =	sgt.s32 @!p1 s26, $0x0  }
0x92: {  	s23 =	sor.u32 $0x10728, s0;
	s0 =	smov.u32 s26;
	p2 =	por !p2, p1  }
0x93: {  	s0 =	simm.s32 @p2 $0x0;
	p2 =	seq.s32 s28, $0x0  }
.Ltmp8:
0x94: {  	_ = 	snop;
	(pc) =	sbr.rel @p2 .LBB2_11-.Ltmp8, $4  }
0x95: {  	_ = 	snop  }
0x96: {  	s25 =	simm.s32 $0x0;
	s31 =	simm.s32 @!p1 $0x1;
	s2 =	smin.u32 @!p1 s0, $0x170  }
0x97: {  	s29 =	sadd.s32 $0x1, s21;
	s31 =	smov.u32 @p1 s25;
	s4 =	sand.u32 @!p1 $0x1F8, s2  }
0x98: {  	s0 =	simm.s32 @!p1 $0x7988;
	s2 =	sand.u32 @!p1 $0x7, s2;
	s4 =	sadd.s32 @!p1 s1, s4  }
.LBB2_10:
0x99: {  	s3 =	smov.u32 s31  }
0x9a: {  	[tilespmem:s0], [sflag:$0x2] =	stream.linear.gather @!p1 [hbm4b:s4+s2], $0x80, $0x38;
	[tilespmem:$0x1F6E8] =	vst v63  }
0x9b: {  	s28 =	sadd.s32 $0x1, s28;
	s2 =	smov.u32 s30;
	v1 =	vld.msk [tilespmem:s29+$0x0], $0x1  }
0x9c: {  	p2 =	seq.s32 s28, $0x0;
	_ =	sdelay $0x3  }
0x9d: {  	(v2sf) =	vpush v1, $0x0;
	_ =	sdelay $0xe  }
0x9e: {  	s30 =	spop (v2sf)  }
0x9f: {  	p1 =	seq.s32 s2, s30  }
0xa0: {  	p3 =	sgt.s32 @!p1 s2, $0x0;
	s0 =	sshll.u32 @!p1 s31, $0x9;
	s31 =	sadd.s32 @!p1 $0x1, s31  }
.Ltmp9:
0xa1: {  	p3 =	por !p3, p1;
	s0 =	sshra.s32 @!p1 s0, $0x2;
	(pc) =	sbr.rel @!p2 .LBB2_10-.Ltmp9, $4  }
0xa2: {  	s31 =	smov.u32 @p1 s3;
	s2 =	simm.s32 @p3 $0x0;
	s0 =	sadd.s32 @!p1 $0x7988, s0  }
0xa3: {  	s2 =	smin.u32 @!p1 s2, $0x170  }
0xa4: {  	s3 =	sand.u32 @!p1 $0x1F8, s2;
	s2 =	sand.u32 @!p1 $0x7, s2  }
0xa5: {  	s29 =	sadd.s32 $0x1, s29;
	s4 =	sadd.s32 @!p1 s1, s3  }
.LBB2_11:
0xa6: {  	[tilespmem:s0], [sflag:$0x2] =	stream.linear.gather @!p1 [hbm4b:s4+s2], $0x80, $0x38;
	[tilespmem:$0x1F6E8] =	vst v63  }
.Ltmp10:
0xa7: {  	s28 =	sshll.u32 s31, $0x7;
	(pc) =	sbr.rel .LBB2_12-.Ltmp10, $4  }
0xa8: {  	s31 =	simm.s32 $0x2;
	s0 =	sand.u32 $0x3FFFFF80, s28  }
0xa9: {  	_ =	swait.ge [sflag:s31], s0  }
0xaa: {  	s0 =	ssub.s32 $0x0, s0;
	[sflag:s31] =	ssyncset.done $0x0  }
0xab: {  	s29 =	simm.s32 $0x0;
	s30 =	smov.u32 s9;
	[sflag:s31] =	ssyncadd.s32 s0  }
.LBB2_13:
0xac: {  	v1 =	vld [tilespmem:s23+$0xFFFFFFC0];
	_ =	sdelay $0x3  }
0xad: {  	s0 =	sshra.s32 s0, $0x2  }
0xae: {  	[tilespmem:s0+$0x108] =	vst.add.f32.msk $0xffff, v1  }
0xaf: {  	v1 =	vld [tilespmem:s23+$0xFFFFFFD0];
	_ =	sdelay $0x4  }
0xb0: {  	[tilespmem:s0+$0x118] =	vst.add.f32.msk $0xffff, v1  }
0xb1: {  	v1 =	vld [tilespmem:s23+$0xFFFFFFE0];
	_ =	sdelay $0x4  }
0xb2: {  	[tilespmem:s0+$0x128] =	vst.add.f32.msk $0xffff, v1  }
0xb3: {  	v1 =	vld [tilespmem:s23+$0xFFFFFFF0];
	_ =	sdelay $0x4  }
0xb4: {  	[tilespmem:s0+$0x138] =	vst.add.f32.msk $0xffff, v1  }
0xb5: {  	v1 =	vld [tilespmem:s23+$0x0];
	_ =	sdelay $0x4  }
0xb6: {  	[tilespmem:s0+$0x148] =	vst.add.f32.msk $0xffff, v1  }
0xb7: {  	v1 =	vld [tilespmem:s23+$0x10];
	_ =	sdelay $0x4  }
0xb8: {  	[tilespmem:s0+$0x158] =	vst.add.f32.msk $0xffff, v1  }
0xb9: {  	v1 =	vld [tilespmem:s23+$0x20];
	_ =	sdelay $0x4  }
0xba: {  	[tilespmem:s0+$0x168] =	vst.add.f32.msk $0xffff, v1  }
0xbb: {  	v1 =	vld [tilespmem:s23+$0x30];
	_ =	sdelay $0x4  }
0xbc: {  	[tilespmem:s0+$0x178] =	vst.add.f32.msk $0xffff, v1  }
.LBB2_17:
0xbd: {  	s24 =	sadd.s32 $0x1, s24  }
0xbe: {  	p1 =	seq.s32 s24, $0x0  }
.Ltmp11:
0xbf: {  	_ = 	snop;
	(pc) =	sbr.rel @p1 .LBB2_18-.Ltmp11, $2  }
0xc0: {  	_ =	sdelay $0x2  }
0xc1: {  	s21 =	sadd.s32 $0x1, s21;
	s23 =	sadd.s32 $0x80, s23;
	s26 =	smov.u32 s28  }
.LBB2_12:
0xc2: {  	v1 =	vld.msk [tilespmem:s21+$0x0], $0x1;
	_ =	sdelay $0x4  }
0xc3: {  	(v2sf) =	vpush v1, $0x0;
	_ =	sdelay $0xe  }
0xc4: {  	s28 =	spop (v2sf)  }
0xc5: {  	p1 =	sne.s32 s26, s28  }
.Ltmp12:
0xc6: {  	_ = 	snop;
	(pc) =	sbr.rel @!p1 .LBB2_13-.Ltmp12, $2  }
0xc7: {  	_ =	sdelay $0x2  }
0xc8: {  	s0 =	sshll.u32 s20, $0x9  }
0xc9: {  	p1 =	seq.s32 s26, s22  }
.Ltmp13:
0xca: {  	_ = 	snop;
	(pc) =	sbr.rel @!p1 .LBB2_15-.Ltmp13, $1  }
0xcb: {  	_ =	sdelay $0x3  }
0xcc: {  	s0 =	sshra.s32 s0, $0x2  }
.Ltmp14:
0xcd: {  	s0 =	sadd.s32 $0x108, s0;
	(pc) =	sbr.rel .LBB2_16-.Ltmp14, $4  }
0xce: {  	[spmem:s14] =	stream.linear.scatter [tilespmem:s0], [sflag:$0x1], $0x80, $0x38;
	[tilespmem:$0x1F6E8] =	vst v63  }
0xcf: {  	_ =	swait.ge [sflag:s12], $0x80  }
0xd0: {  	[sflag:s12] =	ssyncset.done $0x0  }
0xd1: {  	[sflag:s12] =	ssyncadd.s32 $0xFFFFFF80  }
.LBB2_15:
0xd2: {  	s2 =	sshll.u32 s25, $0x9  }
0xd3: {  	s2 =	sshra.s32 s2, $0x2  }
0xd4: {  	v1 =	vld [tilespmem:s2+$0x7988];
	_ =	sdelay $0x3  }
0xd5: {  	s0 =	sshra.s32 s0, $0x2  }
0xd6: {  	[tilespmem:s0+$0x108] =	vst.add.f32.msk $0xffff, v1  }
0xd7: {  	v1 =	vld [tilespmem:s2+$0x7998];
	_ =	sdelay $0x4  }
0xd8: {  	[tilespmem:s0+$0x118] =	vst.add.f32.msk $0xffff, v1  }
0xd9: {  	v1 =	vld [tilespmem:s2+$0x79A8];
	_ =	sdelay $0x4  }
0xda: {  	[tilespmem:s0+$0x128] =	vst.add.f32.msk $0xffff, v1  }
0xdb: {  	v1 =	vld [tilespmem:s2+$0x79B8];
	_ =	sdelay $0x4  }
0xdc: {  	[tilespmem:s0+$0x138] =	vst.add.f32.msk $0xffff, v1  }
0xdd: {  	v1 =	vld [tilespmem:s2+$0x79C8];
	_ =	sdelay $0x4  }
0xde: {  	[tilespmem:s0+$0x148] =	vst.add.f32.msk $0xffff, v1  }
0xdf: {  	v1 =	vld [tilespmem:s2+$0x79D8];
	_ =	sdelay $0x4  }
0xe0: {  	[tilespmem:s0+$0x158] =	vst.add.f32.msk $0xffff, v1  }
0xe1: {  	v1 =	vld [tilespmem:s2+$0x79E8];
	_ =	sdelay $0x4  }
0xe2: {  	[tilespmem:s0+$0x168] =	vst.add.f32.msk $0xffff, v1  }
0xe3: {  	v1 =	vld [tilespmem:s2+$0x79F8];
	_ =	sdelay $0x2  }
0xe4: {  	p1 =	sgt.u32 s26, $0x170  }
0xe5: {  	s2 =	sand.u32 @!p1 $0x1F8, s26  }
0xe6: {  	s3 =	sadd.s32 $0x108, s0;
	[tilespmem:s0+$0x178] =	vst.add.f32.msk $0xffff, v1;
	s0 =	sadd.s32 @!p1 s1, s2;
	s2 =	sand.u32 @!p1 $0x7, s26  }
0xe7: {  	[hbm4b:s0+s2] =	stream.linear.scatter @!p1 [tilespmem:s3], [sflag:$0xA], $0x80, $0x38;
	[tilespmem:$0x1F6E8] =	vst v63  }
0xe8: {  	s0 =	simm.s32 $0x0  }
0xe9: {  	s0 =	simm.s32 @!p1 $0x200  }
0xea: {  	s29 =	sadd.s32 s0, s29  }
.LBB2_16:
0xeb: {  	s0 =	sadd.s32 $0x1, s20  }
0xec: {  	s2 =	smulhi.u32 $0x88888889, s0;
	_ =	sdelay $0x1  }
0xed: {  	v1 =	vld [tilespmem:s23+$0xFFFFFFC0];
	s2 =	sshrl.u32 s2, $0x7  }
0xee: {  	s2 =	smul.u32 $0xF0, s2;
	_ =	sdelay $0x1  }
0xef: {  	s20 =	ssub.s32 s0, s2  }
0xf0: {  	s0 =	sshll.u32 s20, $0x7  }
0xf1: {  	[tilespmem:s0+$0x108] =	vst v1  }
0xf2: {  	v1 =	vld [tilespmem:s23+$0xFFFFFFD0];
	_ =	sdelay $0x4  }
0xf3: {  	[tilespmem:s0+$0x118] =	vst v1  }
0xf4: {  	v1 =	vld [tilespmem:s23+$0xFFFFFFE0];
	_ =	sdelay $0x4  }
0xf5: {  	[tilespmem:s0+$0x128] =	vst v1  }
0xf6: {  	v1 =	vld [tilespmem:s23+$0xFFFFFFF0];
	_ =	sdelay $0x4  }
0xf7: {  	[tilespmem:s0+$0x138] =	vst v1  }
0xf8: {  	v1 =	vld [tilespmem:s23+$0x0];
	_ =	sdelay $0x4  }
0xf9: {  	[tilespmem:s0+$0x148] =	vst v1  }
0xfa: {  	v1 =	vld [tilespmem:s23+$0x10];
	_ =	sdelay $0x4  }
0xfb: {  	[tilespmem:s0+$0x158] =	vst v1  }
0xfc: {  	v1 =	vld [tilespmem:s23+$0x20];
	_ =	sdelay $0x4  }
0xfd: {  	[tilespmem:s0+$0x168] =	vst v1  }
0xfe: {  	v1 =	vld [tilespmem:s23+$0x30]  }
.Ltmp15:
0xff: {  	_ = 	snop;
	(pc) =	sbr.rel .LBB2_17-.Ltmp15, $2  }
0x100: {  	_ =	sdelay $0x2  }
0x101: {  	s25 =	sadd.s32 $0x1, s25;
	[tilespmem:s0+$0x178] =	vst v1  }
.LBB2_19:
.Ltmp16:
0x102: {  	(pc) =	sbr.rel .LBB2_20-.Ltmp16, $4  }
0x103: {  	_ = 	snop  }
0x104: {  	s0 =	simm.s32 $0x2  }
0x105: {  	_ =	swait.ge [sflag:s0], $0x0  }
0x106: {  	s28 =	smov.u32 s26;
	[sflag:s0] =	ssyncset.done $0x0;
	s0 =	simm.s32 $0x0  }
.LBB2_22:
0x107: {  	_ =	sfence.sel $0x180000  }
0x108: {  	s0 =	simm.s32 $0x7;
	[bflag:$0x0] =	sbarrier.arrive $0xFFFF  }
0x109: {  	s24 =	simm.s32 $0x8;
	[sflag:s0] =	ssyncpa.u1 $0x1  }
0x10a: {  	s25 =	simm.s32 $0x9;
	[sflag:s24] =	ssyncpa.u1 $0x1  }
0x10b: {  	s26 =	simm.s32 $0x2;
	[sflag:s25] =	ssyncpa.u1 $0x1  }
0x10c: {  	[sflag:s26] =	ssyncpa.u1 $0x1  }
0x10d: {  	v0 =	vld [tilespmem:$0xF208];
	_ =	sdelay $0x4  }
0x10e: {  	(v2sf) =	vpush v0, $0x0  }
0x10f: {  	(v2sf) =	vpush v0, $0x1;
	_ =	sdelay $0x2  }
0x110: {  	(v2sf) =	vpush v0, $0x2;
	_ =	sdelay $0xa  }
0x111: {  	s0 =	spop (v2sf)  }
0x112: {  	s2 =	spop (v2sf)  }
0x113: {  	s3 =	smov.u32 s0;
	p0 =	sne.s32 s0, s2  }
0x114: {  	s3 =	simm.s32 @!p0 $0xFFFFFFFF  }
0x115: {  	v2 =	vimm.s32 $0x1;
	v3 =	vlaneseq.u32;
	v1 =	vmov s3;
	s3 =	spop (v2sf)  }
0x116: {  	v0 =	vperm.xlane v0, v2;
	v1 =	vperm.xlane v1, v3;
	p0 =	seq.s32 s3, $0xFFFFFFFF  }
0x117: {  	vm0 =	vcmask $0x3F04;
	s5 =	simm.s32 $0xF208;
	p1 =	sne.s32 @!p0 s0, s2  }
0x118: {  	s6 =	rddreg [dreg:$0x2];
	s0 =	simm.s32 @!p0 $0x1;
	v0 =	vsel vm0, v1, v0;
	p1 =	por !p1, p0  }
0x119: {  	s4 =	sor.u32 $0x1000, s6;
	s2 =	sshll.u32 @!p0 s3, $0x9;
	[tilespmem:$0xF208] =	vst v0;
	s0 =	simm.s32 @p1 $0x0  }
0x11a: {  	[spmem:s4] =	stream.linear.scatter [tilespmem:s5], [sflag:$0x1], $0x2, $0x38;
	[tilespmem:$0x1F6E8] =	vst v63  }
0x11b: {  	s2 =	sshra.s32 @!p0 s2, $0x2;
	s0 =	sor.u32 @!p0 s0, s6  }
0x11c: {  	s2 =	sadd.s32 @!p0 $0x108, s2;
	s0 =	sshll.u32 @!p0 s0, $0x7  }
0x11d: {  	[spmem:s0] =	stream.linear.scatter @!p0 [tilespmem:s2], [sflag:$0x1], $0x80, $0x38;
	[tilespmem:$0x1F6E8] =	vst v63  }
0x11e: {  	s2 =	simm.s32 @!p0 $0x82  }
0x11f: {  	s0 =	simm.s32 $0x1;
	s2 =	simm.s32 @p0 $0x2  }
0x120: {  	_ =	swait.ge [sflag:s0], s2  }
0x121: {  	s2 =	ssub.s32 $0x0, s2;
	[sflag:s0] =	ssyncset.done $0x0  }
0x122: {  	[sflag:s0] =	ssyncadd.s32 s2  }
0x123: {  	_ =	sfence.stream.spmem  }
0x124: {  	s28 =	simm.s32 $0x3;
	[bflag:$0x0] =	sbarrier.arrive $0xFFFF  }
0x125: {  	s29 =	simm.s32 $0x4;
	[sflag:s28] =	ssyncpa.u1 $0x1  }
0x126: {  	s30 =	simm.s32 $0x3C;
	s31 =	stileid.u32;
	[sflag:s29] =	ssyncpa.u1 $0x1  }
0x127: {  	p0 =	sne.s32 s31, $0x0;
	[sflag:s30] =	ssyncpa.u1 $0x1  }
0x128: {  	_ =	sfence @p0  }
0x129: {  	[sflag:s0] =	ssyncpa.u1 @p0 $0x1  }
0x12a: {  	_ =	strace @p0 $0x9000004A  }
0x12b: {  	[bflag:$0x2] =	sbarrier.arrive @p0 $0xFFFF  }
0x12c: {  	_ =	shalt @p0  }
.LBB2_23:
0x12d: {  	_ =	sfence.stream.spmem;
	s0 =	simm.s32 $0x5  }
0x12e: {  	s2 =	simm.s32 $0x1000;
	s3 =	simm.s32 $0xF218;
	[sflag:s0] =	ssyncpa.u1 $0x0  }
0x12f: {  	[tilespmem:s3], [sflag:$0x5] =	stream.linear.gather [spmem:s2], $0x20, $0x38;
	[tilespmem:$0x1F6E8] =	vst v63  }
0x130: {  	s30 =	simm.s32 $0xF238;
	s2 =	simm.s32 $0x0  }
0x131: {  	[tilespmem:s30], [sflag:$0x5] =	stream.linear.gather [spmem:s2], $0x1000, $0x38;
	[tilespmem:$0x1F6E8] =	vst v63  }
.Ltmp17:
0x132: {  	_ = 	snop;
	(pc) =	sbr.rel .LBB2_24-.Ltmp17, $4  }
0x133: {  	_ =	swait.ge [sflag:s0], $0x1020  }
0x134: {  	[sflag:s0] =	ssyncset.done $0x0  }
0x135: {  	s31 =	simm.s32 $0x6;
	[sflag:s0] =	ssyncadd.s32 $0xFFFFEFE0  }
0x136: {  	s3 =	simm.s32 $0x0;
	[sflag:s31] =	ssyncpa.u1 $0x0  }
.LBB2_30:
0x137: {  	p0 =	slt.u32 s4, $0x171  }
0x138: {  	s0 =	sand.u32 @p0 $0x1F8, s4  }
0x139: {  	s4 =	sand.u32 @p0 $0x7, s4;
	s5 =	simm.s32 @p0 $0xF188;
	s0 =	sadd.s32 @p0 s1, s0  }
0x13a: {  	[tilespmem:s5], [sflag:$0x6] =	stream.linear.gather @p0 [hbm4b:s0+s4], $0x80, $0x38;
	[tilespmem:$0x1F6E8] =	vst v63  }
0x13b: {  	s0 =	simm.s32 @p0 $0x6  }
0x13c: {  	_ =	swait.ge @p0 [sflag:s0], $0x80  }
0x13d: {  	[sflag:s0] =	ssyncset.done @p0 $0x0  }
0x13e: {  	[sflag:s0] =	ssyncadd.s32 @p0 $0xFFFFFF80  }
0x13f: {  	v1 =	vld @p0 [tilespmem:$0xF188];
	_ =	sdelay $0x2  }
0x140: {  	s0 =	sshll.u32 @p0 s3, $0x9  }
0x141: {  	s4 =	sshrl.u32 @p0 s0, $0x2  }
0x142: {  	[tilespmem:s4+$0xF238] =	vst.add.f32.msk @p0 $0xffff, v1  }
0x143: {  	v1 =	vld @p0 [tilespmem:$0xF198];
	_ =	sdelay $0x4  }
0x144: {  	[tilespmem:s4+$0xF248] =	vst.add.f32.msk @p0 $0xffff, v1  }
0x145: {  	v1 =	vld @p0 [tilespmem:$0xF1A8];
	_ =	sdelay $0x4  }
0x146: {  	[tilespmem:s4+$0xF258] =	vst.add.f32.msk @p0 $0xffff, v1  }
0x147: {  	v1 =	vld @p0 [tilespmem:$0xF1B8];
	_ =	sdelay $0x4  }
0x148: {  	[tilespmem:s4+$0xF268] =	vst.add.f32.msk @p0 $0xffff, v1  }
0x149: {  	v1 =	vld @p0 [tilespmem:$0xF1C8];
	_ =	sdelay $0x4  }
0x14a: {  	[tilespmem:s4+$0xF278] =	vst.add.f32.msk @p0 $0xffff, v1  }
0x14b: {  	v1 =	vld @p0 [tilespmem:$0xF1D8];
	_ =	sdelay $0x4  }
0x14c: {  	[tilespmem:s4+$0xF288] =	vst.add.f32.msk @p0 $0xffff, v1  }
0x14d: {  	v1 =	vld @p0 [tilespmem:$0xF1E8];
	_ =	sdelay $0x4  }
0x14e: {  	[tilespmem:s4+$0xF298] =	vst.add.f32.msk @p0 $0xffff, v1  }
0x14f: {  	v1 =	vld @p0 [tilespmem:$0xF1F8];
	_ =	sdelay $0x3  }
0x150: {  	s5 =	sshll.u32 @!p0 s3, $0x9  }
0x151: {  	s5 =	smov.u32 @p0 s0;
	[tilespmem:s4+$0xF2A8] =	vst.add.f32.msk @p0 $0xffff, v1  }
0x152: {  	s0 =	sshrl.u32 s5, $0x2;
	[tilespmem:s2+$0xF218] =	vst.msk $0x1, v0  }
0x153: {  	v0 =	vld [tilespmem:s0+$0xF238];
	_ =	sdelay $0x2  }
0x154: {  	s31 =	sshll.u32 s2, $0x9  }
0x155: {  	s4 =	sshra.s32 s31, $0x2  }
0x156: {  	[tilespmem:s4+$0xF238] =	vst v0  }
0x157: {  	v0 =	vld [tilespmem:s0+$0xF248];
	_ =	sdelay $0x4  }
0x158: {  	[tilespmem:s4+$0xF248] =	vst v0  }
0x159: {  	v0 =	vld [tilespmem:s0+$0xF258];
	_ =	sdelay $0x4  }
0x15a: {  	[tilespmem:s4+$0xF258] =	vst v0  }
0x15b: {  	v0 =	vld [tilespmem:s0+$0xF268];
	_ =	sdelay $0x4  }
0x15c: {  	[tilespmem:s4+$0xF268] =	vst v0  }
0x15d: {  	v0 =	vld [tilespmem:s0+$0xF278];
	_ =	sdelay $0x4  }
0x15e: {  	[tilespmem:s4+$0xF278] =	vst v0  }
0x15f: {  	v0 =	vld [tilespmem:s0+$0xF288];
	_ =	sdelay $0x4  }
0x160: {  	[tilespmem:s4+$0xF288] =	vst v0  }
0x161: {  	v0 =	vld [tilespmem:s0+$0xF298];
	_ =	sdelay $0x4  }
0x162: {  	[tilespmem:s4+$0xF298] =	vst v0  }
0x163: {  	v0 =	vld [tilespmem:s0+$0xF2A8];
	_ =	sdelay $0x4  }
0x164: {  	s2 =	sadd.s32 $0x1, s2;
	[tilespmem:s4+$0xF2A8] =	vst v0  }
.LBB2_31:
0x165: {  	s3 =	sadd.s32 $0x1, s3  }
0x166: {  	p0 =	sne.s32 s3, $0x20  }
.Ltmp18:
0x167: {  	_ = 	snop;
	(pc) =	sbr.rel @!p0 .LBB2_32-.Ltmp18, $1  }
0x168: {  	_ =	sdelay $0x3  }
.LBB2_24:
0x169: {  	v0 =	vld.msk [tilespmem:s3+$0xF218], $0x1;
	_ =	sdelay $0x4  }
0x16a: {  	(v2sf) =	vpush v0, $0x0;
	_ =	sdelay $0xe  }
0x16b: {  	s4 =	spop (v2sf)  }
0x16c: {  	p0 =	seq.s32 s4, $0xFFFFFFFF  }
.Ltmp19:
0x16d: {  	_ = 	snop;
	(pc) =	sbr.rel @p0 .LBB2_31-.Ltmp19, $1  }
0x16e: {  	_ =	sdelay $0x3  }
0x16f: {  	p0 =	slt.s32 s2, $0x1  }
.Ltmp20:
0x170: {  	_ = 	snop;
	(pc) =	sbr.rel @p0 .LBB2_30-.Ltmp20, $1  }
0x171: {  	_ =	sdelay $0x3  }
0x172: {  	s5 =	simm.s32 $0xF218;
	p0 =	por $0x0, $0x0  }
0x173: {  	v1 =	vld.msk @!p0 [tilespmem:s5+$0x0], $0x1;
	_ =	sdelay $0x4  }
0x174: {  	(v2sf) =	vpush @!p0 v1, $0x0;
	_ =	sdelay $0xd  }
0x175: {  	p2 =	sne.s32 s2, $0x1  }
.Ltmp21:
0x176: {  	s0 =	spop @!p0 (v2sf);
	(pc) =	sbr.rel @!p2 .LBB2_28-.Ltmp21, $4  }
0x177: {  	p1 =	seq.s32 @!p0 s4, s0  }
0x178: {  	s6 =	simm.s32 $0x0;
	p1 =	por !p1, p0  }
0x179: {  	s0 =	simm.s32 $0xFFFFFFFF;
	s6 =	simm.s32 @p1 $0xFFFFFFFF  }
0x17a: {  	s7 =	simm.s32 $0x1;
	s6 =	smov.u32 @p0 s0  }
.LBB2_27:
0x17b: {  	s0 =	smov.u32 s6;
	p0 =	sne.s32 s6, $0xFFFFFFFF  }
0x17c: {  	s5 =	sadd.s32 $0x1, s5;
	s6 =	smov.u32 s7;
	s7 =	sadd.s32 $0x1, s7  }
0x17d: {  	p1 =	sne.s32 s2, s7;
	v1 =	vld.msk @!p0 [tilespmem:s5+$0x0], $0x1;
	_ =	sdelay $0x4  }
0x17e: {  	(v2sf) =	vpush @!p0 v1, $0x0;
	_ =	sdelay $0xe  }
.Ltmp22:
0x17f: {  	s8 =	spop @!p0 (v2sf);
	(pc) =	sbr.rel @p1 .LBB2_27-.Ltmp22, $4  }
0x180: {  	p2 =	seq.s32 @!p0 s4, s8  }
0x181: {  	p2 =	por !p2, p0  }
0x182: {  	s6 =	simm.s32 @p2 $0xFFFFFFFF  }
0x183: {  	s6 =	smov.u32 @p0 s0  }
.LBB2_28:
0x184: {  	p0 =	seq.s32 s6, $0xFFFFFFFF  }
.Ltmp23:
0x185: {  	_ = 	snop;
	(pc) =	sbr.rel @p0 .LBB2_30-.Ltmp23, $1  }
0x186: {  	_ =	sdelay $0x3  }
0x187: {  	s0 =	sshll.u32 s3, $0x7  }
0x188: {  	s0 =	sand.u32 $0x3FFFFF80, s0  }
0x189: {  	v0 =	vld [tilespmem:s0+$0xF238];
	_ =	sdelay $0x2  }
0x18a: {  	s4 =	sshll.u32 s6, $0x9  }
0x18b: {  	s4 =	sshra.s32 s4, $0x2  }
0x18c: {  	[tilespmem:s4+$0xF238] =	vst.add.f32.msk $0xffff, v0  }
0x18d: {  	v0 =	vld [tilespmem:s0+$0xF248];
	_ =	sdelay $0x4  }
0x18e: {  	[tilespmem:s4+$0xF248] =	vst.add.f32.msk $0xffff, v0  }
0x18f: {  	v0 =	vld [tilespmem:s0+$0xF258];
	_ =	sdelay $0x4  }
0x190: {  	[tilespmem:s4+$0xF258] =	vst.add.f32.msk $0xffff, v0  }
0x191: {  	v0 =	vld [tilespmem:s0+$0xF268];
	_ =	sdelay $0x4  }
0x192: {  	[tilespmem:s4+$0xF268] =	vst.add.f32.msk $0xffff, v0  }
0x193: {  	v0 =	vld [tilespmem:s0+$0xF278];
	_ =	sdelay $0x4  }
0x194: {  	[tilespmem:s4+$0xF278] =	vst.add.f32.msk $0xffff, v0  }
0x195: {  	v0 =	vld [tilespmem:s0+$0xF288];
	_ =	sdelay $0x4  }
0x196: {  	[tilespmem:s4+$0xF288] =	vst.add.f32.msk $0xffff, v0  }
0x197: {  	v0 =	vld [tilespmem:s0+$0xF298];
	_ =	sdelay $0x4  }
0x198: {  	[tilespmem:s4+$0xF298] =	vst.add.f32.msk $0xffff, v0  }
0x199: {  	v0 =	vld [tilespmem:s0+$0xF2A8]  }
.Ltmp24:
0x19a: {  	_ = 	snop;
	(pc) =	sbr.rel .LBB2_31-.Ltmp24, $2  }
0x19b: {  	_ =	sdelay $0x2  }
0x19c: {  	[tilespmem:s4+$0xF2A8] =	vst.add.f32.msk $0xffff, v0  }
.LBB2_32:
0x19d: {  	p0 =	slt.s32 s2, $0x1  }
.Ltmp25:
0x19e: {  	_ = 	snop;
	(pc) =	sbr.rel @p0 .LBB2_36-.Ltmp25, $3  }
0x19f: {  	_ =	sdelay $0x1  }
0x1a0: {  	s0 =	simm.s32 $0x6  }
0x1a1: {  	s3 =	simm.s32 $0x0;
	[sflag:s0] =	ssyncpa.u1 $0x1  }
0x1a2: {  	s0 =	simm.s32 $0xF218  }
0x1a3: {  	v0 =	vld.msk [tilespmem:s0+$0x0], $0x1;
	_ =	sdelay $0x4  }
0x1a4: {  	(v2sf) =	vpush v0, $0x0;
	_ =	sdelay $0xe  }
0x1a5: {  	s2 =	sadd.s32 $0xFFFFFFFF, s2;
	s0 =	spop (v2sf)  }
0x1a6: {  	p1 =	sne.s32 s2, $0x0;
	p0 =	sgt.u32 s0, $0x170  }
.Ltmp26:
0x1a7: {  	s5 =	sand.u32 @!p0 $0x1F8, s0;
	(pc) =	sbr.rel @!p1 .LBB2_35-.Ltmp26, $4  }
0x1a8: {  	s4 =	simm.s32 $0xF238;
	s0 =	sand.u32 @!p0 $0x7, s0;
	s5 =	sadd.s32 @!p0 s1, s5  }
0x1a9: {  	[hbm4b:s5+s0] =	stream.linear.scatter @!p0 [tilespmem:s4], [sflag:$0x5], $0x80, $0x38;
	[tilespmem:$0x1F6E8] =	vst v63  }
0x1aa: {  	s0 =	simm.s32 $0x0  }
0x1ab: {  	s5 =	simm.s32 $0xF219;
	s0 =	simm.s32 @!p0 $0x200  }
.LBB2_34:
0x1ac: {  	v0 =	vld.msk [tilespmem:s5+$0x0], $0x1;
	s2 =	sadd.s32 $0xFFFFFFFF, s2;
	s3 =	sadd.s32 s3, s0  }
0x1ad: {  	p0 =	sne.s32 s2, $0x0;
	_ =	sdelay $0x3  }
0x1ae: {  	(v2sf) =	vpush v0, $0x0;
	_ =	sdelay $0xe  }
.Ltmp27:
0x1af: {  	s6 =	spop (v2sf);
	(pc) =	sbr.rel @p0 .LBB2_34-.Ltmp27, $4  }
0x1b0: {  	s0 =	simm.s32 $0x0;
	p1 =	sgt.u32 s6, $0x170  }
0x1b1: {  	s4 =	sadd.s32 $0x80, s4;
	s0 =	simm.s32 @!p1 $0x200;
	s7 =	sand.u32 @!p1 $0x1F8, s6  }
0x1b2: {  	s5 =	sadd.s32 $0x1, s5;
	s6 =	sand.u32 @!p1 $0x7, s6;
	s7 =	sadd.s32 @!p1 s1, s7  }
0x1b3: {  	[hbm4b:s7+s6] =	stream.linear.scatter @!p1 [tilespmem:s4], [sflag:$0x5], $0x80, $0x38;
	[tilespmem:$0x1F6E8] =	vst v63  }
.LBB2_35:
0x1b4: {  	s0 =	sadd.s32 s3, s0  }
0x1b5: {  	s3 =	sshrl.u32 s0, $0x2  }
.LBB2_36:
0x1b6: {  	s0 =	simm.s32 $0x5  }
0x1b7: {  	_ =	swait.ge [sflag:s0], s3  }
0x1b8: {  	s1 =	ssub.s32 $0x0, s3;
	[sflag:s0] =	ssyncset.done $0x0  }
0x1b9: {  	[sflag:s0] =	ssyncadd.s32 s1  }
0x1ba: {  	[sflag:s0] =	ssyncpa.u1 $0x1  }
0x1bb: {  	s30 =	simm.s32 $0x1;
	_ =	sfence  }
0x1bc: {  	[sflag:s30] =	ssyncpa.u1 $0x1  }
0x1bd: {  	_ =	strace $0x9000004A  }
0x1be: {  	[bflag:$0x2] =	sbarrier.arrive $0xFFFF  }
0x1bf: {  	s31 =	rddreg [dreg:$0x1]  }
0x1c0: {  	s0 =	sadd.s32 $0x100000, s31  }
0x1c1: {  	[sflag:s0] =	ssyncadd.tile.s32 $0x1;
	_ =	shalt  }
.Lfunc_end2:
_tile_overlayer_lowered:
.L_overlay_start_2:
0x1c2: {  	(tag) =	ssettag $0x2  }
0x1c3: {  	s0 =	rddreg [dreg:$0x0];
	s2 =	stileid.u32  }
0x1c4: {  	s1 =	rddreg [dreg:$0x1];
	p0 =	sne.s32 s2, $0x0  }
0x1c5: {  	s3 =	rddreg [dreg:$0x2];
	[bflag:$0x3] =	sbarrier.arrive $0xFFFF;
	s2 =	simm.s32 @!p0 $0x1C01  }
0x1c6: {  	[timem:s3], [sflag:s2] =	dma.local @!p0 [hbm:s0], s1  }
0x1c7: {  	s0 =	simm.s32 @!p0 $0x1  }
0x1c8: {  	_ =	swait.ge @!p0 [sflag:s0], s1  }
0x1c9: {  	s1 =	ssub.s32 @!p0 $0x0, s1;
	[sflag:s0] =	ssyncset.done @!p0 $0x0  }
0x1ca: {  	[sflag:s0] =	ssyncadd.s32 @!p0 s1  }
0x1cb: {  	[bflag:$0x3] =	sbarrier.arrive $0xFFFF  }
0x1cc: {  	_ =	shalt  }

// kernel: scatter_offload_async_start
scs
__scs_entry_jumppad:
0x0: {  	(pc) =	sbr.rel $0x88, $3  }
0x1: {  	(tag) =	ssettag $0x0;
	lr =	simm.s32 $0x1  }
0x2: {  	[smem:$0x3F90] =	sst lr;
	_ =	strace $0xD0000000  }
0x3: {  	_ = 	snop  }
0x4: {  	_ = 	snop  }
0x5: {  	_ = 	snop  }
0x6: {  	_ = 	snop  }
0x7: {  	_ = 	snop  }
__scs_overlays_trampoline_lowered:
0x8: {  	[smem:$0x3F9F] =	sst s0  }
0x9: {  	[smem:$0x3FA0] =	sst s1  }
0xa: {  	[smem:$0x3FA1] =	sst s2  }
0xb: {  	[smem:$0x3FA2] =	sst s3  }
0xc: {  	[smem:$0x3FA3] =	sst s4  }
0xd: {  	[smem:$0x3FA4] =	sst s5  }
0xe: {  	[smem:$0x3FA5] =	sst s6  }
0xf: {  	[smem:$0x3FA6] =	sst s7  }
0x10: {  	[smem:$0x3FA7] =	sst s8  }
0x11: {  	[smem:$0x3FA8] =	sst s9;
	s0 =	simm.s32 @!p0 $0x0  }
0x12: {  	s1 =	sld [smem:$0x3F8E];
	s0 =	simm.s32 @p0 $0x1  }
0x13: {  	[smem:$0x3FA9] =	sst s0;
	s0 =	simm.s32 @!p1 $0x0  }
0x14: {  	s2 =	sld [smem:$0x3F8D];
	s0 =	simm.s32 @p1 $0x1  }
0x15: {  	[smem:$0x3FAA] =	sst s0;
	s0 =	simm.s32 @!p2 $0x0  }
0x16: {  	s3 =	sld [smem:$0x3FDB];
	s0 =	simm.s32 @p2 $0x1  }
0x17: {  	s4 =	simm.s32 $0x1BF5;
	[smem:$0x3FAC] =	sst s0  }
0x18: {  	s0 =	sld [smem:$0x3F8F];
	_ =	swait.ge [sflag:s4], $0x0  }
0x19: {  	s7 =	sld [smem:$0x3F90]  }
0x1a: {  	s8 =	sadd.s32 $0xFFFFE003, lr  }
0x1b: {  	s9 =	sadd.s32 $0xFFFFFEF7, lr;
	s5 =	simm.s32 $0xFFFFFFFF;
	p2 =	slt.u32 s8, $0xFFFFF086  }
0x1c: {  	p1 =	slt.u32 s9, $0xF7A;
	s5 =	simm.s32 @!p2 $0x0  }
0x1d: {  	s5 =	simm.s32 @p1 $0x1;
	p0 =	seq.s32 s7, s2  }
0x1e: {  	s7 =	smul.u32 @!p0 $0xF7A, s2;
	p2 =	seq.s32 @!p0 s5, $0x0  }
0x1f: {  	s9 =	smul.u32 $0xF7A, s1;
	s8 =	simm.s32 @!p0 $0x1BF5;
	p2 =	por !p2, p0  }
0x20: {  	[sflag:s8] =	ssyncset.s32 @!p0 $0xFFFFF086;
	s6 =	sadd.s32 @!p0 s3, s7;
	s7 =	simm.s32 @!p0 $0x108  }
0x21: {  	s3 =	sadd.s32 s3, s9;
	s6 =	sadd.s32 @!p0 $0x88, s6;
	s7 =	simm.s32 @p2 $0x1082  }
0x22: {  	[simem:s7], [sflag:s8] =	dma.local @!p0 [hbm:s6], $0xF7A  }
0x23: {  	s9 =	sor.u32 $0xD0000000, s2;
	s6 =	simm.s32 $0x108;
	_ =	swait.ge @!p0 [sflag:s8], $0x0  }
0x24: {  	s3 =	sadd.s32 $0x88, s3;
	s6 =	simm.s32 @!p1 $0x1082;
	[sflag:s4] =	ssyncset.s32 $0xFFFFF086  }
0x25: {  	[simem:s6], [sflag:s4] =	dma.local [hbm:s3], $0xF7A  }
0x26: {  	[smem:$0x3F90] =	sst s1;
	(tag) =	ssettag s2;
	_ =	strace s9  }
0x27: {  	s1 =	sld [smem:$0x3FA0]  }
0x28: {  	s2 =	sld [smem:$0x3FA1]  }
0x29: {  	s4 =	sld [smem:$0x3FA3]  }
0x2a: {  	p0 =	seq.s32 s5, $0x0;
	s5 =	sld [smem:$0x3FA4]  }
0x2b: {  	s6 =	sld [smem:$0x3FA5]  }
0x2c: {  	s7 =	sld [smem:$0x3FA6]  }
0x2d: {  	s3 =	simm.s32 $0x108;
	s8 =	sld [smem:$0x3FA7]  }
0x2e: {  	s3 =	simm.s32 @!p0 $0x1082;
	s9 =	sld [smem:$0x3FA8]  }
0x2f: {  	lr =	sadd.s32 s0, s3;
	s0 =	sld [smem:$0x3F9F]  }
0x30: {  	s3 =	sld [smem:$0x3FA2]  }
0x31: {  	[smem:$0x3FAB] =	sst s10  }
0x32: {  	s10 =	sld [smem:$0x3FA9];
	_ =	sdelay $0x3  }
0x33: {  	p0 =	seq.s32 s10, $0x1;
	s10 =	sld [smem:$0x3FAB];
	_ =	sdelay $0x3  }
0x34: {  	[smem:$0x3FAB] =	sst s10  }
0x35: {  	s10 =	sld [smem:$0x3FAA];
	_ =	sdelay $0x3  }
0x36: {  	p1 =	seq.s32 s10, $0x1;
	s10 =	sld [smem:$0x3FAB];
	_ =	sdelay $0x3  }
0x37: {  	[smem:$0x3FAB] =	sst s10  }
0x38: {  	s10 =	sld [smem:$0x3FAC]  }
0x39: {  	_ = 	snop;
	(pc) =	sbr.ind lr, $3  }
0x3a: {  	_ = 	snop  }
0x3b: {  	_ = 	snop  }
0x3c: {  	p2 =	seq.s32 s10, $0x1;
	s10 =	sld [smem:$0x3FAB]  }
0x3d: {  	_ =	shalt  }
0x3e: {  	_ =	shalt  }
0x3f: {  	_ =	shalt  }
0x40: {  	_ =	shalt  }
0x41: {  	_ =	shalt  }
0x42: {  	_ =	shalt  }
0x43: {  	_ =	shalt  }
0x44: {  	_ =	shalt  }
0x45: {  	_ =	shalt  }
0x46: {  	_ =	shalt  }
0x47: {  	_ =	shalt  }
0x48: {  	_ =	shalt  }
0x49: {  	_ =	shalt  }
0x4a: {  	_ =	shalt  }
0x4b: {  	_ =	shalt  }
0x4c: {  	_ =	shalt  }
0x4d: {  	_ =	shalt  }
0x4e: {  	_ =	shalt  }
0x4f: {  	_ =	shalt  }
0x50: {  	_ =	shalt  }
0x51: {  	_ =	shalt  }
0x52: {  	_ =	shalt  }
0x53: {  	_ =	shalt  }
0x54: {  	_ =	shalt  }
0x55: {  	_ =	shalt  }
0x56: {  	_ =	shalt  }
0x57: {  	_ =	shalt  }
0x58: {  	_ =	shalt  }
0x59: {  	_ =	shalt  }
0x5a: {  	_ =	shalt  }
0x5b: {  	_ =	shalt  }
0x5c: {  	_ =	shalt  }
0x5d: {  	_ =	shalt  }
0x5e: {  	_ =	shalt  }
0x5f: {  	_ =	shalt  }
0x60: {  	_ =	shalt  }
0x61: {  	_ =	shalt  }
0x62: {  	_ =	shalt  }
0x63: {  	_ =	shalt  }
0x64: {  	_ =	shalt  }
0x65: {  	_ =	shalt  }
0x66: {  	_ =	shalt  }
0x67: {  	_ =	shalt  }
0x68: {  	_ =	shalt  }
0x69: {  	_ =	shalt  }
0x6a: {  	_ =	shalt  }
0x6b: {  	_ =	shalt  }
0x6c: {  	_ =	shalt  }
0x6d: {  	_ =	shalt  }
0x6e: {  	_ =	shalt  }
0x6f: {  	_ =	shalt  }
0x70: {  	_ =	shalt  }
0x71: {  	_ =	shalt  }
0x72: {  	_ =	shalt  }
0x73: {  	_ =	shalt  }
0x74: {  	_ =	shalt  }
0x75: {  	_ =	shalt  }
0x76: {  	_ =	shalt  }
0x77: {  	_ =	shalt  }
0x78: {  	_ =	shalt  }
0x79: {  	_ =	shalt  }
0x7a: {  	_ =	shalt  }
0x7b: {  	_ =	shalt  }
0x7c: {  	_ =	shalt  }
0x7d: {  	_ =	shalt  }
0x7e: {  	_ =	shalt  }
0x7f: {  	_ =	shalt  }
0x80: {  	_ =	shalt  }
0x81: {  	_ =	shalt  }
0x82: {  	_ =	shalt  }
0x83: {  	_ =	shalt  }
0x84: {  	_ =	shalt  }
0x85: {  	_ =	shalt  }
0x86: {  	_ =	shalt  }
0x87: {  	_ =	shalt  }
.Lfunc_end0:
.L_simem_size_0:
called_computation_lowered:
.L_overlay_start_0:
0x88: {  	s2 =	sld [smem:$0x3FD9]  }
0x89: {  	s3 =	sld [smem:$0x3FFE];
	_ =	sdelay $0x1  }
0x8a: {  	s1 =	srdreg.scid  }
0x8b: {  	s0 =	sand.u32 $0x1, s1  }
0x8c: {  	s15 =	sshll.u32 s0, $0xA;
	s2 =	sadd.s32 s3, s2  }
0x8d: {  	s2 =	sadd.s32 s2, s15  }
0x8e: {  	[smem:$0x3FB7] =	sst s2  }
0x8f: {  	_ = 	snop  }
0x90: {  	(tm) =	ssettm $0x1  }
0x91: {  	s16 =	sld [smem:$0x3FFB];
	_ =	sdelay $0x3  }
0x92: {  	_ =	strace s16  }
0x93: {  	s2 =	sld [smem:$0x3FFC];
	_ =	sdelay $0x3  }
0x94: {  	_ =	strace s2  }
0x95: {  	s2 =	sld [smem:$0x3FFD];
	_ =	sdelay $0x3  }
0x96: {  	_ =	strace s2  }
0x97: {  	_ =	strace $0x8FFFFFFF  }
0x98: {  	s17 =	sld [smem:$0x3FDB];
	_ =	sdelay $0x1  }
0x99: {  	s18 =	simm.s32 $_scs_section_size  }
0x9a: {  	s4 =	simm.s32 $_size__tile_overlayer_lowered;
	s5 =	simm.s32 $_tile_overlayer_lowered  }
0x9b: {  	s21 =	simm.s32 $0x1BFF;
	s20 =	sshll.u32 s5, $0x1;
	s2 =	sadd.s32 s18, s17  }
0x9c: {  	s6 =	simm.s32 $0x0;
	s19 =	sshll.u32 s4, $0x1;
	s4 =	sadd.s32 s20, s2  }
0x9d: {  	[timem:s6], [sflag:s21] =	dma.local [hbm:s4], s19  }
0x9e: {  	_ =	swait.ge [sflag:s21], s19  }
0x9f: {  	s3 =	ssub.s32 $0x0, s19;
	[sflag:s21] =	ssyncset.done $0x0  }
0xa0: {  	[sflag:s21] =	ssyncadd.s32 s3;
	_ =	sdelay $0x1  }
0xa1: {  	s22 =	simm.s32 $0x1B8B  }
0xa2: {  	_ =	swait.ge [sflag:s22], $0x1  }
0xa3: {  	[sflag:s22] =	ssyncset.done $0x0  }
0xa4: {  	s23 =	sld [smem:$0x3FFE];
	[sflag:s22] =	ssyncadd.s32 $0xFFFFFFFF  }
0xa5: {  	s25 =	simm.s32 $0x1B8E;
	s24 =	sld [smem:$0x0]  }
0xa6: {  	s26 =	simm.s32 $execute0_lowered;
	[smem:$0x3FD2] =	sst s25  }
0xa7: {  	s5 =	sshll.u32 s26, $0x1;
	_ =	strace $0x80000046;
	[dreg:$0x1] =	wrdreg $0xFFFFFFFF  }
0xa8: {  	s28 =	simm.s32 $_size_execute0_lowered;
	s2 =	sadd.s32 s2, s5;
	[dreg:$0x0] =	wrdreg $0x0  }
0xa9: {  	s5 =	sshll.u32 s28, $0x1;
	[dreg:$0x2] =	wrdreg s2  }
0xaa: {  	[dreg:$0x3] =	wrdreg s5  }
0xab: {  	[dreg:$0x4] =	wrdreg $0xC0  }
0xac: {  	_ =	task [dreg:s6], $0x5FFFF  }
0xad: {  	[dreg:$0x1] =	wrdreg $0xFFFFFFFF  }
0xae: {  	[dreg:$0x0] =	wrdreg $0x60  }
0xaf: {  	[dreg:$0x2] =	wrdreg s23  }
0xb0: {  	[dreg:$0x3] =	wrdreg s1  }
0xb1: {  	[dreg:$0x4] =	wrdreg s24  }
0xb2: {  	[dreg:$0x5] =	wrdreg $0x9  }
0xb3: {  	_ =	task.clear_ibuf [dreg:s6], $0x6FFFF;
	_ =	strace $0x90000046  }
0xb4: {  	s29 =	simm.s32 $0x9;
	_ =	strace $0x80000048  }
0xb5: {  	_ =	swait.ge [sflag:s29], $0x1  }
0xb6: {  	[sflag:s29] =	ssyncadd.s32 $0xFFFFFFFF  }
0xb7: {  	_ =	strace $0x90000048  }
0xb8: {  	_ =	sfence  }
0xb9: {  	s30 =	sld [smem:$0x0];
	_ =	sdelay $0x2  }
0xba: {  	s31 =	sshll.u32 s1, $0xD;
	s1 =	sshrl.u32 s1, $0x2  }
0xbb: {  	s3 =	sand.u32 $0x4000, s31;
	s1 =	sadd.s32 s1, s30  }
0xbc: {  	s0 =	sor.u32 s3, s0;
	s1 =	sshll.u32 s1, $0x11  }
0xbd: {  	s0 =	sor.u32 s1, s0  }
0xbe: {  	s0 =	sadd.s32 $0x8F2B, s0  }
0xbf: {  	[sflag:s0] =	ssyncadd.remote.s32 $0x1  }
0xc0: {  	_ =	sfence.sel $0xFFFF  }
0xc1: {  	[dreg:$0x0] =	wrdreg $0xFFFFFFFF;
	(pc) =	sbr.abs _section_cstart, $3  }
0xc2: {  	[dreg:$0x1] =	wrdreg $0xFFFFFFFF  }
0xc3: {  	_ =	task.clear_ibuf [dreg:s6], $0x2FFFF;
	_ =	strace $0x9FFFFFFF  }
0xc4: {  	(tm) =	ssettm $0x7FFFFFFF  }
0xc5: {  	_ =	shalt  }
tec
execute0_lowered:
.L_overlay_start_1:
0x0: {  	(tag) =	ssettag $0x1  }
0x1: {  	s11 =	rddreg [dreg:$0x0]  }
0x2: {  	s2 =	rddreg [dreg:$0x1];
	_ =	strace $0x80000047;
	s12 =	simm.s32 $0x1  }
0x3: {  	v0 =	vimm.s32 $0x0;
	[sflag:s12] =	ssyncpa.u1 $0x0  }
0x4: {  	[tilespmem:$0x28] =	vst v0  }
0x5: {  	[tilespmem:$0x38] =	vst v0  }
0x6: {  	[tilespmem:$0x48] =	vst v0  }
0x7: {  	[tilespmem:$0x58] =	vst v0  }
0x8: {  	[tilespmem:$0x68] =	vst v0  }
0x9: {  	[tilespmem:$0x78] =	vst v0  }
0xa: {  	[tilespmem:$0x88] =	vst v0  }
0xb: {  	[tilespmem:$0x98] =	vst v0  }
0xc: {  	[tilespmem:$0xA8] =	vst v0  }
0xd: {  	[tilespmem:$0xB8] =	vst v0  }
0xe: {  	[tilespmem:$0xC8] =	vst v0  }
0xf: {  	[tilespmem:$0xD8] =	vst v0  }
0x10: {  	[tilespmem:$0xE8] =	vst v0  }
0x11: {  	[tilespmem:$0xF8] =	vst v0  }
0x12: {  	[tilespmem:$0x108] =	vst v0  }
0x13: {  	[tilespmem:$0x118] =	vst v0  }
0x14: {  	[tilespmem:$0x128] =	vst v0  }
0x15: {  	[tilespmem:$0x138] =	vst v0  }
0x16: {  	[tilespmem:$0x148] =	vst v0  }
0x17: {  	[tilespmem:$0x158] =	vst v0  }
0x18: {  	[tilespmem:$0x168] =	vst v0  }
0x19: {  	[tilespmem:$0x178] =	vst v0  }
0x1a: {  	[tilespmem:$0x188] =	vst v0  }
0x1b: {  	[tilespmem:$0x198] =	vst v0  }
0x1c: {  	[tilespmem:$0x1A8] =	vst v0  }
0x1d: {  	[tilespmem:$0x1B8] =	vst v0  }
0x1e: {  	[tilespmem:$0x1C8] =	vst v0  }
0x1f: {  	[tilespmem:$0x1D8] =	vst v0  }
0x20: {  	[tilespmem:$0x1E8] =	vst v0  }
0x21: {  	[tilespmem:$0x1F8] =	vst v0  }
0x22: {  	[tilespmem:$0x208] =	vst v0  }
0x23: {  	[tilespmem:$0x218] =	vst v0  }
0x24: {  	[tilespmem:$0x228] =	vst v0  }
0x25: {  	[tilespmem:$0x238] =	vst v0  }
0x26: {  	[tilespmem:$0x248] =	vst v0  }
0x27: {  	[tilespmem:$0x258] =	vst v0  }
0x28: {  	[tilespmem:$0x268] =	vst v0  }
0x29: {  	[tilespmem:$0x278] =	vst v0  }
0x2a: {  	[tilespmem:$0x288] =	vst v0  }
0x2b: {  	[tilespmem:$0x298] =	vst v0  }
0x2c: {  	[tilespmem:$0x2A8] =	vst v0  }
0x2d: {  	[tilespmem:$0x2B8] =	vst v0  }
0x2e: {  	[tilespmem:$0x2C8] =	vst v0  }
0x2f: {  	[tilespmem:$0x2D8] =	vst v0  }
0x30: {  	[tilespmem:$0x2E8] =	vst v0  }
0x31: {  	[tilespmem:$0x2F8] =	vst v0  }
0x32: {  	[tilespmem:$0x308] =	vst v0  }
0x33: {  	[tilespmem:$0x318] =	vst v0  }
0x34: {  	[tilespmem:$0x328] =	vst v0  }
0x35: {  	[tilespmem:$0x338] =	vst v0  }
0x36: {  	[tilespmem:$0x348] =	vst v0  }
0x37: {  	[tilespmem:$0x358] =	vst v0  }
0x38: {  	[tilespmem:$0x368] =	vst v0  }
0x39: {  	[tilespmem:$0x378] =	vst v0  }
0x3a: {  	[tilespmem:$0x388] =	vst v0  }
0x3b: {  	[tilespmem:$0x398] =	vst v0  }
0x3c: {  	[tilespmem:$0x3A8] =	vst v0  }
0x3d: {  	[tilespmem:$0x3B8] =	vst v0  }
0x3e: {  	[tilespmem:$0x3C8] =	vst v0  }
0x3f: {  	[tilespmem:$0x3D8] =	vst v0  }
0x40: {  	[tilespmem:$0x3E8] =	vst v0  }
0x41: {  	[tilespmem:$0x3F8] =	vst v0  }
0x42: {  	[tilespmem:$0x408] =	vst v0  }
0x43: {  	[tilespmem:$0x418] =	vst v0  }
0x44: {  	[tilespmem:$0x428] =	vst v0  }
0x45: {  	[tilespmem:$0x438] =	vst v0  }
0x46: {  	[tilespmem:$0x448] =	vst v0  }
0x47: {  	[tilespmem:$0x458] =	vst v0  }
0x48: {  	[tilespmem:$0x468] =	vst v0  }
0x49: {  	[tilespmem:$0x478] =	vst v0  }
0x4a: {  	[tilespmem:$0x488] =	vst v0  }
0x4b: {  	[tilespmem:$0x498] =	vst v0  }
0x4c: {  	[tilespmem:$0x4A8] =	vst v0  }
0x4d: {  	[tilespmem:$0x4B8] =	vst v0  }
0x4e: {  	[tilespmem:$0x4C8] =	vst v0  }
0x4f: {  	[tilespmem:$0x4D8] =	vst v0  }
0x50: {  	[tilespmem:$0x4E8] =	vst v0  }
0x51: {  	[tilespmem:$0x4F8] =	vst v0  }
0x52: {  	[tilespmem:$0x508] =	vst v0  }
0x53: {  	[tilespmem:$0x518] =	vst v0  }
0x54: {  	[tilespmem:$0x528] =	vst v0  }
0x55: {  	[tilespmem:$0x538] =	vst v0  }
0x56: {  	[tilespmem:$0x548] =	vst v0  }
0x57: {  	[tilespmem:$0x558] =	vst v0  }
0x58: {  	[tilespmem:$0x568] =	vst v0  }
0x59: {  	[tilespmem:$0x578] =	vst v0  }
0x5a: {  	[tilespmem:$0x588] =	vst v0  }
0x5b: {  	[tilespmem:$0x598] =	vst v0  }
0x5c: {  	[tilespmem:$0x5A8] =	vst v0  }
0x5d: {  	[tilespmem:$0x5B8] =	vst v0  }
0x5e: {  	[tilespmem:$0x5C8] =	vst v0  }
0x5f: {  	[tilespmem:$0x5D8] =	vst v0  }
0x60: {  	[tilespmem:$0x5E8] =	vst v0  }
0x61: {  	[tilespmem:$0x5F8] =	vst v0  }
0x62: {  	[tilespmem:$0x608] =	vst v0  }
0x63: {  	[tilespmem:$0x618] =	vst v0  }
0x64: {  	[tilespmem:$0x628] =	vst v0  }
0x65: {  	[tilespmem:$0x638] =	vst v0  }
0x66: {  	[tilespmem:$0x648] =	vst v0  }
0x67: {  	[tilespmem:$0x658] =	vst v0  }
0x68: {  	[tilespmem:$0x668] =	vst v0  }
0x69: {  	[tilespmem:$0x678] =	vst v0  }
0x6a: {  	[tilespmem:$0x688] =	vst v0  }
0x6b: {  	[tilespmem:$0x698] =	vst v0  }
0x6c: {  	[tilespmem:$0x6A8] =	vst v0  }
0x6d: {  	[tilespmem:$0x6B8] =	vst v0  }
0x6e: {  	[tilespmem:$0x6C8] =	vst v0  }
0x6f: {  	[tilespmem:$0x6D8] =	vst v0  }
0x70: {  	[tilespmem:$0x6E8] =	vst v0  }
0x71: {  	[tilespmem:$0x6F8] =	vst v0  }
0x72: {  	[tilespmem:$0x708] =	vst v0  }
0x73: {  	[tilespmem:$0x718] =	vst v0  }
0x74: {  	[tilespmem:$0x728] =	vst v0  }
0x75: {  	[tilespmem:$0x738] =	vst v0  }
0x76: {  	[tilespmem:$0x748] =	vst v0  }
0x77: {  	[tilespmem:$0x758] =	vst v0  }
0x78: {  	[tilespmem:$0x768] =	vst v0  }
0x79: {  	[tilespmem:$0x778] =	vst v0  }
0x7a: {  	[tilespmem:$0x788] =	vst v0  }
0x7b: {  	[tilespmem:$0x798] =	vst v0  }
0x7c: {  	[tilespmem:$0x7A8] =	vst v0  }
0x7d: {  	[tilespmem:$0x7B8] =	vst v0  }
0x7e: {  	[tilespmem:$0x7C8] =	vst v0  }
0x7f: {  	[tilespmem:$0x7D8] =	vst v0  }
0x80: {  	[tilespmem:$0x7E8] =	vst v0  }
0x81: {  	[tilespmem:$0x7F8] =	vst v0  }
0x82: {  	[tilespmem:$0x808] =	vst v0  }
0x83: {  	[tilespmem:$0x818] =	vst v0  }
0x84: {  	[tilespmem:$0x828] =	vst v0  }
0x85: {  	[tilespmem:$0x838] =	vst v0  }
0x86: {  	[tilespmem:$0x848] =	vst v0  }
0x87: {  	[tilespmem:$0x858] =	vst v0  }
0x88: {  	[tilespmem:$0x868] =	vst v0  }
0x89: {  	[tilespmem:$0x878] =	vst v0  }
0x8a: {  	[tilespmem:$0x888] =	vst v0  }
0x8b: {  	[tilespmem:$0x898] =	vst v0  }
0x8c: {  	[tilespmem:$0x8A8] =	vst v0  }
0x8d: {  	[tilespmem:$0x8B8] =	vst v0  }
0x8e: {  	[tilespmem:$0x8C8] =	vst v0  }
0x8f: {  	[tilespmem:$0x8D8] =	vst v0  }
0x90: {  	[tilespmem:$0x8E8] =	vst v0  }
0x91: {  	[tilespmem:$0x8F8] =	vst v0  }
0x92: {  	[tilespmem:$0x908] =	vst v0  }
0x93: {  	[tilespmem:$0x918] =	vst v0  }
0x94: {  	[tilespmem:$0x928] =	vst v0  }
0x95: {  	[tilespmem:$0x938] =	vst v0  }
0x96: {  	[tilespmem:$0x948] =	vst v0  }
0x97: {  	[tilespmem:$0x958] =	vst v0  }
0x98: {  	[tilespmem:$0x968] =	vst v0  }
0x99: {  	[tilespmem:$0x978] =	vst v0  }
0x9a: {  	[tilespmem:$0x988] =	vst v0  }
0x9b: {  	[tilespmem:$0x998] =	vst v0  }
0x9c: {  	[tilespmem:$0x9A8] =	vst v0  }
0x9d: {  	[tilespmem:$0x9B8] =	vst v0  }
0x9e: {  	[tilespmem:$0x9C8] =	vst v0  }
0x9f: {  	[tilespmem:$0x9D8] =	vst v0  }
0xa0: {  	[tilespmem:$0x9E8] =	vst v0  }
0xa1: {  	[tilespmem:$0x9F8] =	vst v0  }
0xa2: {  	[tilespmem:$0xA08] =	vst v0  }
0xa3: {  	[tilespmem:$0xA18] =	vst v0  }
0xa4: {  	[tilespmem:$0xA28] =	vst v0  }
0xa5: {  	[tilespmem:$0xA38] =	vst v0  }
0xa6: {  	[tilespmem:$0xA48] =	vst v0  }
0xa7: {  	[tilespmem:$0xA58] =	vst v0  }
0xa8: {  	[tilespmem:$0xA68] =	vst v0  }
0xa9: {  	[tilespmem:$0xA78] =	vst v0  }
0xaa: {  	[tilespmem:$0xA88] =	vst v0  }
0xab: {  	[tilespmem:$0xA98] =	vst v0  }
0xac: {  	[tilespmem:$0xAA8] =	vst v0  }
0xad: {  	[tilespmem:$0xAB8] =	vst v0  }
0xae: {  	[tilespmem:$0xAC8] =	vst v0  }
0xaf: {  	[tilespmem:$0xAD8] =	vst v0  }
0xb0: {  	[tilespmem:$0xAE8] =	vst v0  }
0xb1: {  	[tilespmem:$0xAF8] =	vst v0  }
0xb2: {  	[tilespmem:$0xB08] =	vst v0  }
0xb3: {  	[tilespmem:$0xB18] =	vst v0  }
0xb4: {  	[tilespmem:$0xB28] =	vst v0  }
0xb5: {  	[tilespmem:$0xB38] =	vst v0  }
0xb6: {  	[tilespmem:$0xB48] =	vst v0  }
0xb7: {  	[tilespmem:$0xB58] =	vst v0  }
0xb8: {  	[tilespmem:$0xB68] =	vst v0  }
0xb9: {  	[tilespmem:$0xB78] =	vst v0  }
0xba: {  	[tilespmem:$0xB88] =	vst v0  }
0xbb: {  	[tilespmem:$0xB98] =	vst v0  }
0xbc: {  	[tilespmem:$0xBA8] =	vst v0  }
0xbd: {  	[tilespmem:$0xBB8] =	vst v0  }
0xbe: {  	[tilespmem:$0xBC8] =	vst v0  }
0xbf: {  	[tilespmem:$0xBD8] =	vst v0  }
0xc0: {  	[tilespmem:$0xBE8] =	vst v0  }
0xc1: {  	[tilespmem:$0xBF8] =	vst v0  }
0xc2: {  	[tilespmem:$0xC08] =	vst v0  }
0xc3: {  	[tilespmem:$0xC18] =	vst v0  }
0xc4: {  	[tilespmem:$0xC28] =	vst v0  }
0xc5: {  	[tilespmem:$0xC38] =	vst v0  }
0xc6: {  	[tilespmem:$0xC48] =	vst v0  }
0xc7: {  	[tilespmem:$0xC58] =	vst v0  }
0xc8: {  	[tilespmem:$0xC68] =	vst v0  }
0xc9: {  	[tilespmem:$0xC78] =	vst v0  }
0xca: {  	[tilespmem:$0xC88] =	vst v0  }
0xcb: {  	[tilespmem:$0xC98] =	vst v0  }
0xcc: {  	[tilespmem:$0xCA8] =	vst v0  }
0xcd: {  	[tilespmem:$0xCB8] =	vst v0  }
0xce: {  	[tilespmem:$0xCC8] =	vst v0  }
0xcf: {  	[tilespmem:$0xCD8] =	vst v0  }
0xd0: {  	[tilespmem:$0xCE8] =	vst v0  }
0xd1: {  	[tilespmem:$0xCF8] =	vst v0  }
0xd2: {  	[tilespmem:$0xD08] =	vst v0  }
0xd3: {  	[tilespmem:$0xD18] =	vst v0  }
0xd4: {  	[tilespmem:$0xD28] =	vst v0  }
0xd5: {  	[tilespmem:$0xD38] =	vst v0  }
0xd6: {  	[tilespmem:$0xD48] =	vst v0  }
0xd7: {  	[tilespmem:$0xD58] =	vst v0  }
0xd8: {  	[tilespmem:$0xD68] =	vst v0  }
0xd9: {  	[tilespmem:$0xD78] =	vst v0  }
0xda: {  	[tilespmem:$0xD88] =	vst v0  }
0xdb: {  	[tilespmem:$0xD98] =	vst v0  }
0xdc: {  	[tilespmem:$0xDA8] =	vst v0  }
0xdd: {  	[tilespmem:$0xDB8] =	vst v0  }
0xde: {  	[tilespmem:$0xDC8] =	vst v0  }
0xdf: {  	[tilespmem:$0xDD8] =	vst v0  }
0xe0: {  	[tilespmem:$0xDE8] =	vst v0  }
0xe1: {  	[tilespmem:$0xDF8] =	vst v0  }
0xe2: {  	[tilespmem:$0xE08] =	vst v0  }
0xe3: {  	[tilespmem:$0xE18] =	vst v0  }
0xe4: {  	[tilespmem:$0xE28] =	vst v0  }
0xe5: {  	[tilespmem:$0xE38] =	vst v0  }
0xe6: {  	[tilespmem:$0xE48] =	vst v0  }
0xe7: {  	[tilespmem:$0xE58] =	vst v0  }
0xe8: {  	[tilespmem:$0xE68] =	vst v0  }
0xe9: {  	[tilespmem:$0xE78] =	vst v0  }
0xea: {  	[tilespmem:$0xE88] =	vst v0  }
0xeb: {  	[tilespmem:$0xE98] =	vst v0  }
0xec: {  	[tilespmem:$0xEA8] =	vst v0  }
0xed: {  	[tilespmem:$0xEB8] =	vst v0  }
0xee: {  	[tilespmem:$0xEC8] =	vst v0  }
0xef: {  	[tilespmem:$0xED8] =	vst v0  }
0xf0: {  	[tilespmem:$0xEE8] =	vst v0  }
0xf1: {  	[tilespmem:$0xEF8] =	vst v0  }
0xf2: {  	[tilespmem:$0xF08] =	vst v0  }
0xf3: {  	[tilespmem:$0xF18] =	vst v0  }
0xf4: {  	[tilespmem:$0xF28] =	vst v0  }
0xf5: {  	[tilespmem:$0xF38] =	vst v0  }
0xf6: {  	[tilespmem:$0xF48] =	vst v0  }
0xf7: {  	[tilespmem:$0xF58] =	vst v0  }
0xf8: {  	[tilespmem:$0xF68] =	vst v0  }
0xf9: {  	[tilespmem:$0xF78] =	vst v0  }
0xfa: {  	[tilespmem:$0xF88] =	vst v0  }
0xfb: {  	[tilespmem:$0xF98] =	vst v0  }
0xfc: {  	[tilespmem:$0xFA8] =	vst v0  }
0xfd: {  	[tilespmem:$0xFB8] =	vst v0  }
0xfe: {  	[tilespmem:$0xFC8] =	vst v0  }
0xff: {  	[tilespmem:$0xFD8] =	vst v0  }
0x100: {  	[tilespmem:$0xFE8] =	vst v0  }
0x101: {  	[tilespmem:$0xFF8] =	vst v0  }
0x102: {  	[tilespmem:$0x1028] =	vst v0  }
0x103: {  	[tilespmem:$0x10E8] =	vst v0  }
0x104: {  	[tilespmem:$0x1068] =	vst v0  }
0x105: {  	[tilespmem:$0x1B28] =	vst v0  }
0x106: {  	[tilespmem:$0x1B18] =	vst v0  }
0x107: {  	[tilespmem:$0x1B08] =	vst v0  }
0x108: {  	[tilespmem:$0x1AF8] =	vst v0  }
0x109: {  	[tilespmem:$0x1AE8] =	vst v0  }
0x10a: {  	[tilespmem:$0x1AD8] =	vst v0  }
0x10b: {  	[tilespmem:$0x1AC8] =	vst v0  }
0x10c: {  	[tilespmem:$0x1AB8] =	vst v0  }
0x10d: {  	[tilespmem:$0x1AA8] =	vst v0  }
0x10e: {  	[tilespmem:$0x1A98] =	vst v0  }
0x10f: {  	[tilespmem:$0x1A88] =	vst v0  }
0x110: {  	[tilespmem:$0x1A78] =	vst v0  }
0x111: {  	[tilespmem:$0x1A68] =	vst v0  }
0x112: {  	[tilespmem:$0x1A58] =	vst v0  }
0x113: {  	[tilespmem:$0x1A48] =	vst v0  }
0x114: {  	[tilespmem:$0x1A38] =	vst v0  }
0x115: {  	[tilespmem:$0x1A28] =	vst v0  }
0x116: {  	[tilespmem:$0x1A18] =	vst v0  }
0x117: {  	[tilespmem:$0x1A08] =	vst v0  }
0x118: {  	[tilespmem:$0x19F8] =	vst v0  }
0x119: {  	[tilespmem:$0x19E8] =	vst v0  }
0x11a: {  	[tilespmem:$0x19D8] =	vst v0  }
0x11b: {  	[tilespmem:$0x19C8] =	vst v0  }
0x11c: {  	[tilespmem:$0x19B8] =	vst v0  }
0x11d: {  	[tilespmem:$0x19A8] =	vst v0  }
0x11e: {  	[tilespmem:$0x1998] =	vst v0  }
0x11f: {  	[tilespmem:$0x1988] =	vst v0  }
0x120: {  	[tilespmem:$0x1978] =	vst v0  }
0x121: {  	[tilespmem:$0x1968] =	vst v0  }
0x122: {  	[tilespmem:$0x1958] =	vst v0  }
0x123: {  	[tilespmem:$0x1948] =	vst v0  }
0x124: {  	[tilespmem:$0x1938] =	vst v0  }
0x125: {  	[tilespmem:$0x1928] =	vst v0  }
0x126: {  	[tilespmem:$0x1918] =	vst v0  }
0x127: {  	[tilespmem:$0x1908] =	vst v0  }
0x128: {  	[tilespmem:$0x18F8] =	vst v0  }
0x129: {  	[tilespmem:$0x18E8] =	vst v0  }
0x12a: {  	[tilespmem:$0x18D8] =	vst v0  }
0x12b: {  	[tilespmem:$0x18C8] =	vst v0  }
0x12c: {  	[tilespmem:$0x18B8] =	vst v0  }
0x12d: {  	[tilespmem:$0x18A8] =	vst v0  }
0x12e: {  	[tilespmem:$0x1898] =	vst v0  }
0x12f: {  	[tilespmem:$0x1888] =	vst v0  }
0x130: {  	[tilespmem:$0x1878] =	vst v0  }
0x131: {  	[tilespmem:$0x1868] =	vst v0  }
0x132: {  	[tilespmem:$0x1858] =	vst v0  }
0x133: {  	[tilespmem:$0x1848] =	vst v0  }
0x134: {  	[tilespmem:$0x1838] =	vst v0  }
0x135: {  	[tilespmem:$0x1828] =	vst v0  }
0x136: {  	[tilespmem:$0x1818] =	vst v0  }
0x137: {  	[tilespmem:$0x1808] =	vst v0  }
0x138: {  	[tilespmem:$0x17F8] =	vst v0  }
0x139: {  	[tilespmem:$0x17E8] =	vst v0  }
0x13a: {  	[tilespmem:$0x17D8] =	vst v0  }
0x13b: {  	[tilespmem:$0x17C8] =	vst v0  }
0x13c: {  	[tilespmem:$0x17B8] =	vst v0  }
0x13d: {  	[tilespmem:$0x17A8] =	vst v0  }
0x13e: {  	[tilespmem:$0x1798] =	vst v0  }
0x13f: {  	[tilespmem:$0x1788] =	vst v0  }
0x140: {  	[tilespmem:$0x1778] =	vst v0  }
0x141: {  	[tilespmem:$0x1768] =	vst v0  }
0x142: {  	[tilespmem:$0x1758] =	vst v0  }
0x143: {  	[tilespmem:$0x1748] =	vst v0  }
0x144: {  	[tilespmem:$0x1738] =	vst v0  }
0x145: {  	[tilespmem:$0x1728] =	vst v0  }
0x146: {  	[tilespmem:$0x1718] =	vst v0  }
0x147: {  	[tilespmem:$0x1708] =	vst v0  }
0x148: {  	[tilespmem:$0x16F8] =	vst v0  }
0x149: {  	[tilespmem:$0x16E8] =	vst v0  }
0x14a: {  	[tilespmem:$0x16D8] =	vst v0  }
0x14b: {  	[tilespmem:$0x16C8] =	vst v0  }
0x14c: {  	[tilespmem:$0x16B8] =	vst v0  }
0x14d: {  	[tilespmem:$0x16A8] =	vst v0  }
0x14e: {  	[tilespmem:$0x1698] =	vst v0  }
0x14f: {  	[tilespmem:$0x1688] =	vst v0  }
0x150: {  	[tilespmem:$0x1678] =	vst v0  }
0x151: {  	[tilespmem:$0x1668] =	vst v0  }
0x152: {  	[tilespmem:$0x1658] =	vst v0  }
0x153: {  	[tilespmem:$0x1648] =	vst v0  }
0x154: {  	[tilespmem:$0x1638] =	vst v0  }
0x155: {  	[tilespmem:$0x1628] =	vst v0  }
0x156: {  	[tilespmem:$0x1618] =	vst v0  }
0x157: {  	[tilespmem:$0x1608] =	vst v0  }
0x158: {  	[tilespmem:$0x15F8] =	vst v0  }
0x159: {  	[tilespmem:$0x15E8] =	vst v0  }
0x15a: {  	[tilespmem:$0x15D8] =	vst v0  }
0x15b: {  	[tilespmem:$0x15C8] =	vst v0  }
0x15c: {  	[tilespmem:$0x15B8] =	vst v0  }
0x15d: {  	[tilespmem:$0x15A8] =	vst v0  }
0x15e: {  	[tilespmem:$0x1598] =	vst v0  }
0x15f: {  	[tilespmem:$0x1588] =	vst v0  }
0x160: {  	[tilespmem:$0x1578] =	vst v0  }
0x161: {  	[tilespmem:$0x1568] =	vst v0  }
0x162: {  	[tilespmem:$0x1558] =	vst v0  }
0x163: {  	[tilespmem:$0x1548] =	vst v0  }
0x164: {  	[tilespmem:$0x1538] =	vst v0  }
0x165: {  	[tilespmem:$0x1528] =	vst v0  }
0x166: {  	[tilespmem:$0x1518] =	vst v0  }
0x167: {  	[tilespmem:$0x1508] =	vst v0  }
0x168: {  	[tilespmem:$0x14F8] =	vst v0  }
0x169: {  	[tilespmem:$0x14E8] =	vst v0  }
0x16a: {  	[tilespmem:$0x14D8] =	vst v0  }
0x16b: {  	[tilespmem:$0x14C8] =	vst v0  }
0x16c: {  	[tilespmem:$0x14B8] =	vst v0  }
0x16d: {  	[tilespmem:$0x14A8] =	vst v0  }
0x16e: {  	[tilespmem:$0x1498] =	vst v0  }
0x16f: {  	[tilespmem:$0x1488] =	vst v0  }
0x170: {  	[tilespmem:$0x1478] =	vst v0  }
0x171: {  	[tilespmem:$0x1468] =	vst v0  }
0x172: {  	[tilespmem:$0x1458] =	vst v0  }
0x173: {  	[tilespmem:$0x1448] =	vst v0  }
0x174: {  	[tilespmem:$0x1438] =	vst v0  }
0x175: {  	[tilespmem:$0x1428] =	vst v0  }
0x176: {  	[tilespmem:$0x1418] =	vst v0  }
0x177: {  	[tilespmem:$0x1408] =	vst v0  }
0x178: {  	[tilespmem:$0x13F8] =	vst v0  }
0x179: {  	[tilespmem:$0x13E8] =	vst v0  }
0x17a: {  	[tilespmem:$0x13D8] =	vst v0  }
0x17b: {  	[tilespmem:$0x13C8] =	vst v0  }
0x17c: {  	[tilespmem:$0x13B8] =	vst v0  }
0x17d: {  	[tilespmem:$0x13A8] =	vst v0  }
0x17e: {  	[tilespmem:$0x1398] =	vst v0  }
0x17f: {  	[tilespmem:$0x1388] =	vst v0  }
0x180: {  	[tilespmem:$0x1378] =	vst v0  }
0x181: {  	[tilespmem:$0x1368] =	vst v0  }
0x182: {  	[tilespmem:$0x1358] =	vst v0  }
0x183: {  	[tilespmem:$0x1348] =	vst v0  }
0x184: {  	[tilespmem:$0x1338] =	vst v0  }
0x185: {  	[tilespmem:$0x1328] =	vst v0  }
0x186: {  	[tilespmem:$0x1318] =	vst v0  }
0x187: {  	[tilespmem:$0x1308] =	vst v0  }
0x188: {  	[tilespmem:$0x12F8] =	vst v0  }
0x189: {  	[tilespmem:$0x12E8] =	vst v0  }
0x18a: {  	[tilespmem:$0x12D8] =	vst v0  }
0x18b: {  	[tilespmem:$0x12C8] =	vst v0  }
0x18c: {  	[tilespmem:$0x12B8] =	vst v0  }
0x18d: {  	[tilespmem:$0x12A8] =	vst v0  }
0x18e: {  	[tilespmem:$0x1298] =	vst v0  }
0x18f: {  	[tilespmem:$0x1288] =	vst v0  }
0x190: {  	[tilespmem:$0x1278] =	vst v0  }
0x191: {  	[tilespmem:$0x1268] =	vst v0  }
0x192: {  	[tilespmem:$0x1258] =	vst v0  }
0x193: {  	[tilespmem:$0x1248] =	vst v0  }
0x194: {  	[tilespmem:$0x1238] =	vst v0  }
0x195: {  	[tilespmem:$0x1228] =	vst v0  }
0x196: {  	[tilespmem:$0x1218] =	vst v0  }
0x197: {  	[tilespmem:$0x1208] =	vst v0  }
0x198: {  	[tilespmem:$0x11F8] =	vst v0  }
0x199: {  	[tilespmem:$0x11E8] =	vst v0  }
0x19a: {  	[tilespmem:$0x11D8] =	vst v0  }
0x19b: {  	[tilespmem:$0x11C8] =	vst v0  }
0x19c: {  	[tilespmem:$0x11B8] =	vst v0  }
0x19d: {  	[tilespmem:$0x11A8] =	vst v0  }
0x19e: {  	[tilespmem:$0x1198] =	vst v0  }
0x19f: {  	[tilespmem:$0x1188] =	vst v0  }
0x1a0: {  	[tilespmem:$0x1178] =	vst v0  }
0x1a1: {  	[tilespmem:$0x1168] =	vst v0  }
0x1a2: {  	[tilespmem:$0x1158] =	vst v0  }
0x1a3: {  	[tilespmem:$0x1148] =	vst v0  }
0x1a4: {  	[tilespmem:$0x1138] =	vst v0  }
0x1a5: {  	[tilespmem:$0x1128] =	vst v0  }
0x1a6: {  	[tilespmem:$0x1118] =	vst v0  }
0x1a7: {  	s4 =	stileid.u32;
	[tilespmem:$0x1108] =	vst v0  }
0x1a8: {  	s0 =	smul.u32 $0xB, s4;
	[tilespmem:$0x10F8] =	vst v0  }
0x1a9: {  	s1 =	smin.u32 s4, $0xA;
	[tilespmem:$0x10C8] =	vst v0  }
0x1aa: {  	[tilespmem:$0x10D8] =	vst v0;
	s0 =	sadd.s32 s1, s0  }
0x1ab: {  	p0 =	slt.u32 s4, $0xA;
	[tilespmem:$0x10B8] =	vst v0;
	s1 =	simm.s32 $0x1440;
	s6 =	smul.u32 $0x1B0, s0  }
0x1ac: {  	s1 =	simm.s32 @!p0 $0x1290;
	[tilespmem:$0x1038] =	vst v0  }
0x1ad: {  	[tilespmem:$0x10A8] =	vst v0;
	s0 =	sadd.s32 s1, s6  }
0x1ae: {  	s3 =	simm.s32 $0x2;
	s8 =	simm.s32 $0x9;
	[tilespmem:$0x1098] =	vst v0;
	s7 =	smin.u32 s0, $0x13880  }
0x1af: {  	s10 =	simm.s32 $0xA;
	s30 =	simm.s32 $0xB;
	[tilespmem:$0x1088] =	vst v0;
	s0 =	ssub.s32 s7, s6  }
0x1b0: {  	s16 =	simm.s32 $0x0;
	p4 =	por $0x0, $0x0;
	[tilespmem:$0x1078] =	vst v0;
	p0 =	sgt.s32 s0, $0x0  }
0x1b1: {  	s17 =	simm.s32 $0xC;
	s21 =	simm.s32 $0x0;
	[tilespmem:$0x1058] =	vst v0;
	s0 =	simm.s32 @!p0 $0x0  }
0x1b2: {  	s18 =	simm.s32 $0x0;
	s2 =	sand.u32 $0x1, s2;
	[tilespmem:$0x1048] =	vst v0;
	s29 =	smulhi.u32 $0x4BDA12F7, s0  }
0x1b3: {  	s20 =	simm.s32 $0x0;
	s31 =	sshll.u32 s4, $0x5;
	[tilespmem:$0x1018] =	vst v0;
	[dreg:$0x5] =	wrdreg s2  }
0x1b4: {  	s2 =	smul.u32 $0x2710, s2;
	[tilespmem:$0x1008] =	vst v0;
	[sflag:s3] =	ssyncpa.u1 $0x0;
	s1 =	sshrl.u32 s29, $0x7  }
0x1b5: {  	v0 =	vimm.s32 $0xFFFFFFFF;
	s3 =	sadd.s32 $0x2A4000, s11;
	[dreg:$0x4] =	wrdreg s31;
	s5 =	smul.u32 $0x1B0, s1  }
.Ltmp0:
0x1b6: {  	[tilespmem:$0x3648] =	vst v0;
	[sflag:s8] =	ssyncpa.u1 $0x0;
	s2 =	sadd.s32 s2, s11;
	(pc) =	sbr.rel .LBB2_1-.Ltmp0, $4  }
0x1b7: {  	[sflag:s10] =	ssyncpa.u1 $0x0;
	s11 =	sadd.s32 $0x29000, s11;
	p0 =	sne.s32 s0, s5  }
0x1b8: {  	[sflag:s30] =	ssyncpa.u1 $0x0;
	s14 =	sadd.s32 $0x29F000, s2;
	s12 =	simm.s32 @!p0 $0x0  }
0x1b9: {  	s15 =	sadd.s32 $0x29A000, s2;
	s19 =	smov.u32 s6;
	s12 =	sadd.s32 s12, s1  }
0x1ba: {  	v0 =	vlaneseq.u32;
	[dreg:$0x6] =	wrdreg s6;
	p0 =	por $0x1, $0x1;
	s4 =	sadd.s32 $0x1, s12  }
.LBB2_18:
0x1bb: {  	s0 =	simm.s32 $0x2  }
0x1bc: {  	_ =	swait.ge [sflag:s0], $0x0  }
0x1bd: {  	[sflag:s0] =	ssyncset.done $0x0;
	s0 =	simm.s32 $0x0  }
.LBB2_19:
0x1be: {  	_ =	swait.ge [sflag:s17], s0  }
0x1bf: {  	s31 =	ssub.s32 $0x0, s0;
	v1 =	vmov s23;
	vm0 =	veq.s32 v0, $0x0;
	[sflag:s17] =	ssyncset.done $0x0  }
0x1c0: {  	vm15 =	veq.s32 v0, $0x2;
	v1 =	vsel vm0, s28, v1;
	[sflag:s17] =	ssyncadd.s32 s31  }
0x1c1: {  	v1 =	vsel vm15, s21, v1;
	[sflag:s17] =	ssyncpa.u1 $0x1  }
0x1c2: {  	[tilespmem:$0x3648] =	vst v1  }
.LBB2_20:
0x1c3: {  	s0 =	sadd.s32 $0x1B0, s19  }
0x1c4: {  	s1 =	smov.u32 s6;
	p1 =	slt.s32 s0, s7  }
0x1c5: {  	s1 =	smov.u32 @p1 s0;
	p1 =	sne.s32 s20, s4  }
.Ltmp1:
0x1c6: {  	_ = 	snop;
	(pc) =	sbr.rel @!p1 .LBB2_21-.Ltmp1, $4  }
0x1c7: {  	_ = 	snop  }
0x1c8: {  	s21 =	smov.u32 s18  }
0x1c9: {  	s31 =	sadd.s32 $0x1, s20;
	s18 =	smov.u32 s19;
	p0 =	por !p0, !p0  }
0x1ca: {  	p4 =	por !p4, !p4;
	s20 =	smov.u32 s31;
	s19 =	smov.u32 s1  }
.LBB2_1:
0x1cb: {  	p2 =	sge.u32 s20, s12  }
0x1cc: {  	s0 =	smulhi.u32 @!p2 $0xAAAAAAAB, s20  }
0x1cd: {  	s1 =	smov.u32 s19;
	p3 =	sgt.s32 @!p2 s19, $0x136D0  }
0x1ce: {  	s2 =	sshra.s32 @!p2 s19, $0x1F;
	p3 =	por !p3, p2;
	s0 =	sshrl.u32 @!p2 s0, $0x1  }
0x1cf: {  	s2 =	sand.u32 @!p2 s2, s19;
	s1 =	simm.s32 @p3 $0x136D0;
	s0 =	smul.u32 @!p2 $0x3, s0  }
0x1d0: {  	s1 =	ssub.s32 @!p2 s1, s2  }
0x1d1: {  	s23 =	sadd.s32 $0xFFFFFFFF, s20;
	s1 =	sadd.s32 @!p2 $0xFFFEC930, s1;
	s0 =	ssub.s32 @!p2 s20, s0  }
0x1d2: {  	s2 =	sshll.u32 @!p2 s1, $0x2;
	p3 =	sgt.s32 @!p2 s1, $0x1AF;
	s0 =	smul.u32 @!p2 $0x6C0, s0  }
0x1d3: {  	s5 =	sand.u32 @!p2 $0x7, s19;
	s1 =	ssub.s32 @!p2 $0x6C0, s2;
	p3 =	por !p3, p2  }
0x1d4: {  	s2 =	sshrl.u32 @!p2 s19, $0x3;
	s1 =	sshrl.u32 @!p2 s1, $0x2;
	s0 =	sshrl.u32 @!p2 s0, $0x2  }
0x1d5: {  	s2 =	sadd.s32 @!p2 s2, s14;
	s1 =	simm.s32 @!p3 $0x0;
	s0 =	sadd.s32 @!p2 $0x3888, s0  }
0x1d6: {  	[tilespmem:s0], [sflag:$0xA] =	stream.linear.gather @!p2 [hbm4b:s2+s5], s1, $0x38;
	[tilespmem:$0x1F0F8] =	vst v63  }
0x1d7: {  	p2 =	sge.u32 s23, s12  }
0x1d8: {  	p3 =	sgt.s32 @!p2 s18, $0x136D0  }
0x1d9: {  	s0 =	smov.u32 s18;
	s1 =	sshra.s32 @!p2 s18, $0x1F;
	p3 =	por !p3, p2  }
0x1da: {  	s1 =	sand.u32 @!p2 s1, s18;
	s0 =	simm.s32 @p3 $0x136D0  }
0x1db: {  	s0 =	ssub.s32 @!p2 s0, s1  }
0x1dc: {  	s0 =	sadd.s32 @!p2 $0xFFFEC930, s0  }
0x1dd: {  	s1 =	sshll.u32 @!p2 s0, $0x2  }
0x1de: {  	p3 =	sgt.s32 @!p2 s0, $0x1AF;
	s0 =	ssub.s32 @!p2 $0x6C0, s1  }
0x1df: {  	s22 =	ssub.s32 @!p2 $0x13880, s18;
	p3 =	por !p3, p2;
	s0 =	sshrl.u32 @!p2 s0, $0x2  }
0x1e0: {  	s1 =	sand.u32 @!p2 $0x1, s23;
	s0 =	simm.s32 @!p3 $0x0;
	p3 =	slt.s32 @!p2 s22, $0x1  }
0x1e1: {  	s2 =	simm.s32 @!p2 $0xA;
	s1 =	smul.u32 @!p2 $0x6C0, s1;
	p3 =	por p2, p3  }
.Ltmp2:
0x1e2: {  	_ =	swait.ge @!p2 [sflag:s2], s0;
	(pc) =	sbr.rel @p3 .LBB2_7-.Ltmp2, $4  }
0x1e3: {  	s5 =	ssub.s32 @!p2 $0x0, s0;
	[sflag:s2] =	ssyncset.done @!p2 $0x0  }
0x1e4: {  	s1 =	sshrl.u32 @!p2 s1, $0x2;
	[sflag:s2] =	ssyncadd.s32 @!p2 s5;
	s2 =	sshrl.u32 @!p2 s18, $0x3  }
0x1e5: {  	s1 =	sadd.s32 @!p2 $0x3D98, s1;
	s5 =	sand.u32 @!p2 $0x7, s18;
	s2 =	sadd.s32 @!p2 s2, s15  }
0x1e6: {  	[tilespmem:s1], [sflag:$0xB] =	stream.linear.gather @!p2 [hbm4b:s2+s5], s0, $0x38;
	[tilespmem:$0x1F0F8] =	vst v63  }
0x1e7: {  	s0 =	smulhi.u32 $0xAAAAAAAB, s23;
	_ =	sdelay $0x1  }
0x1e8: {  	s0 =	sshrl.u32 s0, $0x1  }
0x1e9: {  	s0 =	smul.u32 $0x3, s0;
	_ =	sdelay $0x1  }
0x1ea: {  	s0 =	ssub.s32 s23, s0  }
0x1eb: {  	s1 =	simm.s32 $0x1;
	s0 =	smul.u32 $0x6C0, s0  }
.Ltmp3:
0x1ec: {  	s1 =	simm.s32 @!p0 $0x0;
	(pc) =	sbr.rel .LBB2_4-.Ltmp3, $4  }
0x1ed: {  	s1 =	smul.u32 $0x36000, s1  }
0x1ee: {  	p3 =	slt.s32 @!p2 s22, $0x1B0;
	s0 =	sshrl.u32 s0, $0x2  }
0x1ef: {  	p2 =	por !p3, p2;
	s1 =	sshrl.u32 s1, $0x2;
	s0 =	sadd.s32 $0x3888, s0  }
0x1f0: {  	s24 =	simm.s32 $0x0;
	s22 =	simm.s32 @p2 $0x1B0;
	s23 =	sadd.s32 $0x40F8, s1;
	v1 =	vmov s0  }
.LBB2_3:
0x1f1: {  	p2 =	sge.s32 s24, s22  }
.Ltmp4:
0x1f2: {  	_ = 	snop;
	(pc) =	sbr.rel @p2 .LBB2_7-.Ltmp4, $2  }
0x1f3: {  	_ =	sdelay $0x2  }
0x1f4: {  	s23 =	sadd.s32 $0x800, s23  }
.LBB2_4:
0x1f5: {  	p2 =	sle.s32 s22, s24  }
.Ltmp5:
0x1f6: {  	_ = 	snop;
	(pc) =	sbr.rel @p2 .LBB2_3-.Ltmp5, $2  }
0x1f7: {  	_ =	sdelay $0x2  }
0x1f8: {  	s0 =	smov.u32 s24;
	s24 =	sadd.s32 $0x10, s24  }
0x1f9: {  	s1 =	ssub.s32 s22, s0  }
0x1fa: {  	p2 =	slt.s32 s1, $0x10  }
0x1fb: {  	s1 =	simm.s32 @!p2 $0x10  }
0x1fc: {  	v2 =	vmov s1  }
0x1fd: {  	vm0 =	vgt.s32 v2, v0;
	_ =	sdelay $0x5  }
0x1fe: {  	v2 =	vld.idx.msk [tilespmem:v1+s0+$0x0 ss:$0x1], vm0;
	_ =	sdelay $0x2  }
0x1ff: {  	p2 =	slt.s32 s24, s22;
	s1 =	smov.u32 s22  }
0x200: {  	s2 =	smov.u32 s23;
	s25 =	simm.s32 $0x0;
	s1 =	smov.u32 @p2 s24  }
.LBB2_6:
0x201: {  	(v2sf) =	vpush v2, s25;
	_ =	sdelay $0xc  }
0x202: {  	s25 =	sadd.s32 $0x1, s25  }
0x203: {  	s31 =	sadd.s32 s25, s0  }
0x204: {  	p2 =	slt.s32 s31, s1;
	s5 =	spop (v2sf)  }
.Ltmp6:
0x205: {  	s5 =	sshll.u32 s5, $0x4;
	(pc) =	sbr.rel @p2 .LBB2_6-.Ltmp6, $4  }
0x206: {  	s5 =	sand.u32 $0x1FFFFFF0, s5  }
0x207: {  	s5 =	sadd.s32 s11, s5  }
0x208: {  	[tilespmem:s2], [sflag:$0x9] =	stream.linear.gather [hbm4b:s5+s16], $0x4, $0x38;
	[tilespmem:$0x1F0F8] =	vst v63  }
0x209: {  	s2 =	sadd.s32 $0x80, s2  }
.Ltmp7:
0x20a: {  	_ = 	snop;
	(pc) =	sbr.rel .LBB2_3-.Ltmp7, $1  }
0x20b: {  	_ =	sdelay $0x3  }
.LBB2_7:
0x20c: {  	p2 =	slt.u32 s20, $0x2  }
.Ltmp8:
0x20d: {  	_ = 	snop;
	(pc) =	sbr.rel @p2 .LBB2_20-.Ltmp8, $1  }
0x20e: {  	_ =	sdelay $0x3  }
0x20f: {  	p2 =	sgt.s32 s21, $0x136D0  }
0x210: {  	s0 =	smov.u32 s21;
	s1 =	sshra.s32 s21, $0x1F;
	s2 =	ssub.s32 $0x13880, s21  }
0x211: {  	s0 =	simm.s32 @!p2 $0x136D0;
	s1 =	sand.u32 s1, s21;
	p2 =	slt.s32 s2, $0x1B0  }
0x212: {  	s0 =	ssub.s32 s0, s1;
	s2 =	simm.s32 @!p2 $0x1B0  }
0x213: {  	s0 =	sadd.s32 $0xFFFEC930, s0;
	s24 =	sshll.u32 s2, $0x2  }
0x214: {  	s28 =	simm.s32 $0x9;
	s25 =	sshll.u32 s0, $0x2;
	s1 =	sand.u32 $0x3FFFFFFC, s24  }
0x215: {  	p2 =	sgt.s32 s0, $0x1AF;
	s26 =	ssub.s32 $0x6C0, s25;
	_ =	swait.ge [sflag:s28], s1  }
0x216: {  	s1 =	ssub.s32 $0x0, s1;
	[sflag:s28] =	ssyncset.done $0x0;
	s0 =	sshrl.u32 s26, $0x2  }
0x217: {  	s30 =	simm.s32 $0xB;
	[sflag:s28] =	ssyncadd.s32 s1;
	s0 =	simm.s32 @p2 $0x0  }
0x218: {  	_ =	swait.ge [sflag:s30], s0  }
0x219: {  	s0 =	ssub.s32 $0x0, s0;
	[sflag:s30] =	ssyncset.done $0x0  }
0x21a: {  	[sflag:s30] =	ssyncadd.s32 s0  }
0x21b: {  	v1 =	vld [tilespmem:$0x3648];
	_ =	sdelay $0x4  }
0x21c: {  	(v2sf) =	vpush v1, $0x0  }
0x21d: {  	(v2sf) =	vpush v1, $0x1  }
0x21e: {  	(v2sf) =	vpush v1, $0x2;
	_ =	sdelay $0x3  }
0x21f: {  	s0 =	sadd.s32 $0x1B0, s21  }
0x220: {  	s1 =	ssub.s32 $0x27100, s21;
	p2 =	slt.s32 s7, s0  }
0x221: {  	s0 =	smov.u32 @p2 s7;
	p2 =	sgt.s32 s1, $0x0  }
0x222: {  	s25 =	ssub.s32 s0, s21;
	s1 =	simm.s32 @!p2 $0x0  }
0x223: {  	p2 =	slt.s32 s1, s25  }
0x224: {  	s25 =	smov.u32 @p2 s1  }
0x225: {  	s24 =	simm.s32 $0x1;
	p2 =	slt.s32 s25, $0x1  }
.Ltmp9:
0x226: {  	s24 =	simm.s32 @!p4 $0x0;
	(pc) =	sbr.rel @p2 .LBB2_12-.Ltmp9, $4  }
0x227: {  	s31 =	smul.u32 $0x6C0, s24  }
0x228: {  	s26 =	spop (v2sf)  }
0x229: {  	s0 =	sshrl.u32 s31, $0x2;
	s29 =	spop (v2sf)  }
0x22a: {  	s22 =	sadd.s32 $0x3D98, s0;
	s21 =	spop (v2sf)  }
0x22b: {  	s0 =	smin.u32 s25, $0x10  }
0x22c: {  	v1 =	vmov s0  }
0x22d: {  	p3 =	sgt.s32 s25, $0x10;
	vm1 =	vgt.u32 v1, v0  }
.Ltmp10:
0x22e: {  	_ = 	snop;
	(pc) =	sbr.rel @!p3 .LBB2_11-.Ltmp10, $2  }
0x22f: {  	_ =	sdelay $0x2  }
0x230: {  	s23 =	simm.s32 $0x10;
	s28 =	sadd.s32 $0xFFFFFFF0, s25;
	s0 =	smov.u32 s22;
	vm0 =	vmmov vm1  }
.LBB2_10:
0x231: {  	s1 =	smin.u32 s28, $0x10;
	s23 =	sadd.s32 $0x10, s23;
	v1 =	vld.msk [tilespmem:s0+$0x0 ss:$0x1], vm1  }
0x232: {  	v2 =	vmov s1;
	p3 =	slt.s32 s23, s25  }
0x233: {  	vm1 =	vgt.u32 v2, v0  }
.Ltmp11:
0x234: {  	(pc) =	sbr.rel @p3 .LBB2_10-.Ltmp11, $3  }
0x235: {  	_ =	sdelay $0x1  }
0x236: {  	v1 =	vshll.u32 v1, $0x4  }
0x237: {  	s28 =	sadd.s32 $0xFFFFFFF0, s28;
	[tilespmem:s0+$0x0] =	vst.msk vm0, v1;
	s0 =	sadd.s32 $0x10, s0;
	vm0 =	vmmov vm1  }
.LBB2_11:
0x238: {  	_ =	sdelay $0x4  }
0x239: {  	v1 =	vld.msk [tilespmem:s0+$0x0 ss:$0x1], vm1;
	_ =	sdelay $0x4  }
0x23a: {  	v1 =	vshll.u32 v1, $0x4  }
0x23b: {  	[tilespmem:s0+$0x0] =	vst.msk vm0, v1  }
.LBB2_12:
0x23c: {  	s0 =	sand.u32 $0x1, s20  }
0x23d: {  	s0 =	smul.u32 $0x1B0, s0  }
0x23e: {  	p3 =	sne.s32 s29, $0xFFFFFFFF  }
0x23f: {  	v1 =	vld.msk @!p3 [tilespmem:s0+$0x3D98], $0x1;
	_ =	sdelay $0x4  }
0x240: {  	(v2sf) =	vpush @!p3 v1, $0x0;
	_ =	sdelay $0xc  }
.Ltmp12:
0x241: {  	_ = 	snop;
	(pc) =	sbr.rel @p2 .LBB2_18-.Ltmp12, $4  }
0x242: {  	_ = 	snop  }
0x243: {  	s28 =	spop @!p3 (v2sf)  }
0x244: {  	s21 =	simm.s32 @!p3 $0x0;
	s23 =	smov.u32 s28  }
0x245: {  	[sflag:s17] =	ssyncpa.u1 $0x0;
	s28 =	smov.u32 @p3 s26;
	s23 =	smov.u32 @p3 s29  }
0x246: {  	v1 =	vld.msk [tilespmem:s22+$0x0], $0x1;
	_ =	sdelay $0x4  }
0x247: {  	(v2sf) =	vpush v1, $0x0;
	_ =	sdelay $0xe  }
0x248: {  	s0 =	simm.s32 @!p4 $0x0;
	s26 =	smul.u32 $0x36000, s24;
	s31 =	spop (v2sf)  }
0x249: {  	s29 =	ssub.s32 $0x0, s25;
	s0 =	simm.s32 @p4 $0x1;
	p2 =	seq.s32 s28, s31  }
0x24a: {  	s1 =	smov.u32 s28;
	[smem:$0x7FD] =	sst s0;
	p3 =	sgt.s32 @!p2 s28, $0x0  }
0x24b: {  	s0 =	sshrl.u32 s26, $0x2;
	s26 =	sadd.s32 $0x1, s29;
	p3 =	por !p3, p2  }
0x24c: {  	s1 =	simm.s32 @p3 $0x0;
	p3 =	seq.s32 s26, $0x0  }
.Ltmp13:
0x24d: {  	_ = 	snop;
	(pc) =	sbr.rel @p3 .LBB2_15-.Ltmp13, $4  }
0x24e: {  	s6 =	smov.u32 s4;
	s25 =	simm.s32 $0x0  }
0x24f: {  	s24 =	sadd.s32 $0x40F8, s0;
	s0 =	simm.s32 @!p2 $0x1;
	s2 =	smin.u32 @!p2 s1, $0x17F  }
0x250: {  	s30 =	sadd.s32 $0x1, s22;
	s0 =	smov.u32 @p2 s25;
	s5 =	sand.u32 @!p2 $0x1F8, s2  }
0x251: {  	s1 =	simm.s32 @!p2 $0x1B38;
	s2 =	sand.u32 @!p2 $0x7, s2;
	s5 =	sadd.s32 @!p2 s3, s5  }
.LBB2_14:
0x252: {  	s4 =	smov.u32 s0  }
0x253: {  	[tilespmem:s1], [sflag:$0x2] =	stream.linear.gather @!p2 [hbm4b:s5+s2], $0x4, $0x38;
	[tilespmem:$0x1F0F8] =	vst v63  }
0x254: {  	s26 =	sadd.s32 $0x1, s26;
	s2 =	smov.u32 s31;
	v1 =	vld.msk [tilespmem:s30+$0x0], $0x1  }
0x255: {  	p3 =	seq.s32 s26, $0x0;
	_ =	sdelay $0x3  }
0x256: {  	(v2sf) =	vpush v1, $0x0;
	_ =	sdelay $0xe  }
0x257: {  	s31 =	spop (v2sf)  }
0x258: {  	p2 =	seq.s32 s2, s31  }
0x259: {  	p4 =	sgt.s32 @!p2 s2, $0x0;
	s1 =	sshll.u32 @!p2 s0, $0x6;
	s0 =	sadd.s32 @!p2 $0x1, s0  }
.Ltmp14:
0x25a: {  	p4 =	por !p4, p2;
	s1 =	sshra.s32 @!p2 s1, $0x2;
	(pc) =	sbr.rel @!p3 .LBB2_14-.Ltmp14, $4  }
0x25b: {  	s0 =	smov.u32 @p2 s4;
	s2 =	simm.s32 @p4 $0x0;
	s1 =	sadd.s32 @!p2 $0x1B38, s1  }
0x25c: {  	s2 =	smin.u32 @!p2 s2, $0x17F  }
0x25d: {  	s4 =	sand.u32 @!p2 $0x1F8, s2;
	s2 =	sand.u32 @!p2 $0x7, s2  }
0x25e: {  	s30 =	sadd.s32 $0x1, s30;
	s5 =	sadd.s32 @!p2 s3, s4  }
.LBB2_15:
0x25f: {  	[tilespmem:s1], [sflag:$0x2] =	stream.linear.gather @!p2 [hbm4b:s5+s2], $0x4, $0x38;
	[tilespmem:$0x1F0F8] =	vst v63  }
0x260: {  	s0 =	sshll.u32 s0, $0x2  }
0x261: {  	s31 =	simm.s32 $0x2;
	s0 =	sand.u32 $0x3FFFFFFC, s0  }
0x262: {  	_ =	swait.ge [sflag:s31], s0  }
0x263: {  	s0 =	ssub.s32 $0x0, s0;
	[sflag:s31] =	ssyncset.done $0x0  }
0x264: {  	[sflag:s31] =	ssyncadd.s32 s0  }
0x265: {  	v1 =	vld.msk [tilespmem:s22+$0x0], $0x1;
	_ =	sdelay $0x4  }
0x266: {  	(v2sf) =	vpush v1, $0x0;
	_ =	sdelay $0xe  }
0x267: {  	s26 =	spop (v2sf)  }
0x268: {  	p2 =	sne.s32 s28, s26  }
0x269: {  	p4 =	sne.s32 @p2 s28, s23  }
0x26a: {  	p3 =	por !p4, !p2  }
0x26b: {  	s0 =	simm.s32 @!p3 $0x0  }
0x26c: {  	v1 =	vld.msk @!p3 [tilespmem:s0+$0x1B38], $0xf  }
0x26d: {  	p5 =	sgt.u32 @!p3 s28, $0x17F  }
0x26e: {  	s1 =	sshll.u32 @!p3 s21, $0x6;
	p6 =	por @p2 p5, !p4  }
0x26f: {  	s1 =	sshra.s32 @!p3 s1, $0x2;
	p1 =	por p6, !p2;
	p6 =	por p4, !p2  }
0x270: {  	s2 =	sadd.s32 @!p3 $0x28, s1;
	s4 =	sand.u32 @!p1 $0x1F8, s28;
	s5 =	sshll.u32 @!p6 s21, $0x6  }
0x271: {  	s28 =	sand.u32 @!p1 $0x7, s28;
	[tilespmem:s1+$0x28] =	vst.add.f32.msk @!p3 $0xf, v1;
	s1 =	sadd.s32 @!p1 s3, s4;
	s4 =	sshra.s32 @!p6 s5, $0x2  }
0x272: {  	[hbm4b:s1+s28] =	stream.linear.scatter @!p1 [tilespmem:s2], [sflag:$0xC], $0x4, $0x38;
	[tilespmem:$0x1F0F8] =	vst v63  }
0x273: {  	s0 =	rddreg [dreg:$0x4];
	s1 =	sadd.s32 @!p6 $0x28, s4;
	s2 =	simm.s32 @!p6 $0x1  }
0x274: {  	[spmem:s0] =	stream.linear.scatter @!p6 [tilespmem:s1], [sflag:$0x1], $0x4, $0x38;
	[tilespmem:$0x1F0F8] =	vst v63  }
0x275: {  	s0 =	sadd.s32 @p2 $0x1, s21;
	_ =	swait.ge @!p6 [sflag:s2], $0x4  }
0x276: {  	s1 =	sshrl.u32 @p2 s0, $0x4;
	[sflag:s2] =	ssyncset.done @!p6 $0x0  }
0x277: {  	s1 =	smulhi.u32 @p2 $0x97B425F, s1;
	[sflag:s2] =	ssyncadd.s32 @!p6 $0xFFFFFFFC  }
0x278: {  	s28 =	sadd.s32 $0x1, s29;
	v1 =	vld.msk @p2 [tilespmem:s24+$0x0], $0xf  }
0x279: {  	p1 =	por @p2 !p5, !p4;
	p4 =	seq.s32 s28, $0x0;
	s1 =	smul.u32 @p2 $0x1B0, s1  }
.Ltmp15:
0x27a: {  	p1 =	por !p1, !p2;
	s2 =	simm.s32 @!p3 $0x0;
	(pc) =	sbr.rel @p4 .LBB2_17-.Ltmp15, $4  }
0x27b: {  	s4 =	sshll.u32 @!p2 s21, $0x6;
	s2 =	simm.s32 @!p1 $0x10;
	s0 =	ssub.s32 @p2 s0, s1  }
0x27c: {  	s29 =	simm.s32 $0x0;
	s2 =	sadd.s32 @!p3 $0x0, s2;
	s5 =	sshll.u32 @p2 s0, $0x4  }
0x27d: {  	s30 =	sshra.s32 @!p2 s4, $0x2;
	s1 =	simm.s32 @p2 $0x1;
	s2 =	smov.u32 @p3 s25;
	[tilespmem:s5+$0x28] =	vst.msk @p2 $0xf, v1  }
0x27e: {  	s21 =	smov.u32 @p2 s0;
	s29 =	smov.u32 @p2 s2;
	s25 =	smov.u32 @p2 s1;
	v1 =	vld.msk @!p2 [tilespmem:s24+$0x0], $0xf  }
.LBB2_16:
0x27f: {  	_ =	sdelay $0x3  }
0x280: {  	s22 =	sadd.s32 $0x1, s22;
	[tilespmem:s30+$0x28] =	vst.add.f32.msk @!p2 $0xf, v1  }
0x281: {  	v1 =	vld.msk [tilespmem:s22+$0x0], $0x1;
	_ =	sdelay $0x4  }
0x282: {  	(v2sf) =	vpush v1, $0x0;
	_ =	sdelay $0xe  }
0x283: {  	s0 =	smov.u32 s26;
	s26 =	spop (v2sf)  }
0x284: {  	p2 =	sne.s32 s0, s26  }
0x285: {  	p5 =	sne.s32 @p2 s0, s23  }
0x286: {  	s4 =	sshll.u32 @!p2 s21, $0x6;
	p4 =	por !p5, !p2  }
0x287: {  	s30 =	sshra.s32 @!p2 s4, $0x2;
	s4 =	sshll.u32 @!p4 s25, $0x6  }
0x288: {  	s4 =	sshra.s32 @!p4 s4, $0x2  }
0x289: {  	p1 =	sgt.u32 @!p4 s0, $0x17F;
	v1 =	vld.msk @!p4 [tilespmem:s4+$0x1B38], $0xf  }
0x28a: {  	s31 =	sshll.u32 @!p4 s21, $0x6;
	p6 =	por @p2 p1, !p5;
	p1 =	por @p2 !p1, !p5  }
0x28b: {  	s8 =	simm.s32 @!p4 $0x0;
	s31 =	sshra.s32 @!p4 s31, $0x2;
	p1 =	por !p1, !p2  }
0x28c: {  	p5 =	por p5, !p2;
	s8 =	simm.s32 @!p1 $0x10;
	p1 =	por p6, !p2  }
0x28d: {  	s4 =	sadd.s32 @!p4 $0x28, s31;
	s13 =	sshll.u32 @!p5 s21, $0x6;
	s10 =	sand.u32 @!p1 $0x1F8, s0  }
0x28e: {  	s13 =	sshra.s32 @!p5 s13, $0x2;
	s0 =	sand.u32 @!p1 $0x7, s0;
	s10 =	sadd.s32 @!p1 s3, s10;
	[tilespmem:s31+$0x28] =	vst.add.f32.msk @!p4 $0xf, v1  }
0x28f: {  	[hbm4b:s10+s0] =	stream.linear.scatter @!p1 [tilespmem:s4], [sflag:$0xC], $0x4, $0x38;
	[tilespmem:$0x1F0F8] =	vst v63  }
0x290: {  	s1 =	rddreg [dreg:$0x4];
	s0 =	sadd.s32 @!p5 $0x28, s13;
	s4 =	simm.s32 @!p5 $0x1  }
0x291: {  	[spmem:s1] =	stream.linear.scatter @!p5 [tilespmem:s0], [sflag:$0x1], $0x4, $0x38;
	[tilespmem:$0x1F0F8] =	vst v63  }
0x292: {  	s2 =	sadd.s32 @p2 $0x1, s21;
	_ =	swait.ge @!p5 [sflag:s4], $0x4  }
0x293: {  	s5 =	sshrl.u32 @p2 s2, $0x4;
	[sflag:s4] =	ssyncset.done @!p5 $0x0  }
0x294: {  	s24 =	sadd.s32 $0x80, s24;
	s5 =	smulhi.u32 @p2 $0x97B425F, s5;
	[sflag:s4] =	ssyncadd.s32 @!p5 $0xFFFFFFFC  }
0x295: {  	s28 =	sadd.s32 $0x1, s28;
	v1 =	vld.msk @p2 [tilespmem:s24+$0x0], $0xf  }
0x296: {  	p3 =	seq.s32 s28, $0x0;
	s5 =	smul.u32 @p2 $0x1B0, s5  }
.Ltmp16:
0x297: {  	_ = 	snop;
	(pc) =	sbr.rel @!p3 .LBB2_16-.Ltmp16, $4  }
0x298: {  	s2 =	ssub.s32 @p2 s2, s5  }
0x299: {  	s8 =	sadd.s32 @!p4 s8, s29;
	s5 =	sshll.u32 @p2 s2, $0x4  }
0x29a: {  	s9 =	sadd.s32 @p2 $0x1, s25;
	s8 =	smov.u32 @p4 s29;
	[tilespmem:s5+$0x28] =	vst.msk @p2 $0xf, v1  }
0x29b: {  	s25 =	smov.u32 @p2 s9;
	s21 =	smov.u32 @p2 s2;
	s29 =	smov.u32 @p2 s8;
	v1 =	vld.msk @!p2 [tilespmem:s24+$0x0], $0xf  }
.LBB2_17:
.Ltmp17:
0x29c: {  	_ = 	snop;
	(pc) =	sbr.rel .LBB2_19-.Ltmp17, $3  }
0x29d: {  	s1 =	sld [smem:$0x7FD];
	_ =	sdelay $0x1  }
0x29e: {  	s0 =	sshrl.u32 s29, $0x2;
	s28 =	smov.u32 s26  }
0x29f: {  	s4 =	smov.u32 s6;
	s6 =	rddreg [dreg:$0x6];
	p4 =	seq.s32 s1, $0x1;
	[tilespmem:s30+$0x28] =	vst.add.f32.msk @!p2 $0xf, v1  }
.LBB2_21:
0x2a0: {  	_ =	sfence.sel $0x180000  }
0x2a1: {  	s0 =	simm.s32 $0x9;
	[bflag:$0x0] =	sbarrier.arrive $0xFFFF  }
0x2a2: {  	s24 =	simm.s32 $0xA;
	[sflag:s0] =	ssyncpa.u1 $0x1  }
0x2a3: {  	s25 =	simm.s32 $0xB;
	[sflag:s24] =	ssyncpa.u1 $0x1  }
0x2a4: {  	s26 =	simm.s32 $0x2;
	[sflag:s25] =	ssyncpa.u1 $0x1  }
0x2a5: {  	[sflag:s26] =	ssyncpa.u1 $0x1  }
0x2a6: {  	v0 =	vld [tilespmem:$0x3648];
	_ =	sdelay $0x4  }
0x2a7: {  	(v2sf) =	vpush v0, $0x0  }
0x2a8: {  	(v2sf) =	vpush v0, $0x1;
	_ =	sdelay $0x1  }
0x2a9: {  	(v2sf) =	vpush v0, $0x2;
	_ =	sdelay $0xb  }
0x2aa: {  	s0 =	spop (v2sf)  }
0x2ab: {  	s1 =	spop (v2sf)  }
0x2ac: {  	s2 =	smov.u32 s0;
	p0 =	sne.s32 s0, s1  }
0x2ad: {  	s4 =	spop (v2sf);
	s2 =	simm.s32 @!p0 $0xFFFFFFFF  }
0x2ae: {  	v2 =	vimm.s32 $0x1;
	v3 =	vlaneseq.u32;
	p0 =	seq.s32 s4, $0xFFFFFFFF;
	v1 =	vmov s2  }
0x2af: {  	s16 =	stileid.u32;
	v0 =	vperm.xlane v0, v2;
	p1 =	sne.s32 @!p0 s0, s1;
	v1 =	vperm.xlane v1, v3  }
0x2b0: {  	vm0 =	vcmask $0x3F04;
	s6 =	simm.s32 $0x3648;
	s0 =	simm.s32 @!p0 $0x1;
	p1 =	por !p1, p0  }
0x2b1: {  	s2 =	sshll.u32 s16, $0x1;
	s1 =	sshll.u32 @!p0 s4, $0x6;
	s0 =	simm.s32 @p1 $0x0;
	v0 =	vsel vm0, v1, v0  }
0x2b2: {  	s5 =	sor.u32 $0x200, s2;
	s1 =	sshra.s32 @!p0 s1, $0x2;
	s0 =	sor.u32 @!p0 s0, s2;
	[tilespmem:$0x3648] =	vst v0  }
0x2b3: {  	[spmem:s5] =	stream.linear.scatter [tilespmem:s6], [sflag:$0x1], $0x2, $0x38;
	[tilespmem:$0x1F0F8] =	vst v63  }
0x2b4: {  	s1 =	sadd.s32 @!p0 $0x28, s1;
	s0 =	sshll.u32 @!p0 s0, $0x4  }
0x2b5: {  	[spmem:s0] =	stream.linear.scatter @!p0 [tilespmem:s1], [sflag:$0x1], $0x10, $0x38;
	[tilespmem:$0x1F0F8] =	vst v63  }
0x2b6: {  	s0 =	simm.s32 @!p0 $0x12  }
0x2b7: {  	s28 =	simm.s32 $0x1;
	s0 =	simm.s32 @p0 $0x2  }
0x2b8: {  	_ =	swait.ge [sflag:s28], s0  }
0x2b9: {  	s0 =	ssub.s32 $0x0, s0;
	[sflag:s28] =	ssyncset.done $0x0  }
0x2ba: {  	p0 =	sne.s32 s16, $0x0;
	[sflag:s28] =	ssyncadd.s32 s0  }
.Ltmp18:
0x2bb: {  	_ =	sfence.stream.spmem;
	(pc) =	sbr.rel @p0 .LBB2_38-.Ltmp18, $4  }
0x2bc: {  	s29 =	simm.s32 $0x3;
	[bflag:$0x0] =	sbarrier.arrive $0xFFFF  }
0x2bd: {  	s30 =	simm.s32 $0x4;
	[sflag:s29] =	ssyncpa.u1 $0x1  }
0x2be: {  	s31 =	simm.s32 $0x3C;
	[sflag:s30] =	ssyncpa.u1 $0x1  }
0x2bf: {  	s17 =	rddreg [dreg:$0x5];
	[sflag:s31] =	ssyncpa.u1 $0x1  }
0x2c0: {  	_ =	sfence.stream.spmem;
	s0 =	simm.s32 $0x5  }
0x2c1: {  	s1 =	simm.s32 $0x200;
	s2 =	simm.s32 $0x3658;
	[sflag:s0] =	ssyncpa.u1 $0x0  }
0x2c2: {  	[tilespmem:s2], [sflag:$0x5] =	stream.linear.gather [spmem:s1], $0x20, $0x38;
	[tilespmem:$0x1F0F8] =	vst v63  }
0x2c3: {  	s26 =	simm.s32 $0x0;
	s28 =	simm.s32 $0x3678  }
0x2c4: {  	[tilespmem:s28], [sflag:$0x5] =	stream.linear.gather [spmem:s26], $0x200, $0x38;
	[tilespmem:$0x1F0F8] =	vst v63  }
0x2c5: {  	_ =	swait.ge [sflag:s0], $0x220  }
0x2c6: {  	[sflag:s0] =	ssyncset.done $0x0  }
0x2c7: {  	s29 =	simm.s32 $0x0;
	[sflag:s0] =	ssyncadd.s32 $0xFFFFFDE0  }
0x2c8: {  	v0 =	vld.msk [tilespmem:s29+$0x3658], $0x1;
	_ =	sdelay $0x1  }
0x2c9: {  	s30 =	simm.s32 $0x1  }
0x2ca: {  	v1 =	vld.msk [tilespmem:s30+$0x3658], $0x1;
	_ =	sdelay $0x1  }
0x2cb: {  	(v2sf) =	vpush v0, $0x0;
	_ =	sdelay $0x2  }
0x2cc: {  	(v2sf) =	vpush v1, $0x0;
	_ =	sdelay $0x2  }
0x2cd: {  	s31 =	simm.s32 $0x2  }
0x2ce: {  	v0 =	vld.msk [tilespmem:s31+$0x3658], $0x1;
	_ =	sdelay $0x2  }
0x2cf: {  	s6 =	simm.s32 $0xFFFFFFFF;
	s1 =	simm.s32 $0xFFFFFFFF;
	s0 =	simm.s32 $0xC  }
.LBB2_23:
0x2d0: {  	s2 =	smov.u32 s6;
	s4 =	smov.u32 s1  }
0x2d1: {  	s1 =	sshra.s32 s0, $0x2;
	p1 =	sne.s32 s0, $0x7C;
	s0 =	sadd.s32 $0x4, s0;
	(v2sf) =	vpush v0, $0x0  }
0x2d2: {  	v0 =	vld.msk [tilespmem:s1+$0x3658], $0x1  }
.Ltmp19:
0x2d3: {  	(pc) =	sbr.rel @p1 .LBB2_23-.Ltmp19, $4  }
0x2d4: {  	s6 =	spop (v2sf)  }
0x2d5: {  	p2 =	sne.s32 s4, $0xFFFFFFFF;
	s1 =	smov.u32 s6  }
0x2d6: {  	p3 =	seq.s32 s6, $0xFFFFFFFF;
	s1 =	smov.u32 @p2 s4  }
0x2d7: {  	s6 =	smov.u32 @p3 s2;
	s1 =	smov.u32 @p3 s4  }
0x2d8: {  	(v2sf) =	vpush v0, $0x0;
	_ =	sdelay $0x8  }
0x2d9: {  	s0 =	spop (v2sf)  }
0x2da: {  	p1 =	sne.s32 s1, $0xFFFFFFFF;
	s2 =	smov.u32 s0  }
0x2db: {  	s9 =	simm.s32 $0x6;
	p2 =	seq.s32 s0, $0xFFFFFFFF;
	s2 =	smov.u32 @p1 s1  }
0x2dc: {  	s10 =	simm.s32 $0x3638;
	s2 =	smov.u32 @p2 s1;
	s1 =	spop (v2sf)  }
0x2dd: {  	s0 =	smov.u32 @p2 s6;
	p1 =	sne.s32 s2, $0xFFFFFFFF;
	s4 =	smov.u32 s1  }
.Ltmp20:
0x2de: {  	p2 =	seq.s32 s1, $0xFFFFFFFF;
	s4 =	smov.u32 @p1 s2;
	(pc) =	sbr.rel .LBB2_25-.Ltmp20, $4  }
0x2df: {  	s11 =	simm.s32 $0x0;
	s4 =	smov.u32 @p2 s2;
	s7 =	spop (v2sf)  }
0x2e0: {  	[sflag:s9] =	ssyncpa.u1 $0x0;
	p1 =	sne.s32 s4, $0xFFFFFFFF;
	s8 =	smov.u32 s7  }
0x2e1: {  	s1 =	smov.u32 @p2 s0;
	p2 =	seq.s32 s7, $0xFFFFFFFF;
	s8 =	smov.u32 @p1 s4  }
0x2e2: {  	s6 =	simm.s32 $0x0;
	s7 =	smov.u32 @p2 s1;
	s8 =	smov.u32 @p2 s4  }
.LBB2_30:
0x2e3: {  	p1 =	sgt.u32 s12, $0x17F  }
0x2e4: {  	p2 =	seq.s32 @!p1 s12, s8  }
0x2e5: {  	p1 =	por p1, p2  }
0x2e6: {  	p2 =	sne.s32 @!p1 s12, s7  }
0x2e7: {  	p1 =	por p1, !p2  }
0x2e8: {  	s0 =	sshll.u32 @p1 s11, $0x6  }
0x2e9: {  	s0 =	sand.u32 @!p1 $0x1F8, s12  }
0x2ea: {  	s1 =	sand.u32 @!p1 $0x7, s12;
	s0 =	sadd.s32 @!p1 s3, s0  }
0x2eb: {  	[tilespmem:s10], [sflag:$0x6] =	stream.linear.gather @!p1 [hbm4b:s0+s1], $0x4, $0x38;
	[tilespmem:$0x1F0F8] =	vst v63  }
0x2ec: {  	_ =	swait.ge @!p1 [sflag:s9], $0x4  }
0x2ed: {  	[sflag:s9] =	ssyncset.done @!p1 $0x0  }
0x2ee: {  	[sflag:s9] =	ssyncadd.s32 @!p1 $0xFFFFFFFC  }
0x2ef: {  	v1 =	vld @!p1 [tilespmem:$0x3638];
	_ =	sdelay $0x2  }
0x2f0: {  	s0 =	sshll.u32 @!p1 s11, $0x6  }
0x2f1: {  	s1 =	sshrl.u32 @!p1 s0, $0x2  }
0x2f2: {  	[tilespmem:s1+$0x3678] =	vst.add.f32.msk @!p1 $0xffff, v1  }
0x2f3: {  	s0 =	sshrl.u32 s0, $0x2;
	[tilespmem:s6+$0x3658] =	vst.msk $0x1, v0  }
0x2f4: {  	v0 =	vld [tilespmem:s0+$0x3678];
	_ =	sdelay $0x2  }
0x2f5: {  	s31 =	sshll.u32 s6, $0x6  }
0x2f6: {  	s0 =	sshra.s32 s31, $0x2  }
0x2f7: {  	s6 =	sadd.s32 $0x1, s6;
	[tilespmem:s0+$0x3678] =	vst v0  }
.LBB2_32:
0x2f8: {  	s11 =	sadd.s32 $0x1, s11  }
0x2f9: {  	p1 =	sne.s32 s11, $0x20  }
.Ltmp21:
0x2fa: {  	_ = 	snop;
	(pc) =	sbr.rel @!p1 .LBB2_33-.Ltmp21, $1  }
0x2fb: {  	_ =	sdelay $0x3  }
.LBB2_25:
0x2fc: {  	v0 =	vld.msk [tilespmem:s11+$0x3658], $0x1;
	_ =	sdelay $0x4  }
0x2fd: {  	(v2sf) =	vpush v0, $0x0;
	_ =	sdelay $0xe  }
0x2fe: {  	s12 =	spop (v2sf)  }
0x2ff: {  	p1 =	seq.s32 s12, $0xFFFFFFFF  }
.Ltmp22:
0x300: {  	_ = 	snop;
	(pc) =	sbr.rel @p1 .LBB2_32-.Ltmp22, $1  }
0x301: {  	_ =	sdelay $0x3  }
0x302: {  	p1 =	slt.s32 s6, $0x1  }
.Ltmp23:
0x303: {  	_ = 	snop;
	(pc) =	sbr.rel @p1 .LBB2_30-.Ltmp23, $1  }
0x304: {  	_ =	sdelay $0x3  }
0x305: {  	s13 =	simm.s32 $0x3658;
	p1 =	por $0x0, $0x0  }
0x306: {  	v1 =	vld.msk @!p1 [tilespmem:s13+$0x0], $0x1;
	_ =	sdelay $0x4  }
0x307: {  	(v2sf) =	vpush @!p1 v1, $0x0;
	_ =	sdelay $0xd  }
0x308: {  	p3 =	sne.s32 s6, $0x1  }
.Ltmp24:
0x309: {  	s0 =	spop @!p1 (v2sf);
	(pc) =	sbr.rel @!p3 .LBB2_29-.Ltmp24, $4  }
0x30a: {  	p2 =	seq.s32 @!p1 s12, s0  }
0x30b: {  	s14 =	simm.s32 $0x0;
	p2 =	por !p2, p1  }
0x30c: {  	s0 =	simm.s32 $0xFFFFFFFF;
	s14 =	simm.s32 @p2 $0xFFFFFFFF  }
0x30d: {  	s15 =	simm.s32 $0x1;
	s14 =	smov.u32 @p1 s0  }
.LBB2_28:
0x30e: {  	s0 =	smov.u32 s14;
	p1 =	sne.s32 s14, $0xFFFFFFFF  }
0x30f: {  	s13 =	sadd.s32 $0x1, s13;
	s14 =	smov.u32 s15;
	s15 =	sadd.s32 $0x1, s15  }
0x310: {  	p2 =	sne.s32 s6, s15;
	v1 =	vld.msk @!p1 [tilespmem:s13+$0x0], $0x1;
	_ =	sdelay $0x4  }
0x311: {  	(v2sf) =	vpush @!p1 v1, $0x0;
	_ =	sdelay $0xe  }
.Ltmp25:
0x312: {  	s1 =	spop @!p1 (v2sf);
	(pc) =	sbr.rel @p2 .LBB2_28-.Ltmp25, $4  }
0x313: {  	p3 =	seq.s32 @!p1 s12, s1  }
0x314: {  	p3 =	por !p3, p1  }
0x315: {  	s14 =	simm.s32 @p3 $0xFFFFFFFF  }
0x316: {  	s14 =	smov.u32 @p1 s0  }
.LBB2_29:
0x317: {  	p1 =	sne.s32 s14, $0xFFFFFFFF  }
.Ltmp26:
0x318: {  	_ = 	snop;
	(pc) =	sbr.rel @!p1 .LBB2_30-.Ltmp26, $1  }
0x319: {  	_ =	sdelay $0x3  }
0x31a: {  	s0 =	sshll.u32 s11, $0x4  }
0x31b: {  	s0 =	sand.u32 $0x3FFFFFF0, s0  }
0x31c: {  	v0 =	vld [tilespmem:s0+$0x3678]  }
.Ltmp27:
0x31d: {  	_ = 	snop;
	(pc) =	sbr.rel .LBB2_32-.Ltmp27, $4  }
0x31e: {  	_ = 	snop  }
0x31f: {  	s31 =	sshll.u32 s14, $0x6  }
0x320: {  	s0 =	sshra.s32 s31, $0x2  }
0x321: {  	[tilespmem:s0+$0x3678] =	vst.add.f32.msk $0xffff, v0  }
.LBB2_33:
0x322: {  	s0 =	simm.s32 $0x6;
	p1 =	seq.s32 s6, $0x0  }
0x323: {  	[sflag:s0] =	ssyncpa.u1 $0x1;
	v0 =	vimm.s32 @p1 $0xFFFFFFFF  }
0x324: {  	s9 =	sadd.s32 $0xFFFFFFFF, s6;
	[tilespmem:$0x3878] =	vst @p1 v0  }
0x325: {  	v0 =	vld.msk @!p1 [tilespmem:s9+$0x3658], $0x1;
	_ =	sdelay $0x1  }
0x326: {  	v1 =	vld.msk @!p1 [tilespmem:$0x3658], $0x1;
	_ =	sdelay $0x2  }
0x327: {  	p2 =	seq.s32 @!p1 s9, $0x0;
	v0 =	vbroadcast @!p1 v0, $0x0  }
0x328: {  	vm0 =	vmmov @!p1 $0x1;
	p2 =	por !p2, p1  }
0x329: {  	v1 =	vnsel @!p1 vm0, $0xFFFFFFFF, v1;
	vm0 =	vcmask @!p1 $0x308;
	v0 =	vpsel !p2, $0xFFFFFFFF, v0  }
0x32a: {  	p2 =	sne.s32 @!p1 s8, s7;
	v0 =	vsel @!p1 vm0, v1, v0  }
0x32b: {  	s0 =	simm.s32 @!p1 $0x3678;
	s1 =	simm.s32 @!p1 $0x0;
	p3 =	por !p2, p1;
	[tilespmem:$0x3878] =	vst @!p1 v0  }
0x32c: {  	[spmem:s1] =	stream.linear.scatter @!p1 [tilespmem:s0], [sflag:$0x1], $0x10, $0x38;
	[tilespmem:$0x1F0F8] =	vst v63  }
0x32d: {  	s0 =	sshll.u32 @!p3 s9, $0x6  }
0x32e: {  	s0 =	sshra.s32 @!p3 s0, $0x2  }
0x32f: {  	s1 =	simm.s32 @!p3 $0x10;
	s0 =	sadd.s32 @!p3 $0x3678, s0  }
0x330: {  	[spmem:s1] =	stream.linear.scatter @!p3 [tilespmem:s0], [sflag:$0x1], $0x10, $0x38;
	[tilespmem:$0x1F0F8] =	vst v63  }
0x331: {  	s0 =	simm.s32 @!p3 $0x1  }
0x332: {  	_ =	swait.ge @!p3 [sflag:s0], $0x20  }
0x333: {  	p1 =	por p2, p1;
	[sflag:s0] =	ssyncset.done @!p3 $0x0  }
0x334: {  	[sflag:s0] =	ssyncadd.s32 @!p3 $0xFFFFFFE0;
	s0 =	simm.s32 @!p1 $0x1  }
0x335: {  	_ =	swait.ge @!p1 [sflag:s0], $0x10  }
0x336: {  	s29 =	simm.s32 $0x3878;
	[sflag:s0] =	ssyncset.done @!p1 $0x0  }
0x337: {  	s30 =	simm.s32 $0x200;
	s31 =	simm.s32 $0x1;
	[sflag:s0] =	ssyncadd.s32 @!p1 $0xFFFFFFF0  }
0x338: {  	[spmem:s30] =	stream.linear.scatter [tilespmem:s29], [sflag:$0x1], $0x10, $0x38;
	[tilespmem:$0x1F0F8] =	vst v63  }
0x339: {  	_ =	swait.ge [sflag:s31], $0x10  }
0x33a: {  	[sflag:s31] =	ssyncset.done $0x0  }
0x33b: {  	p1 =	seq.s32 s17, $0x0;
	s8 =	rddreg [dreg:$0x1];
	[sflag:s31] =	ssyncadd.s32 $0xFFFFFFF0  }
0x33c: {  	s1 =	sshll.u32 @p1 s8, $0xE;
	s7 =	rddreg [dreg:$0x2]  }
0x33d: {  	s0 =	sadd.s32 @p1 $0x15C3C, s1;
	s1 =	sshll.u32 @p1 s7, $0x11  }
0x33e: {  	_ =	sfence.stream.spmem;
	s0 =	sor.u32 @p1 s1, s0  }
0x33f: {  	[sflag:s0] =	ssyncadd.remote.s32 @p1 $0x1;
	s0 =	simm.s32 @p1 $0x4  }
0x340: {  	s2 =	simm.s32 @!p1 $0x3C;
	s1 =	sand.u32 $0xFFFFFFFE, s8;
	_ =	swait.ge @p1 [sflag:s0], $0x6  }
0x341: {  	s4 =	simm.s32 @!p1 $0x0;
	s1 =	sadd.s32 @!p1 $0x4, s1;
	[sflag:s0] =	ssyncset.done @p1 $0x0  }
0x342: {  	s5 =	simm.s32 @!p1 $0x20;
	[sflag:s0] =	ssyncadd.s32 @p1 $0xFFFFFFFA;
	s0 =	sshll.u32 @!p1 s1, $0x1A  }
0x343: {  	s1 =	sshll.u32 @!p1 s1, $0xD;
	s0 =	sor.u32 @!p1 s0, s7;
	_ =	swait.eq @!p1 [sflag:s2], $0x1  }
0x344: {  	s1 =	sor.u32 @!p1 $0x1C04, s1;
	s2 =	simm.s32 @!p1 $0x1C03;
	s0 =	sor.u32 @!p1 $0x80004000, s0  }
0x345: {  	[spmem:s5], [sflag:s1] =	dma.general @!p1 [spmem:s4], [sflag:s2], length:$0x4, [dreg:$0x0], stride_count:$0x0, ici_dest:s0, dma_misc:DstOpCode:WRITE  }
0x346: {  	p2 =	slt.s32 s9, $0x2;
	s4 =	simm.s32 @!p1 $0x40;
	s5 =	simm.s32 @!p1 $0x42  }
0x347: {  	[spmem:s5], [sflag:s1] =	dma.general @!p1 [spmem:s4], [sflag:s2], length:$0x2, [dreg:$0x0], stride_count:$0x0, ici_dest:s0, dma_misc:DstOpCode:WRITE  }
.Ltmp28:
0x348: {  	s0 =	simm.s32 @!p1 $0x3;
	(pc) =	sbr.rel @p2 .LBB2_37-.Ltmp28, $4  }
0x349: {  	s1 =	sshll.u32 @!p1 s8, $0xE;
	_ =	swait.ge @!p1 [sflag:s0], $0x6  }
0x34a: {  	s2 =	sshll.u32 @!p1 s7, $0x11;
	s1 =	sadd.s32 @!p1 $0x11C3C, s1;
	[sflag:s0] =	ssyncset.done @!p1 $0x0  }
0x34b: {  	[sflag:s0] =	ssyncadd.s32 @!p1 $0xFFFFFFFA;
	s0 =	sor.u32 @!p1 s2, s1  }
0x34c: {  	[sflag:s0] =	ssyncadd.remote.s32 @!p1 $0xFFFFFFFF;
	s0 =	simm.s32 $0x0  }
0x34d: {  	s0 =	simm.s32 $0x3659  }
0x34e: {  	v0 =	vld.msk [tilespmem:s0+$0x0], $0x1;
	_ =	sdelay $0x4  }
0x34f: {  	(v2sf) =	vpush v0, $0x0;
	_ =	sdelay $0xd  }
0x350: {  	s2 =	sadd.s32 $0xFFFFFFFE, s6  }
0x351: {  	s2 =	sadd.s32 $0xFFFFFFFF, s2;
	s0 =	spop (v2sf)  }
0x352: {  	p2 =	sne.s32 s2, $0x0;
	p1 =	sgt.u32 s0, $0x17F  }
.Ltmp29:
0x353: {  	s4 =	sand.u32 @!p1 $0x1F8, s0;
	(pc) =	sbr.rel @!p2 .LBB2_36-.Ltmp29, $4  }
0x354: {  	s1 =	simm.s32 $0x3688;
	s0 =	sand.u32 @!p1 $0x7, s0;
	s4 =	sadd.s32 @!p1 s3, s4  }
0x355: {  	[hbm4b:s4+s0] =	stream.linear.scatter @!p1 [tilespmem:s1], [sflag:$0x5], $0x4, $0x38;
	[tilespmem:$0x1F0F8] =	vst v63  }
0x356: {  	s0 =	simm.s32 $0x0  }
0x357: {  	s6 =	simm.s32 $0x0;
	s7 =	simm.s32 $0x365A;
	s0 =	simm.s32 @!p1 $0x10  }
.LBB2_35:
0x358: {  	v0 =	vld.msk [tilespmem:s7+$0x0], $0x1;
	s2 =	sadd.s32 $0xFFFFFFFF, s2;
	s6 =	sadd.s32 s6, s0  }
0x359: {  	p1 =	sne.s32 s2, $0x0;
	_ =	sdelay $0x3  }
0x35a: {  	(v2sf) =	vpush v0, $0x0;
	_ =	sdelay $0xe  }
.Ltmp30:
0x35b: {  	s4 =	spop (v2sf);
	(pc) =	sbr.rel @p1 .LBB2_35-.Ltmp30, $4  }
0x35c: {  	s0 =	simm.s32 $0x0;
	p2 =	sgt.u32 s4, $0x17F  }
0x35d: {  	s1 =	sadd.s32 $0x10, s1;
	s0 =	simm.s32 @!p2 $0x10;
	s5 =	sand.u32 @!p2 $0x1F8, s4  }
0x35e: {  	s7 =	sadd.s32 $0x1, s7;
	s4 =	sand.u32 @!p2 $0x7, s4;
	s5 =	sadd.s32 @!p2 s3, s5  }
0x35f: {  	[hbm4b:s5+s4] =	stream.linear.scatter @!p2 [tilespmem:s1], [sflag:$0x5], $0x4, $0x38;
	[tilespmem:$0x1F0F8] =	vst v63  }
.LBB2_36:
0x360: {  	s0 =	sadd.s32 s6, s0  }
0x361: {  	s0 =	sshrl.u32 s0, $0x2  }
.LBB2_37:
0x362: {  	s1 =	simm.s32 $0x5  }
0x363: {  	_ =	swait.ge [sflag:s1], s0  }
0x364: {  	s31 =	ssub.s32 $0x0, s0;
	[sflag:s1] =	ssyncset.done $0x0  }
0x365: {  	[sflag:s1] =	ssyncadd.s32 s31  }
0x366: {  	[sflag:s1] =	ssyncpa.u1 $0x1  }
.LBB2_38:
0x367: {  	s0 =	sor.u32 s17, s16  }
0x368: {  	p1 =	sne.s32 s0, $0x0  }
.Ltmp31:
0x369: {  	_ = 	snop;
	(pc) =	sbr.rel @p1 .LBB2_53-.Ltmp31, $3  }
0x36a: {  	_ =	sdelay $0x1  }
0x36b: {  	[bflag:$0x0] =	sbarrier.arrive $0xFFFF  }
0x36c: {  	_ =	sfence  }
0x36d: {  	s0 =	simm.s32 $0x7  }
0x36e: {  	s1 =	simm.s32 $0x200;
	s2 =	simm.s32 $0x3658;
	[sflag:s0] =	ssyncpa.u1 $0x0  }
0x36f: {  	[tilespmem:s2], [sflag:$0x7] =	stream.linear.gather [spmem:s1], $0x20, $0x38;
	[tilespmem:$0x1F0F8] =	vst v63  }
0x370: {  	s30 =	simm.s32 $0x3678;
	s1 =	simm.s32 $0x0  }
0x371: {  	[tilespmem:s30], [sflag:$0x7] =	stream.linear.gather [spmem:s1], $0x200, $0x38;
	[tilespmem:$0x1F0F8] =	vst v63  }
.Ltmp32:
0x372: {  	_ = 	snop;
	(pc) =	sbr.rel .LBB2_40-.Ltmp32, $4  }
0x373: {  	_ =	swait.ge [sflag:s0], $0x220  }
0x374: {  	[sflag:s0] =	ssyncset.done $0x0  }
0x375: {  	s31 =	simm.s32 $0x8;
	[sflag:s0] =	ssyncadd.s32 $0xFFFFFDE0  }
0x376: {  	s2 =	simm.s32 $0x0;
	[sflag:s31] =	ssyncpa.u1 $0x0  }
.LBB2_45:
0x377: {  	p1 =	slt.u32 s4, $0x180  }
0x378: {  	s0 =	sand.u32 @p1 $0x1F8, s4  }
0x379: {  	s4 =	sand.u32 @p1 $0x7, s4;
	s5 =	simm.s32 @p1 $0x3638;
	s0 =	sadd.s32 @p1 s3, s0  }
0x37a: {  	[tilespmem:s5], [sflag:$0x8] =	stream.linear.gather @p1 [hbm4b:s0+s4], $0x4, $0x38;
	[tilespmem:$0x1F0F8] =	vst v63  }
0x37b: {  	s0 =	simm.s32 @p1 $0x8  }
0x37c: {  	_ =	swait.ge @p1 [sflag:s0], $0x4  }
0x37d: {  	[sflag:s0] =	ssyncset.done @p1 $0x0  }
0x37e: {  	[sflag:s0] =	ssyncadd.s32 @p1 $0xFFFFFFFC  }
0x37f: {  	v1 =	vld @p1 [tilespmem:$0x3638];
	_ =	sdelay $0x2  }
0x380: {  	s0 =	sshll.u32 @p1 s2, $0x6  }
0x381: {  	s5 =	sshll.u32 @!p1 s2, $0x6;
	s4 =	sshrl.u32 @p1 s0, $0x2  }
0x382: {  	s5 =	smov.u32 @p1 s0;
	[tilespmem:s4+$0x3678] =	vst.add.f32.msk @p1 $0xffff, v1  }
0x383: {  	s0 =	sshrl.u32 s5, $0x2;
	[tilespmem:s1+$0x3658] =	vst.msk $0x1, v0  }
0x384: {  	v0 =	vld [tilespmem:s0+$0x3678];
	_ =	sdelay $0x2  }
0x385: {  	s31 =	sshll.u32 s1, $0x6  }
0x386: {  	s0 =	sshra.s32 s31, $0x2  }
0x387: {  	s1 =	sadd.s32 $0x1, s1;
	[tilespmem:s0+$0x3678] =	vst v0  }
.LBB2_47:
0x388: {  	s2 =	sadd.s32 $0x1, s2  }
0x389: {  	p1 =	sne.s32 s2, $0x20  }
.Ltmp33:
0x38a: {  	_ = 	snop;
	(pc) =	sbr.rel @!p1 .LBB2_48-.Ltmp33, $1  }
0x38b: {  	_ =	sdelay $0x3  }
.LBB2_40:
0x38c: {  	v0 =	vld.msk [tilespmem:s2+$0x3658], $0x1;
	_ =	sdelay $0x4  }
0x38d: {  	(v2sf) =	vpush v0, $0x0;
	_ =	sdelay $0xe  }
0x38e: {  	s4 =	spop (v2sf)  }
0x38f: {  	p1 =	seq.s32 s4, $0xFFFFFFFF  }
.Ltmp34:
0x390: {  	_ = 	snop;
	(pc) =	sbr.rel @p1 .LBB2_47-.Ltmp34, $1  }
0x391: {  	_ =	sdelay $0x3  }
0x392: {  	p1 =	slt.s32 s1, $0x1  }
.Ltmp35:
0x393: {  	_ = 	snop;
	(pc) =	sbr.rel @p1 .LBB2_45-.Ltmp35, $1  }
0x394: {  	_ =	sdelay $0x3  }
0x395: {  	s5 =	simm.s32 $0x3658;
	p1 =	por $0x0, $0x0  }
0x396: {  	v1 =	vld.msk @!p1 [tilespmem:s5+$0x0], $0x1;
	_ =	sdelay $0x4  }
0x397: {  	(v2sf) =	vpush @!p1 v1, $0x0;
	_ =	sdelay $0xd  }
0x398: {  	p3 =	sne.s32 s1, $0x1  }
.Ltmp36:
0x399: {  	s0 =	spop @!p1 (v2sf);
	(pc) =	sbr.rel @!p3 .LBB2_44-.Ltmp36, $4  }
0x39a: {  	p2 =	seq.s32 @!p1 s4, s0  }
0x39b: {  	s6 =	simm.s32 $0x0;
	p2 =	por !p2, p1  }
0x39c: {  	s0 =	simm.s32 $0xFFFFFFFF;
	s6 =	simm.s32 @p2 $0xFFFFFFFF  }
0x39d: {  	s7 =	simm.s32 $0x1;
	s6 =	smov.u32 @p1 s0  }
.LBB2_43:
0x39e: {  	s0 =	smov.u32 s6;
	p1 =	sne.s32 s6, $0xFFFFFFFF  }
0x39f: {  	s5 =	sadd.s32 $0x1, s5;
	s6 =	smov.u32 s7;
	s7 =	sadd.s32 $0x1, s7  }
0x3a0: {  	p2 =	sne.s32 s1, s7;
	v1 =	vld.msk @!p1 [tilespmem:s5+$0x0], $0x1;
	_ =	sdelay $0x4  }
0x3a1: {  	(v2sf) =	vpush @!p1 v1, $0x0;
	_ =	sdelay $0xe  }
.Ltmp37:
0x3a2: {  	s8 =	spop @!p1 (v2sf);
	(pc) =	sbr.rel @p2 .LBB2_43-.Ltmp37, $4  }
0x3a3: {  	p3 =	seq.s32 @!p1 s4, s8  }
0x3a4: {  	p3 =	por !p3, p1  }
0x3a5: {  	s6 =	simm.s32 @p3 $0xFFFFFFFF  }
0x3a6: {  	s6 =	smov.u32 @p1 s0  }
.LBB2_44:
0x3a7: {  	p1 =	sne.s32 s6, $0xFFFFFFFF  }
.Ltmp38:
0x3a8: {  	_ = 	snop;
	(pc) =	sbr.rel @!p1 .LBB2_45-.Ltmp38, $1  }
0x3a9: {  	_ =	sdelay $0x3  }
0x3aa: {  	s0 =	sshll.u32 s2, $0x4  }
0x3ab: {  	s0 =	sand.u32 $0x3FFFFFF0, s0  }
0x3ac: {  	v0 =	vld [tilespmem:s0+$0x3678]  }
.Ltmp39:
0x3ad: {  	_ = 	snop;
	(pc) =	sbr.rel .LBB2_47-.Ltmp39, $4  }
0x3ae: {  	_ = 	snop  }
0x3af: {  	s31 =	sshll.u32 s6, $0x6  }
0x3b0: {  	s0 =	sshra.s32 s31, $0x2  }
0x3b1: {  	[tilespmem:s0+$0x3678] =	vst.add.f32.msk $0xffff, v0  }
.LBB2_48:
0x3b2: {  	p1 =	slt.s32 s1, $0x1  }
.Ltmp40:
0x3b3: {  	_ = 	snop;
	(pc) =	sbr.rel @p1 .LBB2_52-.Ltmp40, $3  }
0x3b4: {  	_ =	sdelay $0x1  }
0x3b5: {  	s0 =	simm.s32 $0x8  }
0x3b6: {  	s2 =	simm.s32 $0x0;
	[sflag:s0] =	ssyncpa.u1 $0x1  }
0x3b7: {  	s0 =	simm.s32 $0x3658  }
0x3b8: {  	v0 =	vld.msk [tilespmem:s0+$0x0], $0x1;
	_ =	sdelay $0x4  }
0x3b9: {  	(v2sf) =	vpush v0, $0x0;
	_ =	sdelay $0xe  }
0x3ba: {  	s1 =	sadd.s32 $0xFFFFFFFF, s1;
	s0 =	spop (v2sf)  }
0x3bb: {  	p2 =	sne.s32 s1, $0x0;
	p1 =	sgt.u32 s0, $0x17F  }
.Ltmp41:
0x3bc: {  	s5 =	sand.u32 @!p1 $0x1F8, s0;
	(pc) =	sbr.rel @!p2 .LBB2_51-.Ltmp41, $4  }
0x3bd: {  	s4 =	simm.s32 $0x3678;
	s0 =	sand.u32 @!p1 $0x7, s0;
	s5 =	sadd.s32 @!p1 s3, s5  }
0x3be: {  	[hbm4b:s5+s0] =	stream.linear.scatter @!p1 [tilespmem:s4], [sflag:$0x7], $0x4, $0x38;
	[tilespmem:$0x1F0F8] =	vst v63  }
0x3bf: {  	s0 =	simm.s32 $0x0  }
0x3c0: {  	s5 =	simm.s32 $0x3659;
	s0 =	simm.s32 @!p1 $0x10  }
.LBB2_50:
0x3c1: {  	v0 =	vld.msk [tilespmem:s5+$0x0], $0x1;
	s1 =	sadd.s32 $0xFFFFFFFF, s1;
	s2 =	sadd.s32 s2, s0  }
0x3c2: {  	p1 =	sne.s32 s1, $0x0;
	_ =	sdelay $0x3  }
0x3c3: {  	(v2sf) =	vpush v0, $0x0;
	_ =	sdelay $0xe  }
.Ltmp42:
0x3c4: {  	s6 =	spop (v2sf);
	(pc) =	sbr.rel @p1 .LBB2_50-.Ltmp42, $4  }
0x3c5: {  	s0 =	simm.s32 $0x0;
	p2 =	sgt.u32 s6, $0x17F  }
0x3c6: {  	s4 =	sadd.s32 $0x10, s4;
	s0 =	simm.s32 @!p2 $0x10;
	s7 =	sand.u32 @!p2 $0x1F8, s6  }
0x3c7: {  	s5 =	sadd.s32 $0x1, s5;
	s6 =	sand.u32 @!p2 $0x7, s6;
	s7 =	sadd.s32 @!p2 s3, s7  }
0x3c8: {  	[hbm4b:s7+s6] =	stream.linear.scatter @!p2 [tilespmem:s4], [sflag:$0x7], $0x4, $0x38;
	[tilespmem:$0x1F0F8] =	vst v63  }
.LBB2_51:
0x3c9: {  	s0 =	sadd.s32 s2, s0  }
0x3ca: {  	s2 =	sshrl.u32 s0, $0x2  }
.LBB2_52:
0x3cb: {  	s0 =	simm.s32 $0x7  }
0x3cc: {  	_ =	swait.ge [sflag:s0], s2  }
0x3cd: {  	s1 =	ssub.s32 $0x0, s2;
	[sflag:s0] =	ssyncset.done $0x0  }
0x3ce: {  	[sflag:s0] =	ssyncadd.s32 s1  }
0x3cf: {  	[sflag:s0] =	ssyncpa.u1 $0x1  }
.LBB2_53:
0x3d0: {  	_ =	sfence;
	s0 =	simm.s32 $0x1  }
0x3d1: {  	[sflag:s0] =	ssyncpa.u1 $0x1  }
0x3d2: {  	_ =	strace $0x90000047  }
0x3d3: {  	[bflag:$0x2] =	sbarrier.arrive $0xFFFF  }
0x3d4: {  	s0 =	rddreg [dreg:$0x3]  }
0x3d5: {  	s0 =	sadd.s32 @!p0 $0x100000, s0  }
0x3d6: {  	[sflag:s0] =	ssyncadd.tile.s32 @!p0 $0x1;
	_ =	shalt  }
.Lfunc_end2:
_tile_overlayer_lowered:
.L_overlay_start_2:
0x3d7: {  	(tag) =	ssettag $0x2  }
0x3d8: {  	s0 =	rddreg [dreg:$0x0];
	s2 =	stileid.u32  }
0x3d9: {  	s1 =	rddreg [dreg:$0x1];
	p0 =	sne.s32 s2, $0x0  }
0x3da: {  	s3 =	rddreg [dreg:$0x2];
	[bflag:$0x3] =	sbarrier.arrive $0xFFFF;
	s2 =	simm.s32 @!p0 $0x1C01  }
0x3db: {  	[timem:s3], [sflag:s2] =	dma.local @!p0 [hbm:s0], s1  }
0x3dc: {  	s0 =	simm.s32 @!p0 $0x1  }
0x3dd: {  	_ =	swait.ge @!p0 [sflag:s0], s1  }
0x3de: {  	s1 =	ssub.s32 @!p0 $0x0, s1;
	[sflag:s0] =	ssyncset.done @!p0 $0x0  }
0x3df: {  	[sflag:s0] =	ssyncadd.s32 @!p0 s1  }
0x3e0: {  	[bflag:$0x3] =	sbarrier.arrive $0xFFFF  }
0x3e1: {  	_ =	shalt  }

</sc_bundles>
